<compile_context>
chip_gen: v7x
topology: tpu7x:2x2x1
jax: 0.10.2.dev20260603
libtpu: 0.0.44.dev20260713+nightly
codegen_flags: <defaults>
</compile_context>

<pallas_src>
import functools

import jax
import jax.numpy as jnp
from jax import lax
from jax.experimental import pallas as pl
from jax.experimental.pallas import tpu as pltpu
from jax.experimental.pallas import tpu_sc as plsc

_K = 128
_NT = 16
_W = 128
_NPAD = 10240
_EPAD = 163840


def _make_agg(edge_split):
    n_workers = 2 * _NT if edge_split else _NT
    cpt = _EPAD // _K // n_workers
    rpt = _NPAD // _NT
    mesh = plsc.VectorSubcoreMesh(core_axis_name="c", subcore_axis_name="s")

    @functools.partial(
        pl.kernel,
        mesh=mesh,
        out_type=jax.ShapeDtypeStruct((2 * _NPAD, _W), jnp.float32),
        scratch_types=[
            pltpu.VMEM((4, 2, _K), jnp.int32),
            pltpu.VMEM((2, _K, _W), jnp.float32),
            pltpu.VMEM_SHARED((_NPAD, _W), jnp.float32),
            pltpu.SemaphoreType.DMA,
            pltpu.SemaphoreType.DMA,
            pltpu.SemaphoreType.DMA,
        ],
    )
    def agg_kernel(h_hbm, z_hbm, idx_hbm, out_hbm, idxb, rows, acc,
                   isem, gsem, ssem):
        c = lax.axis_index("c")
        s = lax.axis_index("s")
        rsl = pl.ds(s * rpt, rpt)
        pltpu.sync_copy(z_hbm.at[rsl, :], acc.at[rsl, :])
        plsc.subcore_barrier()

        my_cpt = cpt
        cbase = (c * _NT + s) * cpt

        def ic(j, q):
            return pltpu.make_async_copy(idx_hbm.at[cbase + j], idxb.at[q],
                                         isem)

        def gat(q4, q2):
            return pltpu.make_async_copy(h_hbm.at[idxb.at[q4, 0]],
                                         rows.at[q2], gsem)

        def sca(q2, q4):
            return pltpu.make_async_copy(rows.at[q2], acc.at[idxb.at[q4, 1]],
                                         ssem)

        ic(0, 0).start()
        ic(0, 0).wait()
        ic(1, 1).start()
        gat(0, 0).start()

        def body(i, carry):
            q4 = lax.rem(i, 4)
            q2 = lax.rem(i, 2)
            q4n = lax.rem(i + 1, 4)
            q2n = lax.rem(i + 1, 2)
            q4nn = lax.rem(i + 2, 4)

            @pl.when(i + 1 < my_cpt)
            def _():
                ic(i + 1, q4n).wait()

                @pl.when(i >= 1)
                def _():
                    sca(q2n, q4n).wait()

                @pl.when(i + 2 < my_cpt)
                def _():
                    ic(i + 2, q4nn).start()

                gat(q4n, q2n).start()

            gat(q4, q2).wait()
            sca(q2, q4).start(add=True)
            return carry

        lax.fori_loop(0, my_cpt, body, 0)
        sca(0, 0).wait()
        sca(0, 0).wait()
        plsc.subcore_barrier()
        pltpu.sync_copy(acc.at[rsl, :],
                        out_hbm.at[pl.ds(c * _NPAD + s * rpt, rpt), :])

    return agg_kernel


def _make_deg():
    cpt = _EPAD // _K // (2 * _NT)
    rpt = _NPAD // _NT
    mesh = plsc.VectorSubcoreMesh(core_axis_name="c", subcore_axis_name="s")

    @functools.partial(
        pl.kernel,
        mesh=mesh,
        out_type=jax.ShapeDtypeStruct((2 * _NPAD, _W), jnp.float32),
        scratch_types=[
            pltpu.VMEM((4, 2, _K), jnp.int32),
            pltpu.VMEM((_K, _W), jnp.float32),
            pltpu.VMEM_SHARED((_NPAD, _W), jnp.float32),
            pltpu.SemaphoreType.DMA,
            pltpu.SemaphoreType.DMA,
        ],
    )
    def deg_kernel(idx_hbm, ones_hbm, zero_hbm, out_hbm, idxb, ones, acc,
                   isem, ssem):
        c = lax.axis_index("c")
        s = lax.axis_index("s")
        pltpu.sync_copy(zero_hbm.at[pl.ds(s * rpt, rpt), :],
                        acc.at[pl.ds(s * rpt, rpt), :])
        pltpu.sync_copy(ones_hbm, ones)
        plsc.subcore_barrier()
        cbase = (c * _NT + s) * cpt

        def ic(j, q):
            return pltpu.make_async_copy(idx_hbm.at[cbase + j], idxb.at[q],
                                         isem)

        def sca(q):
            return pltpu.make_async_copy(ones, acc.at[idxb.at[q, 1]], ssem)

        ic(0, 0).start()
        ic(1, 1).start()

        def body(i, carry):
            q4 = lax.rem(i, 4)
            q4nn = lax.rem(i + 2, 4)
            ic(i, q4).wait()

            @pl.when(i >= 2)
            def _():
                sca(q4nn).wait()

            @pl.when(i + 2 < cpt)
            def _():
                ic(i + 2, q4nn).start()

            sca(q4).start(add=True)
            return carry

        lax.fori_loop(0, cpt, body, 0)
        sca(0).wait()
        sca(0).wait()
        plsc.subcore_barrier()
        pltpu.sync_copy(acc.at[pl.ds(s * rpt, rpt), :],
                        out_hbm.at[pl.ds(c * _NPAD + s * rpt, rpt), :])

    return deg_kernel


_RB = 2048


def _tc_a_body(deg_ref, x_ref, w_ref, hp_ref, dinv_ref, *, n):
    r = pl.program_id(0)
    deg = deg_ref[0, :, 0:1] + deg_ref[1, :, 0:1] + 1.0
    dinv = lax.rsqrt(jnp.maximum(deg, 1.0))
    rows = r * _RB + lax.broadcasted_iota(jnp.int32, (_RB, 1), 0)
    dinv = jnp.where(rows < n, dinv, 0.0)
    h = jnp.dot(x_ref[...], w_ref[...], preferred_element_type=jnp.float32)
    hp = h * dinv
    hp_ref[0] = hp[:, :_W]
    hp_ref[1] = hp[:, _W:]
    dinv_ref[...] = dinv


def _tc_a(deg2, x_p, w):
    grid = _NPAD // _RB
    return pl.pallas_call(
        functools.partial(_tc_a_body, n=10000),
        grid=(grid,),
        in_specs=[
            pl.BlockSpec((2, _RB, _W), lambda r: (0, r, 0)),
            pl.BlockSpec((_RB, x_p.shape[1]), lambda r: (r, 0)),
            pl.BlockSpec(w.shape, lambda r: (0, 0)),
        ],
        out_specs=[
            pl.BlockSpec((2, _RB, _W), lambda r: (0, r, 0)),
            pl.BlockSpec((_RB, 1), lambda r: (r, 0)),
        ],
        out_shape=[
            jax.ShapeDtypeStruct((2, _NPAD, _W), jnp.float32),
            jax.ShapeDtypeStruct((_NPAD, 1), jnp.float32),
        ],
    )(deg2, x_p, w)


def _tc_b_body(agg_ref, hp_ref, dinv_ref, b_ref, g_ref, be_ref, w_ref,
               out_ref, colsum, colsq, *, n, split_out):
    p = pl.program_id(0)
    r = pl.program_id(1)
    a = jnp.concatenate([agg_ref[0], agg_ref[1]], axis=1)
    hsl = jnp.concatenate([hp_ref[0], hp_ref[1]], axis=1)
    t = (a + hsl) * dinv_ref[...] + b_ref[...]

    @pl.when((p == 0) & (r == 0))
    def _():
        colsum[...] = jnp.zeros_like(colsum)
        colsq[...] = jnp.zeros_like(colsq)

    @pl.when(p == 0)
    def _():
        rows = r * _RB + lax.broadcasted_iota(jnp.int32, (_RB, 1), 0)
        tm = jnp.where(rows < n, t, 0.0)
        colsum[...] += jnp.sum(tm, axis=0, keepdims=True)
        colsq[...] += jnp.sum(tm * tm, axis=0, keepdims=True)

    @pl.when(p == 1)
    def _():
        mean = colsum[...] / n
        var = colsq[...] / n - mean * mean
        y = (t - mean) * lax.rsqrt(var + 1e-5) * g_ref[...] + be_ref[...]
        y = jnp.maximum(y, 0.0)
        hnew = jnp.dot(y, w_ref[...], preferred_element_type=jnp.float32)
        hp = hnew * dinv_ref[...]
        if split_out:
            out_ref[0] = hp[:, :_W]
            out_ref[1] = hp[:, _W:]
        else:
            out_ref[0] = hp
            out_ref[1] = jnp.zeros_like(hp)


def _tc_b(agg, hp_in, dinv, b, g, be, w, split_out):
    hcur = 2 * _W
    grid = _NPAD // _RB
    return pl.pallas_call(
        functools.partial(_tc_b_body, n=10000, split_out=split_out),
        grid=(2, grid),
        in_specs=[
            pl.BlockSpec((2, _RB, _W), lambda p, r: (0, r, 0)),
            pl.BlockSpec((2, _RB, _W), lambda p, r: (0, r, 0)),
            pl.BlockSpec((_RB, 1), lambda p, r: (r, 0)),
            pl.BlockSpec((1, hcur), lambda p, r: (0, 0)),
            pl.BlockSpec((1, hcur), lambda p, r: (0, 0)),
            pl.BlockSpec((1, hcur), lambda p, r: (0, 0)),
            pl.BlockSpec(w.shape, lambda p, r: (0, 0)),
        ],
        out_specs=pl.BlockSpec((2, _RB, _W), lambda p, r: (0, r * p, 0)),
        out_shape=jax.ShapeDtypeStruct((2, _NPAD, _W), jnp.float32),
        scratch_shapes=[
            pltpu.VMEM((1, hcur), jnp.float32),
            pltpu.VMEM((1, hcur), jnp.float32),
        ],
    )(agg, hp_in, dinv, b, g, be, w)


def _tc_c_body(agg_ref, hp_ref, dinv_ref, b_ref, out_ref, *, c):
    t = ((agg_ref[0] + agg_ref[1] + hp_ref[0]) * dinv_ref[...]
         + b_ref[...])
    col = lax.broadcasted_iota(jnp.int32, t.shape, 1)
    tm = jnp.where(col < c, t, -jnp.inf)
    mx = jnp.max(tm, axis=1, keepdims=True)
    e = jnp.exp(tm - mx)
    lse = jnp.log(jnp.sum(e, axis=1, keepdims=True)) + mx
    out_ref[...] = t - lse


def _tc_c(agg, hp_in, dinv, b_p, c):
    grid = _NPAD // _RB
    return pl.pallas_call(
        functools.partial(_tc_c_body, c=c),
        grid=(grid,),
        in_specs=[
            pl.BlockSpec((2, _RB, _W), lambda r: (0, r, 0)),
            pl.BlockSpec((2, _RB, _W), lambda r: (0, r, 0)),
            pl.BlockSpec((_RB, 1), lambda r: (r, 0)),
            pl.BlockSpec((1, _W), lambda r: (0, 0)),
        ],
        out_specs=pl.BlockSpec((_RB, _W), lambda r: (r, 0)),
        out_shape=jax.ShapeDtypeStruct((_NPAD, _W), jnp.float32),
    )(agg, hp_in, dinv, b_p)


def kernel(x, edge_index, W0, b0, g0, be0, W1, b1, g1, be1, W2, b2):
    n, d = x.shape
    h = W0.shape[1]
    c = W2.shape[1]

    pad_e = _EPAD - edge_index.shape[1]
    src_p = jnp.concatenate(
        [edge_index[0], jnp.full((pad_e,), n, jnp.int32)])
    dst_p = jnp.concatenate(
        [edge_index[1], jnp.full((pad_e,), n, jnp.int32)])
    nch = _EPAD // _K
    idx_es = jnp.stack(
        [src_p.reshape(nch, _K), dst_p.reshape(nch, _K)], axis=1)
    idx_fs = jnp.concatenate(
        [idx_es, idx_es + jnp.array([_NPAD, 0], jnp.int32)[None, :, None]])
    x_p = jnp.pad(x, ((0, _NPAD - n), (0, 0)))
    w2_p = jnp.pad(W2, ((0, 0), (0, _W - c)))
    b2_p = jnp.pad(b2, ((0, _W - c),)).reshape(1, _W)
    z128 = jnp.zeros((_NPAD, _W), jnp.float32)

    agg_fs = _make_agg(edge_split=False)
    agg_es = _make_agg(edge_split=True)

    deg2 = _make_deg()(idx_es, jnp.ones((_K, _W), jnp.float32),
                       z128).reshape(2, _NPAD, _W)
    hp0, dinv = _tc_a(deg2, x_p, W0)

    a0 = agg_fs(hp0.reshape(2 * _NPAD, _W), z128, idx_fs).reshape(
        2, _NPAD, _W)
    hp1 = _tc_b(a0, hp0, dinv, b0.reshape(1, h), g0.reshape(1, h),
                be0.reshape(1, h), W1, split_out=True)
    a1 = agg_fs(hp1.reshape(2 * _NPAD, _W), z128, idx_fs).reshape(
        2, _NPAD, _W)
    hp2 = _tc_b(a1, hp1, dinv, b1.reshape(1, h), g1.reshape(1, h),
                be1.reshape(1, h), w2_p, split_out=False)

    a2 = agg_es(hp2.reshape(2 * _NPAD, _W), z128, idx_es).reshape(
        2, _NPAD, _W)
    out = _tc_c(a2, hp2, dinv, b2_p, c)
    return out[:n, :c]

# --- scband reference (transcript-rebuilt; emitter-appended) ---
"""Pipeline reference for scband-gcnnet-52072183497353 (READ-ONLY COPY).

The authoritative reference and input builder live on the scoring server;
editing this copy changes nothing except your own understanding.
"""

import jax, jax.numpy as jnp
import numpy as np

N = 10000
E = 160000
D = 256
H = 256
C = 40


def _glorot(key, fan_in, fan_out):
    limit = jnp.sqrt(6.0 / (fan_in + fan_out))
    return jax.random.uniform(key, (fan_in, fan_out), dtype=jnp.float32, minval=-limit, maxval=limit)


def setup_inputs(seed: int = 0) -> dict:
    key = jax.random.key(seed)
    ks = jax.random.split(key, 8)
    x = jax.random.normal(ks[0], (N, D), dtype=jnp.float32)
    edge_index = jax.random.randint(ks[1], (2, E), 0, N, dtype=jnp.int32)
    W0 = _glorot(ks[2], D, H)
    b0 = jnp.zeros((H,), dtype=jnp.float32)
    g0 = jnp.ones((H,), dtype=jnp.float32)
    be0 = jnp.zeros((H,), dtype=jnp.float32)
    W1 = _glorot(ks[3], H, H)
    b1 = jnp.zeros((H,), dtype=jnp.float32)
    g1 = jnp.ones((H,), dtype=jnp.float32)
    be1 = jnp.zeros((H,), dtype=jnp.float32)
    W2 = _glorot(ks[4], H, C)
    b2 = jnp.zeros((C,), dtype=jnp.float32)
    return {"x": x, "edge_index": edge_index, "W0": W0, "b0": b0, "g0": g0, "be0": be0,
            "W1": W1, "b1": b1, "g1": g1, "be1": be1, "W2": W2, "b2": b2}


def _gcn_layer(x, src, dst, norm, W, b):
    # GCNConv: h = D^{-1/2} (A + I) D^{-1/2} X W + b
    h = x @ W
    msg = h[src] * norm[:, None]
    out = jnp.zeros((N, h.shape[1]), dtype=h.dtype).at[dst].add(msg)
    return out + b


def _bn(x, g, be, eps=1e-5):
    m = jnp.mean(x, axis=0)
    v = jnp.var(x, axis=0)
    return (x - m) / jnp.sqrt(v + eps) * g + be


def reference(x, edge_index, W0, b0, g0, be0, W1, b1, g1, be1, W2, b2):
    loops = jnp.arange(N, dtype=edge_index.dtype)
    src = jnp.concatenate([edge_index[0], loops])
    dst = jnp.concatenate([edge_index[1], loops])
    deg = jnp.zeros((N,), dtype=jnp.float32).at[dst].add(1.0)
    dinv = jax.lax.rsqrt(jnp.maximum(deg, 1.0))
    norm = dinv[src] * dinv[dst]

    h = _gcn_layer(x, src, dst, norm, W0, b0)
    h = jax.nn.relu(_bn(h, g0, be0))
    # dropout p=0.5 is identity in eval mode
    h = _gcn_layer(h, src, dst, norm, W1, b1)
    h = jax.nn.relu(_bn(h, g1, be1))
    h = _gcn_layer(h, src, dst, norm, W2, b2)
    return jax.nn.log_softmax(h, axis=1)

if __name__ == "__main__":
    import jax
    _d = setup_inputs()
    print(jax.jit(kernel)(*tuple(_d.values())))

</pallas_src>

<mosaic_0001>
#map = affine_map<(d0, d1) -> (0, 0, 0)>
#map1 = affine_map<(d0, d1) -> (0, 0)>
module attributes {stable_mosaic.version = 14 : i64} {
  func.func @deg_kernel(%arg0: i32, %arg1: i32, %arg2: memref<1280x2x128xi32, #tpu.memory_space<hbm>>, %arg3: memref<128x128xf32, #tpu.memory_space<hbm>>, %arg4: memref<10240x128xf32, #tpu.memory_space<hbm>>, %arg5: memref<20480x128xf32, #tpu.memory_space<hbm>>, %arg6: memref<4x2x128xi32, #tpu.memory_space<vmem>>, %arg7: memref<128x128xf32, #tpu.memory_space<vmem>>, %arg8: memref<10240x128xf32, #tpu.memory_space<vmem_shared>>, %arg9: memref<!tpu.dma_semaphore, #tpu.memory_space<semaphore_mem>>, %arg10: memref<!tpu.dma_semaphore, #tpu.memory_space<semaphore_mem>>) attributes {dimension_semantics = [#tpu.dimension_semantics<core_parallel>, #tpu.dimension_semantics<subcore_parallel>], iteration_bounds = array<i64: 2, 16>, scalar_prefetch = 0 : i64, scratch_operands = 5 : i64, tpu.core_type = #tpu.core_type<sc_vector_subcore>, window_params = [{transform_indices = #map}, {transform_indices = #map1}, {transform_indices = #map1}, {transform_indices = #map1}]} {
    %mul3A = arith.constant 640 : i32
    %mul3A_0 = arith.muli %arg1, %mul3A : i32
    %mul3A_1 = arith.constant 640 : i32
    %mul3A_2 = arith.muli %arg1, %mul3A_1 : i32
    "tpu.region"() ({
      %run_scoped3A = tpu.sem_alloc : memref<!tpu.dma_semaphore, #tpu.memory_space<semaphore_mem>>
      %dma_start3A_72 = arith.constant 0 : i32
      %dma_start3A_73 = tpu.memref_slice %arg8[%mul3A_2, %dma_start3A_72] : memref<10240x128xf32, #tpu.memory_space<vmem_shared>> -> memref<640x128xf32, #tpu.memory_space<vmem_shared>>
      %dma_start3A_74 = arith.constant 0 : i32
      %dma_start3A_75 = tpu.memref_slice %arg4[%mul3A_0, %dma_start3A_74] : memref<10240x128xf32, #tpu.memory_space<hbm>> -> memref<640x128xf32, #tpu.memory_space<hbm>>
      tpu.enqueue_dma source(%dma_start3A_75 : memref<640x128xf32, #tpu.memory_space<hbm>>) target(%dma_start3A_73 : memref<640x128xf32, #tpu.memory_space<vmem_shared>>) target_semaphore(%run_scoped3A : memref<!tpu.dma_semaphore, #tpu.memory_space<semaphore_mem>>)
      %dma_wait3A_76 = arith.constant 0 : i32
      %dma_wait3A_77 = tpu.memref_slice %arg8[%mul3A_2, %dma_wait3A_76] : memref<10240x128xf32, #tpu.memory_space<vmem_shared>> -> memref<640x128xf32, #tpu.memory_space<vmem_shared>>
      %dma_wait3A_78 = arith.constant 0 : i32
      %dma_wait3A_79 = tpu.memref_slice %arg4[%mul3A_0, %dma_wait3A_78] : memref<10240x128xf32, #tpu.memory_space<hbm>> -> memref<640x128xf32, #tpu.memory_space<hbm>>
      tpu.wait_dma2 semaphore(%run_scoped3A : memref<!tpu.dma_semaphore, #tpu.memory_space<semaphore_mem>>) src(%dma_wait3A_79 : memref<640x128xf32, #tpu.memory_space<hbm>>) dst(%dma_wait3A_77 : memref<640x128xf32, #tpu.memory_space<vmem_shared>>)
      tpu.yield
    }) : () -> ()
    "tpu.region"() ({
      %run_scoped3A = tpu.sem_alloc : memref<!tpu.dma_semaphore, #tpu.memory_space<semaphore_mem>>
      tpu.enqueue_dma source(%arg3 : memref<128x128xf32, #tpu.memory_space<hbm>>) target(%arg7 : memref<128x128xf32, #tpu.memory_space<vmem>>) target_semaphore(%run_scoped3A : memref<!tpu.dma_semaphore, #tpu.memory_space<semaphore_mem>>)
      tpu.wait_dma2 semaphore(%run_scoped3A : memref<!tpu.dma_semaphore, #tpu.memory_space<semaphore_mem>>) src(%arg3 : memref<128x128xf32, #tpu.memory_space<hbm>>) dst(%arg7 : memref<128x128xf32, #tpu.memory_space<vmem>>)
      tpu.yield
    }) : () -> ()
    %barrier3A = arith.constant 0 : index
    tpu.barrier barrier_id(%barrier3A)
    %mul3A_3 = arith.constant 16 : i32
    %mul3A_4 = arith.muli %arg0, %mul3A_3 : i32
    %add3A = arith.addi %mul3A_4, %arg1 : i32
    %mul3A_5 = arith.constant 40 : i32
    %mul3A_6 = arith.muli %add3A, %mul3A_5 : i32
    %add3A_7 = arith.constant 0 : i32
    %add3A_8 = arith.addi %mul3A_6, %add3A_7 : i32
    %dma_start3A = arith.constant 0 : i32
    %dma_start3A_9 = arith.constant 0 : i32
    %dma_start3A_10 = arith.constant 0 : i32
    %dma_start3A_11 = tpu.memref_slice %arg6[%dma_start3A, %dma_start3A_9, %dma_start3A_10] : memref<4x2x128xi32, #tpu.memory_space<vmem>> -> memref<1x2x128xi32, #tpu.memory_space<vmem>>
    %dma_start3A_12 = tpu.memref_squeeze %dma_start3A_11 : memref<1x2x128xi32, #tpu.memory_space<vmem>> -> memref<2x128xi32, #tpu.memory_space<vmem>>
    %dma_start3A_13 = arith.constant 0 : i32
    %dma_start3A_14 = arith.constant 0 : i32
    %dma_start3A_15 = tpu.memref_slice %arg2[%add3A_8, %dma_start3A_13, %dma_start3A_14] : memref<1280x2x128xi32, #tpu.memory_space<hbm>> -> memref<1x2x128xi32, #tpu.memory_space<hbm>>
    %dma_start3A_16 = tpu.memref_squeeze %dma_start3A_15 : memref<1x2x128xi32, #tpu.memory_space<hbm>> -> memref<2x128xi32, #tpu.memory_space<hbm>>
    %dma_start3A_17 = arith.constant 0 : i32
    %dma_start3A_18 = arith.constant 0 : i32
    %dma_start3A_19 = tpu.memref_slice %arg6[%dma_start3A, %dma_start3A_17, %dma_start3A_18] : memref<4x2x128xi32, #tpu.memory_space<vmem>> -> memref<1x2x128xi32, #tpu.memory_space<vmem>>
    %dma_start3A_20 = tpu.memref_squeeze %dma_start3A_19 : memref<1x2x128xi32, #tpu.memory_space<vmem>> -> memref<2x128xi32, #tpu.memory_space<vmem>>
    %dma_start3A_21 = arith.constant 0 : i32
    %dma_start3A_22 = arith.constant 0 : i32
    %dma_start3A_23 = tpu.memref_slice %arg2[%add3A_8, %dma_start3A_21, %dma_start3A_22] : memref<1280x2x128xi32, #tpu.memory_space<hbm>> -> memref<1x2x128xi32, #tpu.memory_space<hbm>>
    %dma_start3A_24 = tpu.memref_squeeze %dma_start3A_23 : memref<1x2x128xi32, #tpu.memory_space<hbm>> -> memref<2x128xi32, #tpu.memory_space<hbm>>
    tpu.enqueue_dma source(%dma_start3A_24 : memref<2x128xi32, #tpu.memory_space<hbm>>) target(%dma_start3A_20 : memref<2x128xi32, #tpu.memory_space<vmem>>) target_semaphore(%arg9 : memref<!tpu.dma_semaphore, #tpu.memory_space<semaphore_mem>>)
    %add3A_25 = arith.constant 1 : i32
    %add3A_26 = arith.addi %mul3A_6, %add3A_25 : i32
    %dma_start3A_27 = arith.constant 1 : i32
    %dma_start3A_28 = arith.constant 0 : i32
    %dma_start3A_29 = arith.constant 0 : i32
    %dma_start3A_30 = tpu.memref_slice %arg6[%dma_start3A_27, %dma_start3A_28, %dma_start3A_29] : memref<4x2x128xi32, #tpu.memory_space<vmem>> -> memref<1x2x128xi32, #tpu.memory_space<vmem>>
    %dma_start3A_31 = tpu.memref_squeeze %dma_start3A_30 : memref<1x2x128xi32, #tpu.memory_space<vmem>> -> memref<2x128xi32, #tpu.memory_space<vmem>>
    %dma_start3A_32 = arith.constant 0 : i32
    %dma_start3A_33 = arith.constant 0 : i32
    %dma_start3A_34 = tpu.memref_slice %arg2[%add3A_26, %dma_start3A_32, %dma_start3A_33] : memref<1280x2x128xi32, #tpu.memory_space<hbm>> -> memref<1x2x128xi32, #tpu.memory_space<hbm>>
    %dma_start3A_35 = tpu.memref_squeeze %dma_start3A_34 : memref<1x2x128xi32, #tpu.memory_space<hbm>> -> memref<2x128xi32, #tpu.memory_space<hbm>>
    %dma_start3A_36 = arith.constant 0 : i32
    %dma_start3A_37 = arith.constant 0 : i32
    %dma_start3A_38 = tpu.memref_slice %arg6[%dma_start3A_27, %dma_start3A_36, %dma_start3A_37] : memref<4x2x128xi32, #tpu.memory_space<vmem>> -> memref<1x2x128xi32, #tpu.memory_space<vmem>>
    %dma_start3A_39 = tpu.memref_squeeze %dma_start3A_38 : memref<1x2x128xi32, #tpu.memory_space<vmem>> -> memref<2x128xi32, #tpu.memory_space<vmem>>
    %dma_start3A_40 = arith.constant 0 : i32
    %dma_start3A_41 = arith.constant 0 : i32
    %dma_start3A_42 = tpu.memref_slice %arg2[%add3A_26, %dma_start3A_40, %dma_start3A_41] : memref<1280x2x128xi32, #tpu.memory_space<hbm>> -> memref<1x2x128xi32, #tpu.memory_space<hbm>>
    %dma_start3A_43 = tpu.memref_squeeze %dma_start3A_42 : memref<1x2x128xi32, #tpu.memory_space<hbm>> -> memref<2x128xi32, #tpu.memory_space<hbm>>
    tpu.enqueue_dma source(%dma_start3A_43 : memref<2x128xi32, #tpu.memory_space<hbm>>) target(%dma_start3A_39 : memref<2x128xi32, #tpu.memory_space<vmem>>) target_semaphore(%arg9 : memref<!tpu.dma_semaphore, #tpu.memory_space<semaphore_mem>>)
    %scan3A = arith.constant 0 : i32
    %scan3A_44 = arith.constant 0 : i32
    %scan3A_45 = arith.constant 40 : i32
    %scan3A_46 = arith.addi %scan3A_44, %scan3A_45 : i32
    %scan3A_47 = arith.constant 1 : i32
    scf.for %scan3A_72 = %scan3A_44 to %scan3A_46 step %scan3A_47  : i32 {
      %rem3A = arith.constant 4 : i32
      %rem3A_73 = arith.remsi %scan3A_72, %rem3A : i32
      %add3A_74 = arith.constant 2 : i32
      %add3A_75 = arith.addi %scan3A_72, %add3A_74 : i32
      %rem3A_76 = arith.constant 4 : i32
      %rem3A_77 = arith.remsi %add3A_75, %rem3A_76 : i32
      %add3A_78 = arith.addi %mul3A_6, %scan3A_72 : i32
      %dma_wait3A_79 = arith.constant 0 : i32
      %dma_wait3A_80 = arith.constant 0 : i32
      %dma_wait3A_81 = tpu.memref_slice %arg6[%rem3A_73, %dma_wait3A_79, %dma_wait3A_80] : memref<4x2x128xi32, #tpu.memory_space<vmem>> -> memref<1x2x128xi32, #tpu.memory_space<vmem>>
      %dma_wait3A_82 = tpu.memref_squeeze %dma_wait3A_81 : memref<1x2x128xi32, #tpu.memory_space<vmem>> -> memref<2x128xi32, #tpu.memory_space<vmem>>
      %dma_wait3A_83 = arith.constant 0 : i32
      %dma_wait3A_84 = arith.constant 0 : i32
      %dma_wait3A_85 = tpu.memref_slice %arg2[%add3A_78, %dma_wait3A_83, %dma_wait3A_84] : memref<1280x2x128xi32, #tpu.memory_space<hbm>> -> memref<1x2x128xi32, #tpu.memory_space<hbm>>
      %dma_wait3A_86 = tpu.memref_squeeze %dma_wait3A_85 : memref<1x2x128xi32, #tpu.memory_space<hbm>> -> memref<2x128xi32, #tpu.memory_space<hbm>>
      %dma_wait3A_87 = arith.constant 0 : i32
      %dma_wait3A_88 = arith.constant 0 : i32
      %dma_wait3A_89 = tpu.memref_slice %arg6[%rem3A_73, %dma_wait3A_87, %dma_wait3A_88] : memref<4x2x128xi32, #tpu.memory_space<vmem>> -> memref<1x2x128xi32, #tpu.memory_space<vmem>>
      %dma_wait3A_90 = tpu.memref_squeeze %dma_wait3A_89 : memref<1x2x128xi32, #tpu.memory_space<vmem>> -> memref<2x128xi32, #tpu.memory_space<vmem>>
      %dma_wait3A_91 = arith.constant 0 : i32
      %dma_wait3A_92 = arith.constant 0 : i32
      %dma_wait3A_93 = tpu.memref_slice %arg2[%add3A_78, %dma_wait3A_91, %dma_wait3A_92] : memref<1280x2x128xi32, #tpu.memory_space<hbm>> -> memref<1x2x128xi32, #tpu.memory_space<hbm>>
      %dma_wait3A_94 = tpu.memref_squeeze %dma_wait3A_93 : memref<1x2x128xi32, #tpu.memory_space<hbm>> -> memref<2x128xi32, #tpu.memory_space<hbm>>
      tpu.wait_dma2 semaphore(%arg9 : memref<!tpu.dma_semaphore, #tpu.memory_space<semaphore_mem>>) src(%dma_wait3A_94 : memref<2x128xi32, #tpu.memory_space<hbm>>) dst(%dma_wait3A_90 : memref<2x128xi32, #tpu.memory_space<vmem>>)
      %ge3A = arith.constant 2 : i32
      %ge3A_95 = arith.cmpi sge, %scan3A_72, %ge3A : i32
      %convert_element_type3A = arith.extui %ge3A_95 : i1 to i32
      %cond3A = arith.constant 0 : i32
      %cond3A_96 = arith.cmpi ne, %convert_element_type3A, %cond3A : i32
      scf.if %cond3A_96 {
        %dma_wait3A_110 = arith.constant 1 : i32
        %dma_wait3A_111 = arith.constant 0 : i32
        %dma_wait3A_112 = tpu.memref_slice %arg6[%rem3A_77, %dma_wait3A_110, %dma_wait3A_111] : memref<4x2x128xi32, #tpu.memory_space<vmem>> -> memref<1x1x128xi32, #tpu.memory_space<vmem>>
        %dma_wait3A_113 = tpu.memref_squeeze %dma_wait3A_112 : memref<1x1x128xi32, #tpu.memory_space<vmem>> -> memref<128xi32, #tpu.memory_space<vmem>>
        %dma_wait3A_114 = arith.constant 0 : i32
        %dma_wait3A_115 = arith.constant 0 : i32
        %dma_wait3A_116 = tpu.memref_slice %arg8[%dma_wait3A_114, %dma_wait3A_115] : memref<10240x128xf32, #tpu.memory_space<vmem_shared>> -> memref<10240x128xf32, #tpu.memory_space<vmem_shared>>
        tpu.wait_indirect_dma semaphore(%arg10 : memref<!tpu.dma_semaphore, #tpu.memory_space<semaphore_mem>>) src(%arg7 : memref<128x128xf32, #tpu.memory_space<vmem>>) dst(%dma_wait3A_116 : memref<10240x128xf32, #tpu.memory_space<vmem_shared>>)
      } else {
      }
      %add3A_97 = arith.constant 2 : i32
      %add3A_98 = arith.addi %scan3A_72, %add3A_97 : i32
      %lt3A = arith.constant 40 : i32
      %lt3A_99 = arith.cmpi slt, %add3A_98, %lt3A : i32
      %convert_element_type3A_100 = arith.extui %lt3A_99 : i1 to i32
      %cond3A_101 = arith.constant 0 : i32
      %cond3A_102 = arith.cmpi ne, %convert_element_type3A_100, %cond3A_101 : i32
      scf.if %cond3A_102 {
        %add3A_110 = arith.constant 2 : i32
        %add3A_111 = arith.addi %scan3A_72, %add3A_110 : i32
        %add3A_112 = arith.addi %mul3A_6, %add3A_111 : i32
        %dma_start3A_113 = arith.constant 0 : i32
        %dma_start3A_114 = arith.constant 0 : i32
        %dma_start3A_115 = tpu.memref_slice %arg6[%rem3A_77, %dma_start3A_113, %dma_start3A_114] : memref<4x2x128xi32, #tpu.memory_space<vmem>> -> memref<1x2x128xi32, #tpu.memory_space<vmem>>
        %dma_start3A_116 = tpu.memref_squeeze %dma_start3A_115 : memref<1x2x128xi32, #tpu.memory_space<vmem>> -> memref<2x128xi32, #tpu.memory_space<vmem>>
        %dma_start3A_117 = arith.constant 0 : i32
        %dma_start3A_118 = arith.constant 0 : i32
        %dma_start3A_119 = tpu.memref_slice %arg2[%add3A_112, %dma_start3A_117, %dma_start3A_118] : memref<1280x2x128xi32, #tpu.memory_space<hbm>> -> memref<1x2x128xi32, #tpu.memory_space<hbm>>
        %dma_start3A_120 = tpu.memref_squeeze %dma_start3A_119 : memref<1x2x128xi32, #tpu.memory_space<hbm>> -> memref<2x128xi32, #tpu.memory_space<hbm>>
        %dma_start3A_121 = arith.constant 0 : i32
        %dma_start3A_122 = arith.constant 0 : i32
        %dma_start3A_123 = tpu.memref_slice %arg6[%rem3A_77, %dma_start3A_121, %dma_start3A_122] : memref<4x2x128xi32, #tpu.memory_space<vmem>> -> memref<1x2x128xi32, #tpu.memory_space<vmem>>
        %dma_start3A_124 = tpu.memref_squeeze %dma_start3A_123 : memref<1x2x128xi32, #tpu.memory_space<vmem>> -> memref<2x128xi32, #tpu.memory_space<vmem>>
        %dma_start3A_125 = arith.constant 0 : i32
        %dma_start3A_126 = arith.constant 0 : i32
        %dma_start3A_127 = tpu.memref_slice %arg2[%add3A_112, %dma_start3A_125, %dma_start3A_126] : memref<1280x2x128xi32, #tpu.memory_space<hbm>> -> memref<1x2x128xi32, #tpu.memory_space<hbm>>
        %dma_start3A_128 = tpu.memref_squeeze %dma_start3A_127 : memref<1x2x128xi32, #tpu.memory_space<hbm>> -> memref<2x128xi32, #tpu.memory_space<hbm>>
        tpu.enqueue_dma source(%dma_start3A_128 : memref<2x128xi32, #tpu.memory_space<hbm>>) target(%dma_start3A_124 : memref<2x128xi32, #tpu.memory_space<vmem>>) target_semaphore(%arg9 : memref<!tpu.dma_semaphore, #tpu.memory_space<semaphore_mem>>)
      } else {
      }
      %dma_start3A_103 = arith.constant 1 : i32
      %dma_start3A_104 = arith.constant 0 : i32
      %dma_start3A_105 = tpu.memref_slice %arg6[%rem3A_73, %dma_start3A_103, %dma_start3A_104] : memref<4x2x128xi32, #tpu.memory_space<vmem>> -> memref<1x1x128xi32, #tpu.memory_space<vmem>>
      %dma_start3A_106 = tpu.memref_squeeze %dma_start3A_105 : memref<1x1x128xi32, #tpu.memory_space<vmem>> -> memref<128xi32, #tpu.memory_space<vmem>>
      %dma_start3A_107 = arith.constant 0 : i32
      %dma_start3A_108 = arith.constant 0 : i32
      %dma_start3A_109 = tpu.memref_slice %arg8[%dma_start3A_107, %dma_start3A_108] : memref<10240x128xf32, #tpu.memory_space<vmem_shared>> -> memref<10240x128xf32, #tpu.memory_space<vmem_shared>>
      tpu.enqueue_indirect_dma source(%arg7 : memref<128x128xf32, #tpu.memory_space<vmem>>) target(%dma_start3A_109 : memref<10240x128xf32, #tpu.memory_space<vmem_shared>>) offsets(%dma_start3A_106 : memref<128xi32, #tpu.memory_space<vmem>>) semaphore(%arg10 : memref<!tpu.dma_semaphore, #tpu.memory_space<semaphore_mem>>) {add = true}
    }
    %scan3A_48 = arith.constant 40 : i32
    %dma_wait3A = arith.constant 0 : i32
    %dma_wait3A_49 = arith.constant 1 : i32
    %dma_wait3A_50 = arith.constant 0 : i32
    %dma_wait3A_51 = tpu.memref_slice %arg6[%dma_wait3A, %dma_wait3A_49, %dma_wait3A_50] : memref<4x2x128xi32, #tpu.memory_space<vmem>> -> memref<1x1x128xi32, #tpu.memory_space<vmem>>
    %dma_wait3A_52 = tpu.memref_squeeze %dma_wait3A_51 : memref<1x1x128xi32, #tpu.memory_space<vmem>> -> memref<128xi32, #tpu.memory_space<vmem>>
    %dma_wait3A_53 = arith.constant 0 : i32
    %dma_wait3A_54 = arith.constant 0 : i32
    %dma_wait3A_55 = tpu.memref_slice %arg8[%dma_wait3A_53, %dma_wait3A_54] : memref<10240x128xf32, #tpu.memory_space<vmem_shared>> -> memref<10240x128xf32, #tpu.memory_space<vmem_shared>>
    tpu.wait_indirect_dma semaphore(%arg10 : memref<!tpu.dma_semaphore, #tpu.memory_space<semaphore_mem>>) src(%arg7 : memref<128x128xf32, #tpu.memory_space<vmem>>) dst(%dma_wait3A_55 : memref<10240x128xf32, #tpu.memory_space<vmem_shared>>)
    %dma_wait3A_56 = arith.constant 0 : i32
    %dma_wait3A_57 = arith.constant 1 : i32
    %dma_wait3A_58 = arith.constant 0 : i32
    %dma_wait3A_59 = tpu.memref_slice %arg6[%dma_wait3A_56, %dma_wait3A_57, %dma_wait3A_58] : memref<4x2x128xi32, #tpu.memory_space<vmem>> -> memref<1x1x128xi32, #tpu.memory_space<vmem>>
    %dma_wait3A_60 = tpu.memref_squeeze %dma_wait3A_59 : memref<1x1x128xi32, #tpu.memory_space<vmem>> -> memref<128xi32, #tpu.memory_space<vmem>>
    %dma_wait3A_61 = arith.constant 0 : i32
    %dma_wait3A_62 = arith.constant 0 : i32
    %dma_wait3A_63 = tpu.memref_slice %arg8[%dma_wait3A_61, %dma_wait3A_62] : memref<10240x128xf32, #tpu.memory_space<vmem_shared>> -> memref<10240x128xf32, #tpu.memory_space<vmem_shared>>
    tpu.wait_indirect_dma semaphore(%arg10 : memref<!tpu.dma_semaphore, #tpu.memory_space<semaphore_mem>>) src(%arg7 : memref<128x128xf32, #tpu.memory_space<vmem>>) dst(%dma_wait3A_63 : memref<10240x128xf32, #tpu.memory_space<vmem_shared>>)
    %barrier3A_64 = arith.constant 0 : index
    tpu.barrier barrier_id(%barrier3A_64)
    %mul3A_65 = arith.constant 640 : i32
    %mul3A_66 = arith.muli %arg1, %mul3A_65 : i32
    %mul3A_67 = arith.constant 10240 : i32
    %mul3A_68 = arith.muli %arg0, %mul3A_67 : i32
    %mul3A_69 = arith.constant 640 : i32
    %mul3A_70 = arith.muli %arg1, %mul3A_69 : i32
    %add3A_71 = arith.addi %mul3A_68, %mul3A_70 : i32
    "tpu.region"() ({
      %run_scoped3A = tpu.sem_alloc : memref<!tpu.dma_semaphore, #tpu.memory_space<semaphore_mem>>
      %dma_start3A_72 = arith.constant 0 : i32
      %dma_start3A_73 = tpu.memref_slice %arg5[%add3A_71, %dma_start3A_72] : memref<20480x128xf32, #tpu.memory_space<hbm>> -> memref<640x128xf32, #tpu.memory_space<hbm>>
      %dma_start3A_74 = arith.constant 0 : i32
      %dma_start3A_75 = tpu.memref_slice %arg8[%mul3A_66, %dma_start3A_74] : memref<10240x128xf32, #tpu.memory_space<vmem_shared>> -> memref<640x128xf32, #tpu.memory_space<vmem_shared>>
      tpu.enqueue_dma source(%dma_start3A_75 : memref<640x128xf32, #tpu.memory_space<vmem_shared>>) target(%dma_start3A_73 : memref<640x128xf32, #tpu.memory_space<hbm>>) target_semaphore(%run_scoped3A : memref<!tpu.dma_semaphore, #tpu.memory_space<semaphore_mem>>)
      %dma_wait3A_76 = arith.constant 0 : i32
      %dma_wait3A_77 = tpu.memref_slice %arg5[%add3A_71, %dma_wait3A_76] : memref<20480x128xf32, #tpu.memory_space<hbm>> -> memref<640x128xf32, #tpu.memory_space<hbm>>
      %dma_wait3A_78 = arith.constant 0 : i32
      %dma_wait3A_79 = tpu.memref_slice %arg8[%mul3A_66, %dma_wait3A_78] : memref<10240x128xf32, #tpu.memory_space<vmem_shared>> -> memref<640x128xf32, #tpu.memory_space<vmem_shared>>
      tpu.wait_dma2 semaphore(%run_scoped3A : memref<!tpu.dma_semaphore, #tpu.memory_space<semaphore_mem>>) src(%dma_wait3A_79 : memref<640x128xf32, #tpu.memory_space<vmem_shared>>) dst(%dma_wait3A_77 : memref<640x128xf32, #tpu.memory_space<hbm>>)
      tpu.yield
    }) : () -> ()
    return
  }
}

#map = affine_map<(d0, d1) -> (0, 0)>
#map1 = affine_map<(d0, d1) -> (0, 0, 0)>
module attributes {stable_mosaic.version = 14 : i64} {
  func.func @agg_kernel(%arg0: i32, %arg1: i32, %arg2: memref<20480x128xf32, #tpu.memory_space<hbm>>, %arg3: memref<10240x128xf32, #tpu.memory_space<hbm>>, %arg4: memref<2560x2x128xi32, #tpu.memory_space<hbm>>, %arg5: memref<20480x128xf32, #tpu.memory_space<hbm>>, %arg6: memref<4x2x128xi32, #tpu.memory_space<vmem>>, %arg7: memref<2x128x128xf32, #tpu.memory_space<vmem>>, %arg8: memref<10240x128xf32, #tpu.memory_space<vmem_shared>>, %arg9: memref<!tpu.dma_semaphore, #tpu.memory_space<semaphore_mem>>, %arg10: memref<!tpu.dma_semaphore, #tpu.memory_space<semaphore_mem>>, %arg11: memref<!tpu.dma_semaphore, #tpu.memory_space<semaphore_mem>>) attributes {dimension_semantics = [#tpu.dimension_semantics<core_parallel>, #tpu.dimension_semantics<subcore_parallel>], iteration_bounds = array<i64: 2, 16>, scalar_prefetch = 0 : i64, scratch_operands = 6 : i64, tpu.core_type = #tpu.core_type<sc_vector_subcore>, window_params = [{transform_indices = #map}, {transform_indices = #map}, {transform_indices = #map1}, {transform_indices = #map}]} {
    %mul3A = arith.constant 640 : i32
    %mul3A_0 = arith.muli %arg1, %mul3A : i32
    "tpu.region"() ({
      %run_scoped3A = tpu.sem_alloc : memref<!tpu.dma_semaphore, #tpu.memory_space<semaphore_mem>>
      %dma_start3A_110 = arith.constant 0 : i32
      %dma_start3A_111 = tpu.memref_slice %arg8[%mul3A_0, %dma_start3A_110] : memref<10240x128xf32, #tpu.memory_space<vmem_shared>> -> memref<640x128xf32, #tpu.memory_space<vmem_shared>>
      %dma_start3A_112 = arith.constant 0 : i32
      %dma_start3A_113 = tpu.memref_slice %arg3[%mul3A_0, %dma_start3A_112] : memref<10240x128xf32, #tpu.memory_space<hbm>> -> memref<640x128xf32, #tpu.memory_space<hbm>>
      tpu.enqueue_dma source(%dma_start3A_113 : memref<640x128xf32, #tpu.memory_space<hbm>>) target(%dma_start3A_111 : memref<640x128xf32, #tpu.memory_space<vmem_shared>>) target_semaphore(%run_scoped3A : memref<!tpu.dma_semaphore, #tpu.memory_space<semaphore_mem>>)
      %dma_wait3A_114 = arith.constant 0 : i32
      %dma_wait3A_115 = tpu.memref_slice %arg8[%mul3A_0, %dma_wait3A_114] : memref<10240x128xf32, #tpu.memory_space<vmem_shared>> -> memref<640x128xf32, #tpu.memory_space<vmem_shared>>
      %dma_wait3A_116 = arith.constant 0 : i32
      %dma_wait3A_117 = tpu.memref_slice %arg3[%mul3A_0, %dma_wait3A_116] : memref<10240x128xf32, #tpu.memory_space<hbm>> -> memref<640x128xf32, #tpu.memory_space<hbm>>
      tpu.wait_dma2 semaphore(%run_scoped3A : memref<!tpu.dma_semaphore, #tpu.memory_space<semaphore_mem>>) src(%dma_wait3A_117 : memref<640x128xf32, #tpu.memory_space<hbm>>) dst(%dma_wait3A_115 : memref<640x128xf32, #tpu.memory_space<vmem_shared>>)
      tpu.yield
    }) : () -> ()
    %barrier3A = arith.constant 0 : index
    tpu.barrier barrier_id(%barrier3A)
    %mul3A_1 = arith.constant 16 : i32
    %mul3A_2 = arith.muli %arg0, %mul3A_1 : i32
    %add3A = arith.addi %mul3A_2, %arg1 : i32
    %mul3A_3 = arith.constant 80 : i32
    %mul3A_4 = arith.muli %add3A, %mul3A_3 : i32
    %add3A_5 = arith.constant 0 : i32
    %add3A_6 = arith.addi %mul3A_4, %add3A_5 : i32
    %dma_start3A = arith.constant 0 : i32
    %dma_start3A_7 = arith.constant 0 : i32
    %dma_start3A_8 = arith.constant 0 : i32
    %dma_start3A_9 = tpu.memref_slice %arg6[%dma_start3A, %dma_start3A_7, %dma_start3A_8] : memref<4x2x128xi32, #tpu.memory_space<vmem>> -> memref<1x2x128xi32, #tpu.memory_space<vmem>>
    %dma_start3A_10 = tpu.memref_squeeze %dma_start3A_9 : memref<1x2x128xi32, #tpu.memory_space<vmem>> -> memref<2x128xi32, #tpu.memory_space<vmem>>
    %dma_start3A_11 = arith.constant 0 : i32
    %dma_start3A_12 = arith.constant 0 : i32
    %dma_start3A_13 = tpu.memref_slice %arg4[%add3A_6, %dma_start3A_11, %dma_start3A_12] : memref<2560x2x128xi32, #tpu.memory_space<hbm>> -> memref<1x2x128xi32, #tpu.memory_space<hbm>>
    %dma_start3A_14 = tpu.memref_squeeze %dma_start3A_13 : memref<1x2x128xi32, #tpu.memory_space<hbm>> -> memref<2x128xi32, #tpu.memory_space<hbm>>
    %dma_start3A_15 = arith.constant 0 : i32
    %dma_start3A_16 = arith.constant 0 : i32
    %dma_start3A_17 = tpu.memref_slice %arg6[%dma_start3A, %dma_start3A_15, %dma_start3A_16] : memref<4x2x128xi32, #tpu.memory_space<vmem>> -> memref<1x2x128xi32, #tpu.memory_space<vmem>>
    %dma_start3A_18 = tpu.memref_squeeze %dma_start3A_17 : memref<1x2x128xi32, #tpu.memory_space<vmem>> -> memref<2x128xi32, #tpu.memory_space<vmem>>
    %dma_start3A_19 = arith.constant 0 : i32
    %dma_start3A_20 = arith.constant 0 : i32
    %dma_start3A_21 = tpu.memref_slice %arg4[%add3A_6, %dma_start3A_19, %dma_start3A_20] : memref<2560x2x128xi32, #tpu.memory_space<hbm>> -> memref<1x2x128xi32, #tpu.memory_space<hbm>>
    %dma_start3A_22 = tpu.memref_squeeze %dma_start3A_21 : memref<1x2x128xi32, #tpu.memory_space<hbm>> -> memref<2x128xi32, #tpu.memory_space<hbm>>
    tpu.enqueue_dma source(%dma_start3A_22 : memref<2x128xi32, #tpu.memory_space<hbm>>) target(%dma_start3A_18 : memref<2x128xi32, #tpu.memory_space<vmem>>) target_semaphore(%arg9 : memref<!tpu.dma_semaphore, #tpu.memory_space<semaphore_mem>>)
    %add3A_23 = arith.constant 0 : i32
    %add3A_24 = arith.addi %mul3A_4, %add3A_23 : i32
    %dma_wait3A = arith.constant 0 : i32
    %dma_wait3A_25 = arith.constant 0 : i32
    %dma_wait3A_26 = arith.constant 0 : i32
    %dma_wait3A_27 = tpu.memref_slice %arg6[%dma_wait3A, %dma_wait3A_25, %dma_wait3A_26] : memref<4x2x128xi32, #tpu.memory_space<vmem>> -> memref<1x2x128xi32, #tpu.memory_space<vmem>>
    %dma_wait3A_28 = tpu.memref_squeeze %dma_wait3A_27 : memref<1x2x128xi32, #tpu.memory_space<vmem>> -> memref<2x128xi32, #tpu.memory_space<vmem>>
    %dma_wait3A_29 = arith.constant 0 : i32
    %dma_wait3A_30 = arith.constant 0 : i32
    %dma_wait3A_31 = tpu.memref_slice %arg4[%add3A_24, %dma_wait3A_29, %dma_wait3A_30] : memref<2560x2x128xi32, #tpu.memory_space<hbm>> -> memref<1x2x128xi32, #tpu.memory_space<hbm>>
    %dma_wait3A_32 = tpu.memref_squeeze %dma_wait3A_31 : memref<1x2x128xi32, #tpu.memory_space<hbm>> -> memref<2x128xi32, #tpu.memory_space<hbm>>
    %dma_wait3A_33 = arith.constant 0 : i32
    %dma_wait3A_34 = arith.constant 0 : i32
    %dma_wait3A_35 = tpu.memref_slice %arg6[%dma_wait3A, %dma_wait3A_33, %dma_wait3A_34] : memref<4x2x128xi32, #tpu.memory_space<vmem>> -> memref<1x2x128xi32, #tpu.memory_space<vmem>>
    %dma_wait3A_36 = tpu.memref_squeeze %dma_wait3A_35 : memref<1x2x128xi32, #tpu.memory_space<vmem>> -> memref<2x128xi32, #tpu.memory_space<vmem>>
    %dma_wait3A_37 = arith.constant 0 : i32
    %dma_wait3A_38 = arith.constant 0 : i32
    %dma_wait3A_39 = tpu.memref_slice %arg4[%add3A_24, %dma_wait3A_37, %dma_wait3A_38] : memref<2560x2x128xi32, #tpu.memory_space<hbm>> -> memref<1x2x128xi32, #tpu.memory_space<hbm>>
    %dma_wait3A_40 = tpu.memref_squeeze %dma_wait3A_39 : memref<1x2x128xi32, #tpu.memory_space<hbm>> -> memref<2x128xi32, #tpu.memory_space<hbm>>
    tpu.wait_dma2 semaphore(%arg9 : memref<!tpu.dma_semaphore, #tpu.memory_space<semaphore_mem>>) src(%dma_wait3A_40 : memref<2x128xi32, #tpu.memory_space<hbm>>) dst(%dma_wait3A_36 : memref<2x128xi32, #tpu.memory_space<vmem>>)
    %add3A_41 = arith.constant 1 : i32
    %add3A_42 = arith.addi %mul3A_4, %add3A_41 : i32
    %dma_start3A_43 = arith.constant 1 : i32
    %dma_start3A_44 = arith.constant 0 : i32
    %dma_start3A_45 = arith.constant 0 : i32
    %dma_start3A_46 = tpu.memref_slice %arg6[%dma_start3A_43, %dma_start3A_44, %dma_start3A_45] : memref<4x2x128xi32, #tpu.memory_space<vmem>> -> memref<1x2x128xi32, #tpu.memory_space<vmem>>
    %dma_start3A_47 = tpu.memref_squeeze %dma_start3A_46 : memref<1x2x128xi32, #tpu.memory_space<vmem>> -> memref<2x128xi32, #tpu.memory_space<vmem>>
    %dma_start3A_48 = arith.constant 0 : i32
    %dma_start3A_49 = arith.constant 0 : i32
    %dma_start3A_50 = tpu.memref_slice %arg4[%add3A_42, %dma_start3A_48, %dma_start3A_49] : memref<2560x2x128xi32, #tpu.memory_space<hbm>> -> memref<1x2x128xi32, #tpu.memory_space<hbm>>
    %dma_start3A_51 = tpu.memref_squeeze %dma_start3A_50 : memref<1x2x128xi32, #tpu.memory_space<hbm>> -> memref<2x128xi32, #tpu.memory_space<hbm>>
    %dma_start3A_52 = arith.constant 0 : i32
    %dma_start3A_53 = arith.constant 0 : i32
    %dma_start3A_54 = tpu.memref_slice %arg6[%dma_start3A_43, %dma_start3A_52, %dma_start3A_53] : memref<4x2x128xi32, #tpu.memory_space<vmem>> -> memref<1x2x128xi32, #tpu.memory_space<vmem>>
    %dma_start3A_55 = tpu.memref_squeeze %dma_start3A_54 : memref<1x2x128xi32, #tpu.memory_space<vmem>> -> memref<2x128xi32, #tpu.memory_space<vmem>>
    %dma_start3A_56 = arith.constant 0 : i32
    %dma_start3A_57 = arith.constant 0 : i32
    %dma_start3A_58 = tpu.memref_slice %arg4[%add3A_42, %dma_start3A_56, %dma_start3A_57] : memref<2560x2x128xi32, #tpu.memory_space<hbm>> -> memref<1x2x128xi32, #tpu.memory_space<hbm>>
    %dma_start3A_59 = tpu.memref_squeeze %dma_start3A_58 : memref<1x2x128xi32, #tpu.memory_space<hbm>> -> memref<2x128xi32, #tpu.memory_space<hbm>>
    tpu.enqueue_dma source(%dma_start3A_59 : memref<2x128xi32, #tpu.memory_space<hbm>>) target(%dma_start3A_55 : memref<2x128xi32, #tpu.memory_space<vmem>>) target_semaphore(%arg9 : memref<!tpu.dma_semaphore, #tpu.memory_space<semaphore_mem>>)
    %dma_start3A_60 = arith.constant 0 : i32
    %dma_start3A_61 = arith.constant 0 : i32
    %dma_start3A_62 = arith.constant 0 : i32
    %dma_start3A_63 = arith.constant 0 : i32
    %dma_start3A_64 = arith.constant 0 : i32
    %dma_start3A_65 = tpu.memref_slice %arg7[%dma_start3A_62, %dma_start3A_63, %dma_start3A_64] : memref<2x128x128xf32, #tpu.memory_space<vmem>> -> memref<1x128x128xf32, #tpu.memory_space<vmem>>
    %dma_start3A_66 = tpu.memref_squeeze %dma_start3A_65 : memref<1x128x128xf32, #tpu.memory_space<vmem>> -> memref<128x128xf32, #tpu.memory_space<vmem>>
    %dma_start3A_67 = arith.constant 0 : i32
    %dma_start3A_68 = tpu.memref_slice %arg6[%dma_start3A_60, %dma_start3A_61, %dma_start3A_67] : memref<4x2x128xi32, #tpu.memory_space<vmem>> -> memref<1x1x128xi32, #tpu.memory_space<vmem>>
    %dma_start3A_69 = tpu.memref_squeeze %dma_start3A_68 : memref<1x1x128xi32, #tpu.memory_space<vmem>> -> memref<128xi32, #tpu.memory_space<vmem>>
    %dma_start3A_70 = arith.constant 0 : i32
    %dma_start3A_71 = arith.constant 0 : i32
    %dma_start3A_72 = tpu.memref_slice %arg2[%dma_start3A_70, %dma_start3A_71] : memref<20480x128xf32, #tpu.memory_space<hbm>> -> memref<20480x128xf32, #tpu.memory_space<hbm>>
    tpu.enqueue_indirect_dma source(%dma_start3A_72 : memref<20480x128xf32, #tpu.memory_space<hbm>>) target(%dma_start3A_66 : memref<128x128xf32, #tpu.memory_space<vmem>>) offsets(%dma_start3A_69 : memref<128xi32, #tpu.memory_space<vmem>>) semaphore(%arg10 : memref<!tpu.dma_semaphore, #tpu.memory_space<semaphore_mem>>)
    %scan3A = arith.constant 0 : i32
    %scan3A_73 = arith.constant 0 : i32
    %scan3A_74 = arith.constant 80 : i32
    %scan3A_75 = arith.addi %scan3A_73, %scan3A_74 : i32
    %scan3A_76 = arith.constant 1 : i32
    scf.for %scan3A_110 = %scan3A_73 to %scan3A_75 step %scan3A_76  : i32 {
      %rem3A = arith.constant 4 : i32
      %rem3A_111 = arith.remsi %scan3A_110, %rem3A : i32
      %rem3A_112 = arith.constant 2 : i32
      %rem3A_113 = arith.remsi %scan3A_110, %rem3A_112 : i32
      %add3A_114 = arith.constant 1 : i32
      %add3A_115 = arith.addi %scan3A_110, %add3A_114 : i32
      %rem3A_116 = arith.constant 4 : i32
      %rem3A_117 = arith.remsi %add3A_115, %rem3A_116 : i32
      %add3A_118 = arith.constant 1 : i32
      %add3A_119 = arith.addi %scan3A_110, %add3A_118 : i32
      %rem3A_120 = arith.constant 2 : i32
      %rem3A_121 = arith.remsi %add3A_119, %rem3A_120 : i32
      %add3A_122 = arith.constant 2 : i32
      %add3A_123 = arith.addi %scan3A_110, %add3A_122 : i32
      %rem3A_124 = arith.constant 4 : i32
      %rem3A_125 = arith.remsi %add3A_123, %rem3A_124 : i32
      %add3A_126 = arith.constant 1 : i32
      %add3A_127 = arith.addi %scan3A_110, %add3A_126 : i32
      %lt3A = arith.constant 80 : i32
      %lt3A_128 = arith.cmpi slt, %add3A_127, %lt3A : i32
      %convert_element_type3A = arith.extui %lt3A_128 : i1 to i32
      %cond3A = arith.constant 0 : i32
      %cond3A_129 = arith.cmpi ne, %convert_element_type3A, %cond3A : i32
      scf.if %cond3A_129 {
        %add3A_152 = arith.constant 1 : i32
        %add3A_153 = arith.addi %scan3A_110, %add3A_152 : i32
        %add3A_154 = arith.addi %mul3A_4, %add3A_153 : i32
        %dma_wait3A_155 = arith.constant 0 : i32
        %dma_wait3A_156 = arith.constant 0 : i32
        %dma_wait3A_157 = tpu.memref_slice %arg6[%rem3A_117, %dma_wait3A_155, %dma_wait3A_156] : memref<4x2x128xi32, #tpu.memory_space<vmem>> -> memref<1x2x128xi32, #tpu.memory_space<vmem>>
        %dma_wait3A_158 = tpu.memref_squeeze %dma_wait3A_157 : memref<1x2x128xi32, #tpu.memory_space<vmem>> -> memref<2x128xi32, #tpu.memory_space<vmem>>
        %dma_wait3A_159 = arith.constant 0 : i32
        %dma_wait3A_160 = arith.constant 0 : i32
        %dma_wait3A_161 = tpu.memref_slice %arg4[%add3A_154, %dma_wait3A_159, %dma_wait3A_160] : memref<2560x2x128xi32, #tpu.memory_space<hbm>> -> memref<1x2x128xi32, #tpu.memory_space<hbm>>
        %dma_wait3A_162 = tpu.memref_squeeze %dma_wait3A_161 : memref<1x2x128xi32, #tpu.memory_space<hbm>> -> memref<2x128xi32, #tpu.memory_space<hbm>>
        %dma_wait3A_163 = arith.constant 0 : i32
        %dma_wait3A_164 = arith.constant 0 : i32
        %dma_wait3A_165 = tpu.memref_slice %arg6[%rem3A_117, %dma_wait3A_163, %dma_wait3A_164] : memref<4x2x128xi32, #tpu.memory_space<vmem>> -> memref<1x2x128xi32, #tpu.memory_space<vmem>>
        %dma_wait3A_166 = tpu.memref_squeeze %dma_wait3A_165 : memref<1x2x128xi32, #tpu.memory_space<vmem>> -> memref<2x128xi32, #tpu.memory_space<vmem>>
        %dma_wait3A_167 = arith.constant 0 : i32
        %dma_wait3A_168 = arith.constant 0 : i32
        %dma_wait3A_169 = tpu.memref_slice %arg4[%add3A_154, %dma_wait3A_167, %dma_wait3A_168] : memref<2560x2x128xi32, #tpu.memory_space<hbm>> -> memref<1x2x128xi32, #tpu.memory_space<hbm>>
        %dma_wait3A_170 = tpu.memref_squeeze %dma_wait3A_169 : memref<1x2x128xi32, #tpu.memory_space<hbm>> -> memref<2x128xi32, #tpu.memory_space<hbm>>
        tpu.wait_dma2 semaphore(%arg9 : memref<!tpu.dma_semaphore, #tpu.memory_space<semaphore_mem>>) src(%dma_wait3A_170 : memref<2x128xi32, #tpu.memory_space<hbm>>) dst(%dma_wait3A_166 : memref<2x128xi32, #tpu.memory_space<vmem>>)
        %ge3A = arith.constant 1 : i32
        %ge3A_171 = arith.cmpi sge, %scan3A_110, %ge3A : i32
        %convert_element_type3A_172 = arith.extui %ge3A_171 : i1 to i32
        %cond3A_173 = arith.constant 0 : i32
        %cond3A_174 = arith.cmpi ne, %convert_element_type3A_172, %cond3A_173 : i32
        scf.if %cond3A_174 {
          %dma_wait3A_193 = arith.constant 1 : i32
          %dma_wait3A_194 = arith.constant 0 : i32
          %dma_wait3A_195 = arith.constant 0 : i32
          %dma_wait3A_196 = tpu.memref_slice %arg7[%rem3A_121, %dma_wait3A_194, %dma_wait3A_195] : memref<2x128x128xf32, #tpu.memory_space<vmem>> -> memref<1x128x128xf32, #tpu.memory_space<vmem>>
          %dma_wait3A_197 = tpu.memref_squeeze %dma_wait3A_196 : memref<1x128x128xf32, #tpu.memory_space<vmem>> -> memref<128x128xf32, #tpu.memory_space<vmem>>
          %dma_wait3A_198 = arith.constant 0 : i32
          %dma_wait3A_199 = tpu.memref_slice %arg6[%rem3A_117, %dma_wait3A_193, %dma_wait3A_198] : memref<4x2x128xi32, #tpu.memory_space<vmem>> -> memref<1x1x128xi32, #tpu.memory_space<vmem>>
          %dma_wait3A_200 = tpu.memref_squeeze %dma_wait3A_199 : memref<1x1x128xi32, #tpu.memory_space<vmem>> -> memref<128xi32, #tpu.memory_space<vmem>>
          %dma_wait3A_201 = arith.constant 0 : i32
          %dma_wait3A_202 = arith.constant 0 : i32
          %dma_wait3A_203 = tpu.memref_slice %arg8[%dma_wait3A_201, %dma_wait3A_202] : memref<10240x128xf32, #tpu.memory_space<vmem_shared>> -> memref<10240x128xf32, #tpu.memory_space<vmem_shared>>
          tpu.wait_indirect_dma semaphore(%arg11 : memref<!tpu.dma_semaphore, #tpu.memory_space<semaphore_mem>>) src(%dma_wait3A_197 : memref<128x128xf32, #tpu.memory_space<vmem>>) dst(%dma_wait3A_203 : memref<10240x128xf32, #tpu.memory_space<vmem_shared>>)
        } else {
        }
        %add3A_175 = arith.constant 2 : i32
        %add3A_176 = arith.addi %scan3A_110, %add3A_175 : i32
        %lt3A_177 = arith.constant 80 : i32
        %lt3A_178 = arith.cmpi slt, %add3A_176, %lt3A_177 : i32
        %convert_element_type3A_179 = arith.extui %lt3A_178 : i1 to i32
        %cond3A_180 = arith.constant 0 : i32
        %cond3A_181 = arith.cmpi ne, %convert_element_type3A_179, %cond3A_180 : i32
        scf.if %cond3A_181 {
          %add3A_193 = arith.constant 2 : i32
          %add3A_194 = arith.addi %scan3A_110, %add3A_193 : i32
          %add3A_195 = arith.addi %mul3A_4, %add3A_194 : i32
          %dma_start3A_196 = arith.constant 0 : i32
          %dma_start3A_197 = arith.constant 0 : i32
          %dma_start3A_198 = tpu.memref_slice %arg6[%rem3A_125, %dma_start3A_196, %dma_start3A_197] : memref<4x2x128xi32, #tpu.memory_space<vmem>> -> memref<1x2x128xi32, #tpu.memory_space<vmem>>
          %dma_start3A_199 = tpu.memref_squeeze %dma_start3A_198 : memref<1x2x128xi32, #tpu.memory_space<vmem>> -> memref<2x128xi32, #tpu.memory_space<vmem>>
          %dma_start3A_200 = arith.constant 0 : i32
          %dma_start3A_201 = arith.constant 0 : i32
          %dma_start3A_202 = tpu.memref_slice %arg4[%add3A_195, %dma_start3A_200, %dma_start3A_201] : memref<2560x2x128xi32, #tpu.memory_space<hbm>> -> memref<1x2x128xi32, #tpu.memory_space<hbm>>
          %dma_start3A_203 = tpu.memref_squeeze %dma_start3A_202 : memref<1x2x128xi32, #tpu.memory_space<hbm>> -> memref<2x128xi32, #tpu.memory_space<hbm>>
          %dma_start3A_204 = arith.constant 0 : i32
          %dma_start3A_205 = arith.constant 0 : i32
          %dma_start3A_206 = tpu.memref_slice %arg6[%rem3A_125, %dma_start3A_204, %dma_start3A_205] : memref<4x2x128xi32, #tpu.memory_space<vmem>> -> memref<1x2x128xi32, #tpu.memory_space<vmem>>
          %dma_start3A_207 = tpu.memref_squeeze %dma_start3A_206 : memref<1x2x128xi32, #tpu.memory_space<vmem>> -> memref<2x128xi32, #tpu.memory_space<vmem>>
          %dma_start3A_208 = arith.constant 0 : i32
          %dma_start3A_209 = arith.constant 0 : i32
          %dma_start3A_210 = tpu.memref_slice %arg4[%add3A_195, %dma_start3A_208, %dma_start3A_209] : memref<2560x2x128xi32, #tpu.memory_space<hbm>> -> memref<1x2x128xi32, #tpu.memory_space<hbm>>
          %dma_start3A_211 = tpu.memref_squeeze %dma_start3A_210 : memref<1x2x128xi32, #tpu.memory_space<hbm>> -> memref<2x128xi32, #tpu.memory_space<hbm>>
          tpu.enqueue_dma source(%dma_start3A_211 : memref<2x128xi32, #tpu.memory_space<hbm>>) target(%dma_start3A_207 : memref<2x128xi32, #tpu.memory_space<vmem>>) target_semaphore(%arg9 : memref<!tpu.dma_semaphore, #tpu.memory_space<semaphore_mem>>)
        } else {
        }
        %dma_start3A_182 = arith.constant 0 : i32
        %dma_start3A_183 = arith.constant 0 : i32
        %dma_start3A_184 = arith.constant 0 : i32
        %dma_start3A_185 = tpu.memref_slice %arg7[%rem3A_121, %dma_start3A_183, %dma_start3A_184] : memref<2x128x128xf32, #tpu.memory_space<vmem>> -> memref<1x128x128xf32, #tpu.memory_space<vmem>>
        %dma_start3A_186 = tpu.memref_squeeze %dma_start3A_185 : memref<1x128x128xf32, #tpu.memory_space<vmem>> -> memref<128x128xf32, #tpu.memory_space<vmem>>
        %dma_start3A_187 = arith.constant 0 : i32
        %dma_start3A_188 = tpu.memref_slice %arg6[%rem3A_117, %dma_start3A_182, %dma_start3A_187] : memref<4x2x128xi32, #tpu.memory_space<vmem>> -> memref<1x1x128xi32, #tpu.memory_space<vmem>>
        %dma_start3A_189 = tpu.memref_squeeze %dma_start3A_188 : memref<1x1x128xi32, #tpu.memory_space<vmem>> -> memref<128xi32, #tpu.memory_space<vmem>>
        %dma_start3A_190 = arith.constant 0 : i32
        %dma_start3A_191 = arith.constant 0 : i32
        %dma_start3A_192 = tpu.memref_slice %arg2[%dma_start3A_190, %dma_start3A_191] : memref<20480x128xf32, #tpu.memory_space<hbm>> -> memref<20480x128xf32, #tpu.memory_space<hbm>>
        tpu.enqueue_indirect_dma source(%dma_start3A_192 : memref<20480x128xf32, #tpu.memory_space<hbm>>) target(%dma_start3A_186 : memref<128x128xf32, #tpu.memory_space<vmem>>) offsets(%dma_start3A_189 : memref<128xi32, #tpu.memory_space<vmem>>) semaphore(%arg10 : memref<!tpu.dma_semaphore, #tpu.memory_space<semaphore_mem>>)
      } else {
      }
      %dma_wait3A_130 = arith.constant 0 : i32
      %dma_wait3A_131 = arith.constant 0 : i32
      %dma_wait3A_132 = arith.constant 0 : i32
      %dma_wait3A_133 = tpu.memref_slice %arg7[%rem3A_113, %dma_wait3A_131, %dma_wait3A_132] : memref<2x128x128xf32, #tpu.memory_space<vmem>> -> memref<1x128x128xf32, #tpu.memory_space<vmem>>
      %dma_wait3A_134 = tpu.memref_squeeze %dma_wait3A_133 : memref<1x128x128xf32, #tpu.memory_space<vmem>> -> memref<128x128xf32, #tpu.memory_space<vmem>>
      %dma_wait3A_135 = arith.constant 0 : i32
      %dma_wait3A_136 = tpu.memref_slice %arg6[%rem3A_111, %dma_wait3A_130, %dma_wait3A_135] : memref<4x2x128xi32, #tpu.memory_space<vmem>> -> memref<1x1x128xi32, #tpu.memory_space<vmem>>
      %dma_wait3A_137 = tpu.memref_squeeze %dma_wait3A_136 : memref<1x1x128xi32, #tpu.memory_space<vmem>> -> memref<128xi32, #tpu.memory_space<vmem>>
      %dma_wait3A_138 = arith.constant 0 : i32
      %dma_wait3A_139 = arith.constant 0 : i32
      %dma_wait3A_140 = tpu.memref_slice %arg2[%dma_wait3A_138, %dma_wait3A_139] : memref<20480x128xf32, #tpu.memory_space<hbm>> -> memref<20480x128xf32, #tpu.memory_space<hbm>>
      tpu.wait_indirect_dma semaphore(%arg10 : memref<!tpu.dma_semaphore, #tpu.memory_space<semaphore_mem>>) src(%dma_wait3A_140 : memref<20480x128xf32, #tpu.memory_space<hbm>>) dst(%dma_wait3A_134 : memref<128x128xf32, #tpu.memory_space<vmem>>)
      %dma_start3A_141 = arith.constant 1 : i32
      %dma_start3A_142 = arith.constant 0 : i32
      %dma_start3A_143 = arith.constant 0 : i32
      %dma_start3A_144 = tpu.memref_slice %arg7[%rem3A_113, %dma_start3A_142, %dma_start3A_143] : memref<2x128x128xf32, #tpu.memory_space<vmem>> -> memref<1x128x128xf32, #tpu.memory_space<vmem>>
      %dma_start3A_145 = tpu.memref_squeeze %dma_start3A_144 : memref<1x128x128xf32, #tpu.memory_space<vmem>> -> memref<128x128xf32, #tpu.memory_space<vmem>>
      %dma_start3A_146 = arith.constant 0 : i32
      %dma_start3A_147 = tpu.memref_slice %arg6[%rem3A_111, %dma_start3A_141, %dma_start3A_146] : memref<4x2x128xi32, #tpu.memory_space<vmem>> -> memref<1x1x128xi32, #tpu.memory_space<vmem>>
      %dma_start3A_148 = tpu.memref_squeeze %dma_start3A_147 : memref<1x1x128xi32, #tpu.memory_space<vmem>> -> memref<128xi32, #tpu.memory_space<vmem>>
      %dma_start3A_149 = arith.constant 0 : i32
      %dma_start3A_150 = arith.constant 0 : i32
      %dma_start3A_151 = tpu.memref_slice %arg8[%dma_start3A_149, %dma_start3A_150] : memref<10240x128xf32, #tpu.memory_space<vmem_shared>> -> memref<10240x128xf32, #tpu.memory_space<vmem_shared>>
      tpu.enqueue_indirect_dma source(%dma_start3A_145 : memref<128x128xf32, #tpu.memory_space<vmem>>) target(%dma_start3A_151 : memref<10240x128xf32, #tpu.memory_space<vmem_shared>>) offsets(%dma_start3A_148 : memref<128xi32, #tpu.memory_space<vmem>>) semaphore(%arg11 : memref<!tpu.dma_semaphore, #tpu.memory_space<semaphore_mem>>) {add = true}
    }
    %scan3A_77 = arith.constant 80 : i32
    %dma_wait3A_78 = arith.constant 0 : i32
    %dma_wait3A_79 = arith.constant 0 : i32
    %dma_wait3A_80 = arith.constant 1 : i32
    %dma_wait3A_81 = arith.constant 0 : i32
    %dma_wait3A_82 = arith.constant 0 : i32
    %dma_wait3A_83 = tpu.memref_slice %arg7[%dma_wait3A_78, %dma_wait3A_81, %dma_wait3A_82] : memref<2x128x128xf32, #tpu.memory_space<vmem>> -> memref<1x128x128xf32, #tpu.memory_space<vmem>>
    %dma_wait3A_84 = tpu.memref_squeeze %dma_wait3A_83 : memref<1x128x128xf32, #tpu.memory_space<vmem>> -> memref<128x128xf32, #tpu.memory_space<vmem>>
    %dma_wait3A_85 = arith.constant 0 : i32
    %dma_wait3A_86 = tpu.memref_slice %arg6[%dma_wait3A_79, %dma_wait3A_80, %dma_wait3A_85] : memref<4x2x128xi32, #tpu.memory_space<vmem>> -> memref<1x1x128xi32, #tpu.memory_space<vmem>>
    %dma_wait3A_87 = tpu.memref_squeeze %dma_wait3A_86 : memref<1x1x128xi32, #tpu.memory_space<vmem>> -> memref<128xi32, #tpu.memory_space<vmem>>
    %dma_wait3A_88 = arith.constant 0 : i32
    %dma_wait3A_89 = arith.constant 0 : i32
    %dma_wait3A_90 = tpu.memref_slice %arg8[%dma_wait3A_88, %dma_wait3A_89] : memref<10240x128xf32, #tpu.memory_space<vmem_shared>> -> memref<10240x128xf32, #tpu.memory_space<vmem_shared>>
    tpu.wait_indirect_dma semaphore(%arg11 : memref<!tpu.dma_semaphore, #tpu.memory_space<semaphore_mem>>) src(%dma_wait3A_84 : memref<128x128xf32, #tpu.memory_space<vmem>>) dst(%dma_wait3A_90 : memref<10240x128xf32, #tpu.memory_space<vmem_shared>>)
    %dma_wait3A_91 = arith.constant 0 : i32
    %dma_wait3A_92 = arith.constant 0 : i32
    %dma_wait3A_93 = arith.constant 1 : i32
    %dma_wait3A_94 = arith.constant 0 : i32
    %dma_wait3A_95 = arith.constant 0 : i32
    %dma_wait3A_96 = tpu.memref_slice %arg7[%dma_wait3A_91, %dma_wait3A_94, %dma_wait3A_95] : memref<2x128x128xf32, #tpu.memory_space<vmem>> -> memref<1x128x128xf32, #tpu.memory_space<vmem>>
    %dma_wait3A_97 = tpu.memref_squeeze %dma_wait3A_96 : memref<1x128x128xf32, #tpu.memory_space<vmem>> -> memref<128x128xf32, #tpu.memory_space<vmem>>
    %dma_wait3A_98 = arith.constant 0 : i32
    %dma_wait3A_99 = tpu.memref_slice %arg6[%dma_wait3A_92, %dma_wait3A_93, %dma_wait3A_98] : memref<4x2x128xi32, #tpu.memory_space<vmem>> -> memref<1x1x128xi32, #tpu.memory_space<vmem>>
    %dma_wait3A_100 = tpu.memref_squeeze %dma_wait3A_99 : memref<1x1x128xi32, #tpu.memory_space<vmem>> -> memref<128xi32, #tpu.memory_space<vmem>>
    %dma_wait3A_101 = arith.constant 0 : i32
    %dma_wait3A_102 = arith.constant 0 : i32
    %dma_wait3A_103 = tpu.memref_slice %arg8[%dma_wait3A_101, %dma_wait3A_102] : memref<10240x128xf32, #tpu.memory_space<vmem_shared>> -> memref<10240x128xf32, #tpu.memory_space<vmem_shared>>
    tpu.wait_indirect_dma semaphore(%arg11 : memref<!tpu.dma_semaphore, #tpu.memory_space<semaphore_mem>>) src(%dma_wait3A_97 : memref<128x128xf32, #tpu.memory_space<vmem>>) dst(%dma_wait3A_103 : memref<10240x128xf32, #tpu.memory_space<vmem_shared>>)
    %barrier3A_104 = arith.constant 0 : index
    tpu.barrier barrier_id(%barrier3A_104)
    %mul3A_105 = arith.constant 10240 : i32
    %mul3A_106 = arith.muli %arg0, %mul3A_105 : i32
    %mul3A_107 = arith.constant 640 : i32
    %mul3A_108 = arith.muli %arg1, %mul3A_107 : i32
    %add3A_109 = arith.addi %mul3A_106, %mul3A_108 : i32
    "tpu.region"() ({
      %run_scoped3A = tpu.sem_alloc : memref<!tpu.dma_semaphore, #tpu.memory_space<semaphore_mem>>
      %dma_start3A_110 = arith.constant 0 : i32
      %dma_start3A_111 = tpu.memref_slice %arg5[%add3A_109, %dma_start3A_110] : memref<20480x128xf32, #tpu.memory_space<hbm>> -> memref<640x128xf32, #tpu.memory_space<hbm>>
      %dma_start3A_112 = arith.constant 0 : i32
      %dma_start3A_113 = tpu.memref_slice %arg8[%mul3A_0, %dma_start3A_112] : memref<10240x128xf32, #tpu.memory_space<vmem_shared>> -> memref<640x128xf32, #tpu.memory_space<vmem_shared>>
      tpu.enqueue_dma source(%dma_start3A_113 : memref<640x128xf32, #tpu.memory_space<vmem_shared>>) target(%dma_start3A_111 : memref<640x128xf32, #tpu.memory_space<hbm>>) target_semaphore(%run_scoped3A : memref<!tpu.dma_semaphore, #tpu.memory_space<semaphore_mem>>)
      %dma_wait3A_114 = arith.constant 0 : i32
      %dma_wait3A_115 = tpu.memref_slice %arg5[%add3A_109, %dma_wait3A_114] : memref<20480x128xf32, #tpu.memory_space<hbm>> -> memref<640x128xf32, #tpu.memory_space<hbm>>
      %dma_wait3A_116 = arith.constant 0 : i32
      %dma_wait3A_117 = tpu.memref_slice %arg8[%mul3A_0, %dma_wait3A_116] : memref<10240x128xf32, #tpu.memory_space<vmem_shared>> -> memref<640x128xf32, #tpu.memory_space<vmem_shared>>
      tpu.wait_dma2 semaphore(%run_scoped3A : memref<!tpu.dma_semaphore, #tpu.memory_space<semaphore_mem>>) src(%dma_wait3A_117 : memref<640x128xf32, #tpu.memory_space<vmem_shared>>) dst(%dma_wait3A_115 : memref<640x128xf32, #tpu.memory_space<hbm>>)
      tpu.yield
    }) : () -> ()
    return
  }
}

#map = affine_map<(d0, d1) -> (0, 0)>
#map1 = affine_map<(d0, d1) -> (0, 0, 0)>
module attributes {stable_mosaic.version = 14 : i64} {
  func.func @agg_kernel(%arg0: i32, %arg1: i32, %arg2: memref<20480x128xf32, #tpu.memory_space<hbm>>, %arg3: memref<10240x128xf32, #tpu.memory_space<hbm>>, %arg4: memref<1280x2x128xi32, #tpu.memory_space<hbm>>, %arg5: memref<20480x128xf32, #tpu.memory_space<hbm>>, %arg6: memref<4x2x128xi32, #tpu.memory_space<vmem>>, %arg7: memref<2x128x128xf32, #tpu.memory_space<vmem>>, %arg8: memref<10240x128xf32, #tpu.memory_space<vmem_shared>>, %arg9: memref<!tpu.dma_semaphore, #tpu.memory_space<semaphore_mem>>, %arg10: memref<!tpu.dma_semaphore, #tpu.memory_space<semaphore_mem>>, %arg11: memref<!tpu.dma_semaphore, #tpu.memory_space<semaphore_mem>>) attributes {dimension_semantics = [#tpu.dimension_semantics<core_parallel>, #tpu.dimension_semantics<subcore_parallel>], iteration_bounds = array<i64: 2, 16>, scalar_prefetch = 0 : i64, scratch_operands = 6 : i64, tpu.core_type = #tpu.core_type<sc_vector_subcore>, window_params = [{transform_indices = #map}, {transform_indices = #map}, {transform_indices = #map1}, {transform_indices = #map}]} {
    %mul3A = arith.constant 640 : i32
    %mul3A_0 = arith.muli %arg1, %mul3A : i32
    "tpu.region"() ({
      %run_scoped3A = tpu.sem_alloc : memref<!tpu.dma_semaphore, #tpu.memory_space<semaphore_mem>>
      %dma_start3A_110 = arith.constant 0 : i32
      %dma_start3A_111 = tpu.memref_slice %arg8[%mul3A_0, %dma_start3A_110] : memref<10240x128xf32, #tpu.memory_space<vmem_shared>> -> memref<640x128xf32, #tpu.memory_space<vmem_shared>>
      %dma_start3A_112 = arith.constant 0 : i32
      %dma_start3A_113 = tpu.memref_slice %arg3[%mul3A_0, %dma_start3A_112] : memref<10240x128xf32, #tpu.memory_space<hbm>> -> memref<640x128xf32, #tpu.memory_space<hbm>>
      tpu.enqueue_dma source(%dma_start3A_113 : memref<640x128xf32, #tpu.memory_space<hbm>>) target(%dma_start3A_111 : memref<640x128xf32, #tpu.memory_space<vmem_shared>>) target_semaphore(%run_scoped3A : memref<!tpu.dma_semaphore, #tpu.memory_space<semaphore_mem>>)
      %dma_wait3A_114 = arith.constant 0 : i32
      %dma_wait3A_115 = tpu.memref_slice %arg8[%mul3A_0, %dma_wait3A_114] : memref<10240x128xf32, #tpu.memory_space<vmem_shared>> -> memref<640x128xf32, #tpu.memory_space<vmem_shared>>
      %dma_wait3A_116 = arith.constant 0 : i32
      %dma_wait3A_117 = tpu.memref_slice %arg3[%mul3A_0, %dma_wait3A_116] : memref<10240x128xf32, #tpu.memory_space<hbm>> -> memref<640x128xf32, #tpu.memory_space<hbm>>
      tpu.wait_dma2 semaphore(%run_scoped3A : memref<!tpu.dma_semaphore, #tpu.memory_space<semaphore_mem>>) src(%dma_wait3A_117 : memref<640x128xf32, #tpu.memory_space<hbm>>) dst(%dma_wait3A_115 : memref<640x128xf32, #tpu.memory_space<vmem_shared>>)
      tpu.yield
    }) : () -> ()
    %barrier3A = arith.constant 0 : index
    tpu.barrier barrier_id(%barrier3A)
    %mul3A_1 = arith.constant 16 : i32
    %mul3A_2 = arith.muli %arg0, %mul3A_1 : i32
    %add3A = arith.addi %mul3A_2, %arg1 : i32
    %mul3A_3 = arith.constant 40 : i32
    %mul3A_4 = arith.muli %add3A, %mul3A_3 : i32
    %add3A_5 = arith.constant 0 : i32
    %add3A_6 = arith.addi %mul3A_4, %add3A_5 : i32
    %dma_start3A = arith.constant 0 : i32
    %dma_start3A_7 = arith.constant 0 : i32
    %dma_start3A_8 = arith.constant 0 : i32
    %dma_start3A_9 = tpu.memref_slice %arg6[%dma_start3A, %dma_start3A_7, %dma_start3A_8] : memref<4x2x128xi32, #tpu.memory_space<vmem>> -> memref<1x2x128xi32, #tpu.memory_space<vmem>>
    %dma_start3A_10 = tpu.memref_squeeze %dma_start3A_9 : memref<1x2x128xi32, #tpu.memory_space<vmem>> -> memref<2x128xi32, #tpu.memory_space<vmem>>
    %dma_start3A_11 = arith.constant 0 : i32
    %dma_start3A_12 = arith.constant 0 : i32
    %dma_start3A_13 = tpu.memref_slice %arg4[%add3A_6, %dma_start3A_11, %dma_start3A_12] : memref<1280x2x128xi32, #tpu.memory_space<hbm>> -> memref<1x2x128xi32, #tpu.memory_space<hbm>>
    %dma_start3A_14 = tpu.memref_squeeze %dma_start3A_13 : memref<1x2x128xi32, #tpu.memory_space<hbm>> -> memref<2x128xi32, #tpu.memory_space<hbm>>
    %dma_start3A_15 = arith.constant 0 : i32
    %dma_start3A_16 = arith.constant 0 : i32
    %dma_start3A_17 = tpu.memref_slice %arg6[%dma_start3A, %dma_start3A_15, %dma_start3A_16] : memref<4x2x128xi32, #tpu.memory_space<vmem>> -> memref<1x2x128xi32, #tpu.memory_space<vmem>>
    %dma_start3A_18 = tpu.memref_squeeze %dma_start3A_17 : memref<1x2x128xi32, #tpu.memory_space<vmem>> -> memref<2x128xi32, #tpu.memory_space<vmem>>
    %dma_start3A_19 = arith.constant 0 : i32
    %dma_start3A_20 = arith.constant 0 : i32
    %dma_start3A_21 = tpu.memref_slice %arg4[%add3A_6, %dma_start3A_19, %dma_start3A_20] : memref<1280x2x128xi32, #tpu.memory_space<hbm>> -> memref<1x2x128xi32, #tpu.memory_space<hbm>>
    %dma_start3A_22 = tpu.memref_squeeze %dma_start3A_21 : memref<1x2x128xi32, #tpu.memory_space<hbm>> -> memref<2x128xi32, #tpu.memory_space<hbm>>
    tpu.enqueue_dma source(%dma_start3A_22 : memref<2x128xi32, #tpu.memory_space<hbm>>) target(%dma_start3A_18 : memref<2x128xi32, #tpu.memory_space<vmem>>) target_semaphore(%arg9 : memref<!tpu.dma_semaphore, #tpu.memory_space<semaphore_mem>>)
    %add3A_23 = arith.constant 0 : i32
    %add3A_24 = arith.addi %mul3A_4, %add3A_23 : i32
    %dma_wait3A = arith.constant 0 : i32
    %dma_wait3A_25 = arith.constant 0 : i32
    %dma_wait3A_26 = arith.constant 0 : i32
    %dma_wait3A_27 = tpu.memref_slice %arg6[%dma_wait3A, %dma_wait3A_25, %dma_wait3A_26] : memref<4x2x128xi32, #tpu.memory_space<vmem>> -> memref<1x2x128xi32, #tpu.memory_space<vmem>>
    %dma_wait3A_28 = tpu.memref_squeeze %dma_wait3A_27 : memref<1x2x128xi32, #tpu.memory_space<vmem>> -> memref<2x128xi32, #tpu.memory_space<vmem>>
    %dma_wait3A_29 = arith.constant 0 : i32
    %dma_wait3A_30 = arith.constant 0 : i32
    %dma_wait3A_31 = tpu.memref_slice %arg4[%add3A_24, %dma_wait3A_29, %dma_wait3A_30] : memref<1280x2x128xi32, #tpu.memory_space<hbm>> -> memref<1x2x128xi32, #tpu.memory_space<hbm>>
    %dma_wait3A_32 = tpu.memref_squeeze %dma_wait3A_31 : memref<1x2x128xi32, #tpu.memory_space<hbm>> -> memref<2x128xi32, #tpu.memory_space<hbm>>
    %dma_wait3A_33 = arith.constant 0 : i32
    %dma_wait3A_34 = arith.constant 0 : i32
    %dma_wait3A_35 = tpu.memref_slice %arg6[%dma_wait3A, %dma_wait3A_33, %dma_wait3A_34] : memref<4x2x128xi32, #tpu.memory_space<vmem>> -> memref<1x2x128xi32, #tpu.memory_space<vmem>>
    %dma_wait3A_36 = tpu.memref_squeeze %dma_wait3A_35 : memref<1x2x128xi32, #tpu.memory_space<vmem>> -> memref<2x128xi32, #tpu.memory_space<vmem>>
    %dma_wait3A_37 = arith.constant 0 : i32
    %dma_wait3A_38 = arith.constant 0 : i32
    %dma_wait3A_39 = tpu.memref_slice %arg4[%add3A_24, %dma_wait3A_37, %dma_wait3A_38] : memref<1280x2x128xi32, #tpu.memory_space<hbm>> -> memref<1x2x128xi32, #tpu.memory_space<hbm>>
    %dma_wait3A_40 = tpu.memref_squeeze %dma_wait3A_39 : memref<1x2x128xi32, #tpu.memory_space<hbm>> -> memref<2x128xi32, #tpu.memory_space<hbm>>
    tpu.wait_dma2 semaphore(%arg9 : memref<!tpu.dma_semaphore, #tpu.memory_space<semaphore_mem>>) src(%dma_wait3A_40 : memref<2x128xi32, #tpu.memory_space<hbm>>) dst(%dma_wait3A_36 : memref<2x128xi32, #tpu.memory_space<vmem>>)
    %add3A_41 = arith.constant 1 : i32
    %add3A_42 = arith.addi %mul3A_4, %add3A_41 : i32
    %dma_start3A_43 = arith.constant 1 : i32
    %dma_start3A_44 = arith.constant 0 : i32
    %dma_start3A_45 = arith.constant 0 : i32
    %dma_start3A_46 = tpu.memref_slice %arg6[%dma_start3A_43, %dma_start3A_44, %dma_start3A_45] : memref<4x2x128xi32, #tpu.memory_space<vmem>> -> memref<1x2x128xi32, #tpu.memory_space<vmem>>
    %dma_start3A_47 = tpu.memref_squeeze %dma_start3A_46 : memref<1x2x128xi32, #tpu.memory_space<vmem>> -> memref<2x128xi32, #tpu.memory_space<vmem>>
    %dma_start3A_48 = arith.constant 0 : i32
    %dma_start3A_49 = arith.constant 0 : i32
    %dma_start3A_50 = tpu.memref_slice %arg4[%add3A_42, %dma_start3A_48, %dma_start3A_49] : memref<1280x2x128xi32, #tpu.memory_space<hbm>> -> memref<1x2x128xi32, #tpu.memory_space<hbm>>
    %dma_start3A_51 = tpu.memref_squeeze %dma_start3A_50 : memref<1x2x128xi32, #tpu.memory_space<hbm>> -> memref<2x128xi32, #tpu.memory_space<hbm>>
    %dma_start3A_52 = arith.constant 0 : i32
    %dma_start3A_53 = arith.constant 0 : i32
    %dma_start3A_54 = tpu.memref_slice %arg6[%dma_start3A_43, %dma_start3A_52, %dma_start3A_53] : memref<4x2x128xi32, #tpu.memory_space<vmem>> -> memref<1x2x128xi32, #tpu.memory_space<vmem>>
    %dma_start3A_55 = tpu.memref_squeeze %dma_start3A_54 : memref<1x2x128xi32, #tpu.memory_space<vmem>> -> memref<2x128xi32, #tpu.memory_space<vmem>>
    %dma_start3A_56 = arith.constant 0 : i32
    %dma_start3A_57 = arith.constant 0 : i32
    %dma_start3A_58 = tpu.memref_slice %arg4[%add3A_42, %dma_start3A_56, %dma_start3A_57] : memref<1280x2x128xi32, #tpu.memory_space<hbm>> -> memref<1x2x128xi32, #tpu.memory_space<hbm>>
    %dma_start3A_59 = tpu.memref_squeeze %dma_start3A_58 : memref<1x2x128xi32, #tpu.memory_space<hbm>> -> memref<2x128xi32, #tpu.memory_space<hbm>>
    tpu.enqueue_dma source(%dma_start3A_59 : memref<2x128xi32, #tpu.memory_space<hbm>>) target(%dma_start3A_55 : memref<2x128xi32, #tpu.memory_space<vmem>>) target_semaphore(%arg9 : memref<!tpu.dma_semaphore, #tpu.memory_space<semaphore_mem>>)
    %dma_start3A_60 = arith.constant 0 : i32
    %dma_start3A_61 = arith.constant 0 : i32
    %dma_start3A_62 = arith.constant 0 : i32
    %dma_start3A_63 = arith.constant 0 : i32
    %dma_start3A_64 = arith.constant 0 : i32
    %dma_start3A_65 = tpu.memref_slice %arg7[%dma_start3A_62, %dma_start3A_63, %dma_start3A_64] : memref<2x128x128xf32, #tpu.memory_space<vmem>> -> memref<1x128x128xf32, #tpu.memory_space<vmem>>
    %dma_start3A_66 = tpu.memref_squeeze %dma_start3A_65 : memref<1x128x128xf32, #tpu.memory_space<vmem>> -> memref<128x128xf32, #tpu.memory_space<vmem>>
    %dma_start3A_67 = arith.constant 0 : i32
    %dma_start3A_68 = tpu.memref_slice %arg6[%dma_start3A_60, %dma_start3A_61, %dma_start3A_67] : memref<4x2x128xi32, #tpu.memory_space<vmem>> -> memref<1x1x128xi32, #tpu.memory_space<vmem>>
    %dma_start3A_69 = tpu.memref_squeeze %dma_start3A_68 : memref<1x1x128xi32, #tpu.memory_space<vmem>> -> memref<128xi32, #tpu.memory_space<vmem>>
    %dma_start3A_70 = arith.constant 0 : i32
    %dma_start3A_71 = arith.constant 0 : i32
    %dma_start3A_72 = tpu.memref_slice %arg2[%dma_start3A_70, %dma_start3A_71] : memref<20480x128xf32, #tpu.memory_space<hbm>> -> memref<20480x128xf32, #tpu.memory_space<hbm>>
    tpu.enqueue_indirect_dma source(%dma_start3A_72 : memref<20480x128xf32, #tpu.memory_space<hbm>>) target(%dma_start3A_66 : memref<128x128xf32, #tpu.memory_space<vmem>>) offsets(%dma_start3A_69 : memref<128xi32, #tpu.memory_space<vmem>>) semaphore(%arg10 : memref<!tpu.dma_semaphore, #tpu.memory_space<semaphore_mem>>)
    %scan3A = arith.constant 0 : i32
    %scan3A_73 = arith.constant 0 : i32
    %scan3A_74 = arith.constant 40 : i32
    %scan3A_75 = arith.addi %scan3A_73, %scan3A_74 : i32
    %scan3A_76 = arith.constant 1 : i32
    scf.for %scan3A_110 = %scan3A_73 to %scan3A_75 step %scan3A_76  : i32 {
      %rem3A = arith.constant 4 : i32
      %rem3A_111 = arith.remsi %scan3A_110, %rem3A : i32
      %rem3A_112 = arith.constant 2 : i32
      %rem3A_113 = arith.remsi %scan3A_110, %rem3A_112 : i32
      %add3A_114 = arith.constant 1 : i32
      %add3A_115 = arith.addi %scan3A_110, %add3A_114 : i32
      %rem3A_116 = arith.constant 4 : i32
      %rem3A_117 = arith.remsi %add3A_115, %rem3A_116 : i32
      %add3A_118 = arith.constant 1 : i32
      %add3A_119 = arith.addi %scan3A_110, %add3A_118 : i32
      %rem3A_120 = arith.constant 2 : i32
      %rem3A_121 = arith.remsi %add3A_119, %rem3A_120 : i32
      %add3A_122 = arith.constant 2 : i32
      %add3A_123 = arith.addi %scan3A_110, %add3A_122 : i32
      %rem3A_124 = arith.constant 4 : i32
      %rem3A_125 = arith.remsi %add3A_123, %rem3A_124 : i32
      %add3A_126 = arith.constant 1 : i32
      %add3A_127 = arith.addi %scan3A_110, %add3A_126 : i32
      %lt3A = arith.constant 40 : i32
      %lt3A_128 = arith.cmpi slt, %add3A_127, %lt3A : i32
      %convert_element_type3A = arith.extui %lt3A_128 : i1 to i32
      %cond3A = arith.constant 0 : i32
      %cond3A_129 = arith.cmpi ne, %convert_element_type3A, %cond3A : i32
      scf.if %cond3A_129 {
        %add3A_152 = arith.constant 1 : i32
        %add3A_153 = arith.addi %scan3A_110, %add3A_152 : i32
        %add3A_154 = arith.addi %mul3A_4, %add3A_153 : i32
        %dma_wait3A_155 = arith.constant 0 : i32
        %dma_wait3A_156 = arith.constant 0 : i32
        %dma_wait3A_157 = tpu.memref_slice %arg6[%rem3A_117, %dma_wait3A_155, %dma_wait3A_156] : memref<4x2x128xi32, #tpu.memory_space<vmem>> -> memref<1x2x128xi32, #tpu.memory_space<vmem>>
        %dma_wait3A_158 = tpu.memref_squeeze %dma_wait3A_157 : memref<1x2x128xi32, #tpu.memory_space<vmem>> -> memref<2x128xi32, #tpu.memory_space<vmem>>
        %dma_wait3A_159 = arith.constant 0 : i32
        %dma_wait3A_160 = arith.constant 0 : i32
        %dma_wait3A_161 = tpu.memref_slice %arg4[%add3A_154, %dma_wait3A_159, %dma_wait3A_160] : memref<1280x2x128xi32, #tpu.memory_space<hbm>> -> memref<1x2x128xi32, #tpu.memory_space<hbm>>
        %dma_wait3A_162 = tpu.memref_squeeze %dma_wait3A_161 : memref<1x2x128xi32, #tpu.memory_space<hbm>> -> memref<2x128xi32, #tpu.memory_space<hbm>>
        %dma_wait3A_163 = arith.constant 0 : i32
        %dma_wait3A_164 = arith.constant 0 : i32
        %dma_wait3A_165 = tpu.memref_slice %arg6[%rem3A_117, %dma_wait3A_163, %dma_wait3A_164] : memref<4x2x128xi32, #tpu.memory_space<vmem>> -> memref<1x2x128xi32, #tpu.memory_space<vmem>>
        %dma_wait3A_166 = tpu.memref_squeeze %dma_wait3A_165 : memref<1x2x128xi32, #tpu.memory_space<vmem>> -> memref<2x128xi32, #tpu.memory_space<vmem>>
        %dma_wait3A_167 = arith.constant 0 : i32
        %dma_wait3A_168 = arith.constant 0 : i32
        %dma_wait3A_169 = tpu.memref_slice %arg4[%add3A_154, %dma_wait3A_167, %dma_wait3A_168] : memref<1280x2x128xi32, #tpu.memory_space<hbm>> -> memref<1x2x128xi32, #tpu.memory_space<hbm>>
        %dma_wait3A_170 = tpu.memref_squeeze %dma_wait3A_169 : memref<1x2x128xi32, #tpu.memory_space<hbm>> -> memref<2x128xi32, #tpu.memory_space<hbm>>
        tpu.wait_dma2 semaphore(%arg9 : memref<!tpu.dma_semaphore, #tpu.memory_space<semaphore_mem>>) src(%dma_wait3A_170 : memref<2x128xi32, #tpu.memory_space<hbm>>) dst(%dma_wait3A_166 : memref<2x128xi32, #tpu.memory_space<vmem>>)
        %ge3A = arith.constant 1 : i32
        %ge3A_171 = arith.cmpi sge, %scan3A_110, %ge3A : i32
        %convert_element_type3A_172 = arith.extui %ge3A_171 : i1 to i32
        %cond3A_173 = arith.constant 0 : i32
        %cond3A_174 = arith.cmpi ne, %convert_element_type3A_172, %cond3A_173 : i32
        scf.if %cond3A_174 {
          %dma_wait3A_193 = arith.constant 1 : i32
          %dma_wait3A_194 = arith.constant 0 : i32
          %dma_wait3A_195 = arith.constant 0 : i32
          %dma_wait3A_196 = tpu.memref_slice %arg7[%rem3A_121, %dma_wait3A_194, %dma_wait3A_195] : memref<2x128x128xf32, #tpu.memory_space<vmem>> -> memref<1x128x128xf32, #tpu.memory_space<vmem>>
          %dma_wait3A_197 = tpu.memref_squeeze %dma_wait3A_196 : memref<1x128x128xf32, #tpu.memory_space<vmem>> -> memref<128x128xf32, #tpu.memory_space<vmem>>
          %dma_wait3A_198 = arith.constant 0 : i32
          %dma_wait3A_199 = tpu.memref_slice %arg6[%rem3A_117, %dma_wait3A_193, %dma_wait3A_198] : memref<4x2x128xi32, #tpu.memory_space<vmem>> -> memref<1x1x128xi32, #tpu.memory_space<vmem>>
          %dma_wait3A_200 = tpu.memref_squeeze %dma_wait3A_199 : memref<1x1x128xi32, #tpu.memory_space<vmem>> -> memref<128xi32, #tpu.memory_space<vmem>>
          %dma_wait3A_201 = arith.constant 0 : i32
          %dma_wait3A_202 = arith.constant 0 : i32
          %dma_wait3A_203 = tpu.memref_slice %arg8[%dma_wait3A_201, %dma_wait3A_202] : memref<10240x128xf32, #tpu.memory_space<vmem_shared>> -> memref<10240x128xf32, #tpu.memory_space<vmem_shared>>
          tpu.wait_indirect_dma semaphore(%arg11 : memref<!tpu.dma_semaphore, #tpu.memory_space<semaphore_mem>>) src(%dma_wait3A_197 : memref<128x128xf32, #tpu.memory_space<vmem>>) dst(%dma_wait3A_203 : memref<10240x128xf32, #tpu.memory_space<vmem_shared>>)
        } else {
        }
        %add3A_175 = arith.constant 2 : i32
        %add3A_176 = arith.addi %scan3A_110, %add3A_175 : i32
        %lt3A_177 = arith.constant 40 : i32
        %lt3A_178 = arith.cmpi slt, %add3A_176, %lt3A_177 : i32
        %convert_element_type3A_179 = arith.extui %lt3A_178 : i1 to i32
        %cond3A_180 = arith.constant 0 : i32
        %cond3A_181 = arith.cmpi ne, %convert_element_type3A_179, %cond3A_180 : i32
        scf.if %cond3A_181 {
          %add3A_193 = arith.constant 2 : i32
          %add3A_194 = arith.addi %scan3A_110, %add3A_193 : i32
          %add3A_195 = arith.addi %mul3A_4, %add3A_194 : i32
          %dma_start3A_196 = arith.constant 0 : i32
          %dma_start3A_197 = arith.constant 0 : i32
          %dma_start3A_198 = tpu.memref_slice %arg6[%rem3A_125, %dma_start3A_196, %dma_start3A_197] : memref<4x2x128xi32, #tpu.memory_space<vmem>> -> memref<1x2x128xi32, #tpu.memory_space<vmem>>
          %dma_start3A_199 = tpu.memref_squeeze %dma_start3A_198 : memref<1x2x128xi32, #tpu.memory_space<vmem>> -> memref<2x128xi32, #tpu.memory_space<vmem>>
          %dma_start3A_200 = arith.constant 0 : i32
          %dma_start3A_201 = arith.constant 0 : i32
          %dma_start3A_202 = tpu.memref_slice %arg4[%add3A_195, %dma_start3A_200, %dma_start3A_201] : memref<1280x2x128xi32, #tpu.memory_space<hbm>> -> memref<1x2x128xi32, #tpu.memory_space<hbm>>
          %dma_start3A_203 = tpu.memref_squeeze %dma_start3A_202 : memref<1x2x128xi32, #tpu.memory_space<hbm>> -> memref<2x128xi32, #tpu.memory_space<hbm>>
          %dma_start3A_204 = arith.constant 0 : i32
          %dma_start3A_205 = arith.constant 0 : i32
          %dma_start3A_206 = tpu.memref_slice %arg6[%rem3A_125, %dma_start3A_204, %dma_start3A_205] : memref<4x2x128xi32, #tpu.memory_space<vmem>> -> memref<1x2x128xi32, #tpu.memory_space<vmem>>
          %dma_start3A_207 = tpu.memref_squeeze %dma_start3A_206 : memref<1x2x128xi32, #tpu.memory_space<vmem>> -> memref<2x128xi32, #tpu.memory_space<vmem>>
          %dma_start3A_208 = arith.constant 0 : i32
          %dma_start3A_209 = arith.constant 0 : i32
          %dma_start3A_210 = tpu.memref_slice %arg4[%add3A_195, %dma_start3A_208, %dma_start3A_209] : memref<1280x2x128xi32, #tpu.memory_space<hbm>> -> memref<1x2x128xi32, #tpu.memory_space<hbm>>
          %dma_start3A_211 = tpu.memref_squeeze %dma_start3A_210 : memref<1x2x128xi32, #tpu.memory_space<hbm>> -> memref<2x128xi32, #tpu.memory_space<hbm>>
          tpu.enqueue_dma source(%dma_start3A_211 : memref<2x128xi32, #tpu.memory_space<hbm>>) target(%dma_start3A_207 : memref<2x128xi32, #tpu.memory_space<vmem>>) target_semaphore(%arg9 : memref<!tpu.dma_semaphore, #tpu.memory_space<semaphore_mem>>)
        } else {
        }
        %dma_start3A_182 = arith.constant 0 : i32
        %dma_start3A_183 = arith.constant 0 : i32
        %dma_start3A_184 = arith.constant 0 : i32
        %dma_start3A_185 = tpu.memref_slice %arg7[%rem3A_121, %dma_start3A_183, %dma_start3A_184] : memref<2x128x128xf32, #tpu.memory_space<vmem>> -> memref<1x128x128xf32, #tpu.memory_space<vmem>>
        %dma_start3A_186 = tpu.memref_squeeze %dma_start3A_185 : memref<1x128x128xf32, #tpu.memory_space<vmem>> -> memref<128x128xf32, #tpu.memory_space<vmem>>
        %dma_start3A_187 = arith.constant 0 : i32
        %dma_start3A_188 = tpu.memref_slice %arg6[%rem3A_117, %dma_start3A_182, %dma_start3A_187] : memref<4x2x128xi32, #tpu.memory_space<vmem>> -> memref<1x1x128xi32, #tpu.memory_space<vmem>>
        %dma_start3A_189 = tpu.memref_squeeze %dma_start3A_188 : memref<1x1x128xi32, #tpu.memory_space<vmem>> -> memref<128xi32, #tpu.memory_space<vmem>>
        %dma_start3A_190 = arith.constant 0 : i32
        %dma_start3A_191 = arith.constant 0 : i32
        %dma_start3A_192 = tpu.memref_slice %arg2[%dma_start3A_190, %dma_start3A_191] : memref<20480x128xf32, #tpu.memory_space<hbm>> -> memref<20480x128xf32, #tpu.memory_space<hbm>>
        tpu.enqueue_indirect_dma source(%dma_start3A_192 : memref<20480x128xf32, #tpu.memory_space<hbm>>) target(%dma_start3A_186 : memref<128x128xf32, #tpu.memory_space<vmem>>) offsets(%dma_start3A_189 : memref<128xi32, #tpu.memory_space<vmem>>) semaphore(%arg10 : memref<!tpu.dma_semaphore, #tpu.memory_space<semaphore_mem>>)
      } else {
      }
      %dma_wait3A_130 = arith.constant 0 : i32
      %dma_wait3A_131 = arith.constant 0 : i32
      %dma_wait3A_132 = arith.constant 0 : i32
      %dma_wait3A_133 = tpu.memref_slice %arg7[%rem3A_113, %dma_wait3A_131, %dma_wait3A_132] : memref<2x128x128xf32, #tpu.memory_space<vmem>> -> memref<1x128x128xf32, #tpu.memory_space<vmem>>
      %dma_wait3A_134 = tpu.memref_squeeze %dma_wait3A_133 : memref<1x128x128xf32, #tpu.memory_space<vmem>> -> memref<128x128xf32, #tpu.memory_space<vmem>>
      %dma_wait3A_135 = arith.constant 0 : i32
      %dma_wait3A_136 = tpu.memref_slice %arg6[%rem3A_111, %dma_wait3A_130, %dma_wait3A_135] : memref<4x2x128xi32, #tpu.memory_space<vmem>> -> memref<1x1x128xi32, #tpu.memory_space<vmem>>
      %dma_wait3A_137 = tpu.memref_squeeze %dma_wait3A_136 : memref<1x1x128xi32, #tpu.memory_space<vmem>> -> memref<128xi32, #tpu.memory_space<vmem>>
      %dma_wait3A_138 = arith.constant 0 : i32
      %dma_wait3A_139 = arith.constant 0 : i32
      %dma_wait3A_140 = tpu.memref_slice %arg2[%dma_wait3A_138, %dma_wait3A_139] : memref<20480x128xf32, #tpu.memory_space<hbm>> -> memref<20480x128xf32, #tpu.memory_space<hbm>>
      tpu.wait_indirect_dma semaphore(%arg10 : memref<!tpu.dma_semaphore, #tpu.memory_space<semaphore_mem>>) src(%dma_wait3A_140 : memref<20480x128xf32, #tpu.memory_space<hbm>>) dst(%dma_wait3A_134 : memref<128x128xf32, #tpu.memory_space<vmem>>)
      %dma_start3A_141 = arith.constant 1 : i32
      %dma_start3A_142 = arith.constant 0 : i32
      %dma_start3A_143 = arith.constant 0 : i32
      %dma_start3A_144 = tpu.memref_slice %arg7[%rem3A_113, %dma_start3A_142, %dma_start3A_143] : memref<2x128x128xf32, #tpu.memory_space<vmem>> -> memref<1x128x128xf32, #tpu.memory_space<vmem>>
      %dma_start3A_145 = tpu.memref_squeeze %dma_start3A_144 : memref<1x128x128xf32, #tpu.memory_space<vmem>> -> memref<128x128xf32, #tpu.memory_space<vmem>>
      %dma_start3A_146 = arith.constant 0 : i32
      %dma_start3A_147 = tpu.memref_slice %arg6[%rem3A_111, %dma_start3A_141, %dma_start3A_146] : memref<4x2x128xi32, #tpu.memory_space<vmem>> -> memref<1x1x128xi32, #tpu.memory_space<vmem>>
      %dma_start3A_148 = tpu.memref_squeeze %dma_start3A_147 : memref<1x1x128xi32, #tpu.memory_space<vmem>> -> memref<128xi32, #tpu.memory_space<vmem>>
      %dma_start3A_149 = arith.constant 0 : i32
      %dma_start3A_150 = arith.constant 0 : i32
      %dma_start3A_151 = tpu.memref_slice %arg8[%dma_start3A_149, %dma_start3A_150] : memref<10240x128xf32, #tpu.memory_space<vmem_shared>> -> memref<10240x128xf32, #tpu.memory_space<vmem_shared>>
      tpu.enqueue_indirect_dma source(%dma_start3A_145 : memref<128x128xf32, #tpu.memory_space<vmem>>) target(%dma_start3A_151 : memref<10240x128xf32, #tpu.memory_space<vmem_shared>>) offsets(%dma_start3A_148 : memref<128xi32, #tpu.memory_space<vmem>>) semaphore(%arg11 : memref<!tpu.dma_semaphore, #tpu.memory_space<semaphore_mem>>) {add = true}
    }
    %scan3A_77 = arith.constant 40 : i32
    %dma_wait3A_78 = arith.constant 0 : i32
    %dma_wait3A_79 = arith.constant 0 : i32
    %dma_wait3A_80 = arith.constant 1 : i32
    %dma_wait3A_81 = arith.constant 0 : i32
    %dma_wait3A_82 = arith.constant 0 : i32
    %dma_wait3A_83 = tpu.memref_slice %arg7[%dma_wait3A_78, %dma_wait3A_81, %dma_wait3A_82] : memref<2x128x128xf32, #tpu.memory_space<vmem>> -> memref<1x128x128xf32, #tpu.memory_space<vmem>>
    %dma_wait3A_84 = tpu.memref_squeeze %dma_wait3A_83 : memref<1x128x128xf32, #tpu.memory_space<vmem>> -> memref<128x128xf32, #tpu.memory_space<vmem>>
    %dma_wait3A_85 = arith.constant 0 : i32
    %dma_wait3A_86 = tpu.memref_slice %arg6[%dma_wait3A_79, %dma_wait3A_80, %dma_wait3A_85] : memref<4x2x128xi32, #tpu.memory_space<vmem>> -> memref<1x1x128xi32, #tpu.memory_space<vmem>>
    %dma_wait3A_87 = tpu.memref_squeeze %dma_wait3A_86 : memref<1x1x128xi32, #tpu.memory_space<vmem>> -> memref<128xi32, #tpu.memory_space<vmem>>
    %dma_wait3A_88 = arith.constant 0 : i32
    %dma_wait3A_89 = arith.constant 0 : i32
    %dma_wait3A_90 = tpu.memref_slice %arg8[%dma_wait3A_88, %dma_wait3A_89] : memref<10240x128xf32, #tpu.memory_space<vmem_shared>> -> memref<10240x128xf32, #tpu.memory_space<vmem_shared>>
    tpu.wait_indirect_dma semaphore(%arg11 : memref<!tpu.dma_semaphore, #tpu.memory_space<semaphore_mem>>) src(%dma_wait3A_84 : memref<128x128xf32, #tpu.memory_space<vmem>>) dst(%dma_wait3A_90 : memref<10240x128xf32, #tpu.memory_space<vmem_shared>>)
    %dma_wait3A_91 = arith.constant 0 : i32
    %dma_wait3A_92 = arith.constant 0 : i32
    %dma_wait3A_93 = arith.constant 1 : i32
    %dma_wait3A_94 = arith.constant 0 : i32
    %dma_wait3A_95 = arith.constant 0 : i32
    %dma_wait3A_96 = tpu.memref_slice %arg7[%dma_wait3A_91, %dma_wait3A_94, %dma_wait3A_95] : memref<2x128x128xf32, #tpu.memory_space<vmem>> -> memref<1x128x128xf32, #tpu.memory_space<vmem>>
    %dma_wait3A_97 = tpu.memref_squeeze %dma_wait3A_96 : memref<1x128x128xf32, #tpu.memory_space<vmem>> -> memref<128x128xf32, #tpu.memory_space<vmem>>
    %dma_wait3A_98 = arith.constant 0 : i32
    %dma_wait3A_99 = tpu.memref_slice %arg6[%dma_wait3A_92, %dma_wait3A_93, %dma_wait3A_98] : memref<4x2x128xi32, #tpu.memory_space<vmem>> -> memref<1x1x128xi32, #tpu.memory_space<vmem>>
    %dma_wait3A_100 = tpu.memref_squeeze %dma_wait3A_99 : memref<1x1x128xi32, #tpu.memory_space<vmem>> -> memref<128xi32, #tpu.memory_space<vmem>>
    %dma_wait3A_101 = arith.constant 0 : i32
    %dma_wait3A_102 = arith.constant 0 : i32
    %dma_wait3A_103 = tpu.memref_slice %arg8[%dma_wait3A_101, %dma_wait3A_102] : memref<10240x128xf32, #tpu.memory_space<vmem_shared>> -> memref<10240x128xf32, #tpu.memory_space<vmem_shared>>
    tpu.wait_indirect_dma semaphore(%arg11 : memref<!tpu.dma_semaphore, #tpu.memory_space<semaphore_mem>>) src(%dma_wait3A_97 : memref<128x128xf32, #tpu.memory_space<vmem>>) dst(%dma_wait3A_103 : memref<10240x128xf32, #tpu.memory_space<vmem_shared>>)
    %barrier3A_104 = arith.constant 0 : index
    tpu.barrier barrier_id(%barrier3A_104)
    %mul3A_105 = arith.constant 10240 : i32
    %mul3A_106 = arith.muli %arg0, %mul3A_105 : i32
    %mul3A_107 = arith.constant 640 : i32
    %mul3A_108 = arith.muli %arg1, %mul3A_107 : i32
    %add3A_109 = arith.addi %mul3A_106, %mul3A_108 : i32
    "tpu.region"() ({
      %run_scoped3A = tpu.sem_alloc : memref<!tpu.dma_semaphore, #tpu.memory_space<semaphore_mem>>
      %dma_start3A_110 = arith.constant 0 : i32
      %dma_start3A_111 = tpu.memref_slice %arg5[%add3A_109, %dma_start3A_110] : memref<20480x128xf32, #tpu.memory_space<hbm>> -> memref<640x128xf32, #tpu.memory_space<hbm>>
      %dma_start3A_112 = arith.constant 0 : i32
      %dma_start3A_113 = tpu.memref_slice %arg8[%mul3A_0, %dma_start3A_112] : memref<10240x128xf32, #tpu.memory_space<vmem_shared>> -> memref<640x128xf32, #tpu.memory_space<vmem_shared>>
      tpu.enqueue_dma source(%dma_start3A_113 : memref<640x128xf32, #tpu.memory_space<vmem_shared>>) target(%dma_start3A_111 : memref<640x128xf32, #tpu.memory_space<hbm>>) target_semaphore(%run_scoped3A : memref<!tpu.dma_semaphore, #tpu.memory_space<semaphore_mem>>)
      %dma_wait3A_114 = arith.constant 0 : i32
      %dma_wait3A_115 = tpu.memref_slice %arg5[%add3A_109, %dma_wait3A_114] : memref<20480x128xf32, #tpu.memory_space<hbm>> -> memref<640x128xf32, #tpu.memory_space<hbm>>
      %dma_wait3A_116 = arith.constant 0 : i32
      %dma_wait3A_117 = tpu.memref_slice %arg8[%mul3A_0, %dma_wait3A_116] : memref<10240x128xf32, #tpu.memory_space<vmem_shared>> -> memref<640x128xf32, #tpu.memory_space<vmem_shared>>
      tpu.wait_dma2 semaphore(%run_scoped3A : memref<!tpu.dma_semaphore, #tpu.memory_space<semaphore_mem>>) src(%dma_wait3A_117 : memref<640x128xf32, #tpu.memory_space<vmem_shared>>) dst(%dma_wait3A_115 : memref<640x128xf32, #tpu.memory_space<hbm>>)
      tpu.yield
    }) : () -> ()
    return
  }
}

#map = affine_map<(d0, d1) -> (0, 0)>
#map1 = affine_map<(d0, d1) -> (0, 0, 0)>
module attributes {stable_mosaic.version = 14 : i64} {
  func.func @agg_kernel(%arg0: i32, %arg1: i32, %arg2: memref<20480x128xf32, #tpu.memory_space<hbm>>, %arg3: memref<10240x128xf32, #tpu.memory_space<hbm>>, %arg4: memref<2560x2x128xi32, #tpu.memory_space<hbm>>, %arg5: memref<20480x128xf32, #tpu.memory_space<hbm>>, %arg6: memref<4x2x128xi32, #tpu.memory_space<vmem>>, %arg7: memref<2x128x128xf32, #tpu.memory_space<vmem>>, %arg8: memref<10240x128xf32, #tpu.memory_space<vmem_shared>>, %arg9: memref<!tpu.dma_semaphore, #tpu.memory_space<semaphore_mem>>, %arg10: memref<!tpu.dma_semaphore, #tpu.memory_space<semaphore_mem>>, %arg11: memref<!tpu.dma_semaphore, #tpu.memory_space<semaphore_mem>>) attributes {dimension_semantics = [#tpu.dimension_semantics<core_parallel>, #tpu.dimension_semantics<subcore_parallel>], iteration_bounds = array<i64: 2, 16>, scalar_prefetch = 0 : i64, scratch_operands = 6 : i64, tpu.core_type = #tpu.core_type<sc_vector_subcore>, window_params = [{transform_indices = #map}, {transform_indices = #map}, {transform_indices = #map1}, {transform_indices = #map}]} {
    %mul3A = arith.constant 640 : i32
    %mul3A_0 = arith.muli %arg1, %mul3A : i32
    "tpu.region"() ({
      %run_scoped3A = tpu.sem_alloc : memref<!tpu.dma_semaphore, #tpu.memory_space<semaphore_mem>>
      %dma_start3A_110 = arith.constant 0 : i32
      %dma_start3A_111 = tpu.memref_slice %arg8[%mul3A_0, %dma_start3A_110] : memref<10240x128xf32, #tpu.memory_space<vmem_shared>> -> memref<640x128xf32, #tpu.memory_space<vmem_shared>>
      %dma_start3A_112 = arith.constant 0 : i32
      %dma_start3A_113 = tpu.memref_slice %arg3[%mul3A_0, %dma_start3A_112] : memref<10240x128xf32, #tpu.memory_space<hbm>> -> memref<640x128xf32, #tpu.memory_space<hbm>>
      tpu.enqueue_dma source(%dma_start3A_113 : memref<640x128xf32, #tpu.memory_space<hbm>>) target(%dma_start3A_111 : memref<640x128xf32, #tpu.memory_space<vmem_shared>>) target_semaphore(%run_scoped3A : memref<!tpu.dma_semaphore, #tpu.memory_space<semaphore_mem>>)
      %dma_wait3A_114 = arith.constant 0 : i32
      %dma_wait3A_115 = tpu.memref_slice %arg8[%mul3A_0, %dma_wait3A_114] : memref<10240x128xf32, #tpu.memory_space<vmem_shared>> -> memref<640x128xf32, #tpu.memory_space<vmem_shared>>
      %dma_wait3A_116 = arith.constant 0 : i32
      %dma_wait3A_117 = tpu.memref_slice %arg3[%mul3A_0, %dma_wait3A_116] : memref<10240x128xf32, #tpu.memory_space<hbm>> -> memref<640x128xf32, #tpu.memory_space<hbm>>
      tpu.wait_dma2 semaphore(%run_scoped3A : memref<!tpu.dma_semaphore, #tpu.memory_space<semaphore_mem>>) src(%dma_wait3A_117 : memref<640x128xf32, #tpu.memory_space<hbm>>) dst(%dma_wait3A_115 : memref<640x128xf32, #tpu.memory_space<vmem_shared>>)
      tpu.yield
    }) : () -> ()
    %barrier3A = arith.constant 0 : index
    tpu.barrier barrier_id(%barrier3A)
    %mul3A_1 = arith.constant 16 : i32
    %mul3A_2 = arith.muli %arg0, %mul3A_1 : i32
    %add3A = arith.addi %mul3A_2, %arg1 : i32
    %mul3A_3 = arith.constant 80 : i32
    %mul3A_4 = arith.muli %add3A, %mul3A_3 : i32
    %add3A_5 = arith.constant 0 : i32
    %add3A_6 = arith.addi %mul3A_4, %add3A_5 : i32
    %dma_start3A = arith.constant 0 : i32
    %dma_start3A_7 = arith.constant 0 : i32
    %dma_start3A_8 = arith.constant 0 : i32
    %dma_start3A_9 = tpu.memref_slice %arg6[%dma_start3A, %dma_start3A_7, %dma_start3A_8] : memref<4x2x128xi32, #tpu.memory_space<vmem>> -> memref<1x2x128xi32, #tpu.memory_space<vmem>>
    %dma_start3A_10 = tpu.memref_squeeze %dma_start3A_9 : memref<1x2x128xi32, #tpu.memory_space<vmem>> -> memref<2x128xi32, #tpu.memory_space<vmem>>
    %dma_start3A_11 = arith.constant 0 : i32
    %dma_start3A_12 = arith.constant 0 : i32
    %dma_start3A_13 = tpu.memref_slice %arg4[%add3A_6, %dma_start3A_11, %dma_start3A_12] : memref<2560x2x128xi32, #tpu.memory_space<hbm>> -> memref<1x2x128xi32, #tpu.memory_space<hbm>>
    %dma_start3A_14 = tpu.memref_squeeze %dma_start3A_13 : memref<1x2x128xi32, #tpu.memory_space<hbm>> -> memref<2x128xi32, #tpu.memory_space<hbm>>
    %dma_start3A_15 = arith.constant 0 : i32
    %dma_start3A_16 = arith.constant 0 : i32
    %dma_start3A_17 = tpu.memref_slice %arg6[%dma_start3A, %dma_start3A_15, %dma_start3A_16] : memref<4x2x128xi32, #tpu.memory_space<vmem>> -> memref<1x2x128xi32, #tpu.memory_space<vmem>>
    %dma_start3A_18 = tpu.memref_squeeze %dma_start3A_17 : memref<1x2x128xi32, #tpu.memory_space<vmem>> -> memref<2x128xi32, #tpu.memory_space<vmem>>
    %dma_start3A_19 = arith.constant 0 : i32
    %dma_start3A_20 = arith.constant 0 : i32
    %dma_start3A_21 = tpu.memref_slice %arg4[%add3A_6, %dma_start3A_19, %dma_start3A_20] : memref<2560x2x128xi32, #tpu.memory_space<hbm>> -> memref<1x2x128xi32, #tpu.memory_space<hbm>>
    %dma_start3A_22 = tpu.memref_squeeze %dma_start3A_21 : memref<1x2x128xi32, #tpu.memory_space<hbm>> -> memref<2x128xi32, #tpu.memory_space<hbm>>
    tpu.enqueue_dma source(%dma_start3A_22 : memref<2x128xi32, #tpu.memory_space<hbm>>) target(%dma_start3A_18 : memref<2x128xi32, #tpu.memory_space<vmem>>) target_semaphore(%arg9 : memref<!tpu.dma_semaphore, #tpu.memory_space<semaphore_mem>>)
    %add3A_23 = arith.constant 0 : i32
    %add3A_24 = arith.addi %mul3A_4, %add3A_23 : i32
    %dma_wait3A = arith.constant 0 : i32
    %dma_wait3A_25 = arith.constant 0 : i32
    %dma_wait3A_26 = arith.constant 0 : i32
    %dma_wait3A_27 = tpu.memref_slice %arg6[%dma_wait3A, %dma_wait3A_25, %dma_wait3A_26] : memref<4x2x128xi32, #tpu.memory_space<vmem>> -> memref<1x2x128xi32, #tpu.memory_space<vmem>>
    %dma_wait3A_28 = tpu.memref_squeeze %dma_wait3A_27 : memref<1x2x128xi32, #tpu.memory_space<vmem>> -> memref<2x128xi32, #tpu.memory_space<vmem>>
    %dma_wait3A_29 = arith.constant 0 : i32
    %dma_wait3A_30 = arith.constant 0 : i32
    %dma_wait3A_31 = tpu.memref_slice %arg4[%add3A_24, %dma_wait3A_29, %dma_wait3A_30] : memref<2560x2x128xi32, #tpu.memory_space<hbm>> -> memref<1x2x128xi32, #tpu.memory_space<hbm>>
    %dma_wait3A_32 = tpu.memref_squeeze %dma_wait3A_31 : memref<1x2x128xi32, #tpu.memory_space<hbm>> -> memref<2x128xi32, #tpu.memory_space<hbm>>
    %dma_wait3A_33 = arith.constant 0 : i32
    %dma_wait3A_34 = arith.constant 0 : i32
    %dma_wait3A_35 = tpu.memref_slice %arg6[%dma_wait3A, %dma_wait3A_33, %dma_wait3A_34] : memref<4x2x128xi32, #tpu.memory_space<vmem>> -> memref<1x2x128xi32, #tpu.memory_space<vmem>>
    %dma_wait3A_36 = tpu.memref_squeeze %dma_wait3A_35 : memref<1x2x128xi32, #tpu.memory_space<vmem>> -> memref<2x128xi32, #tpu.memory_space<vmem>>
    %dma_wait3A_37 = arith.constant 0 : i32
    %dma_wait3A_38 = arith.constant 0 : i32
    %dma_wait3A_39 = tpu.memref_slice %arg4[%add3A_24, %dma_wait3A_37, %dma_wait3A_38] : memref<2560x2x128xi32, #tpu.memory_space<hbm>> -> memref<1x2x128xi32, #tpu.memory_space<hbm>>
    %dma_wait3A_40 = tpu.memref_squeeze %dma_wait3A_39 : memref<1x2x128xi32, #tpu.memory_space<hbm>> -> memref<2x128xi32, #tpu.memory_space<hbm>>
    tpu.wait_dma2 semaphore(%arg9 : memref<!tpu.dma_semaphore, #tpu.memory_space<semaphore_mem>>) src(%dma_wait3A_40 : memref<2x128xi32, #tpu.memory_space<hbm>>) dst(%dma_wait3A_36 : memref<2x128xi32, #tpu.memory_space<vmem>>)
    %add3A_41 = arith.constant 1 : i32
    %add3A_42 = arith.addi %mul3A_4, %add3A_41 : i32
    %dma_start3A_43 = arith.constant 1 : i32
    %dma_start3A_44 = arith.constant 0 : i32
    %dma_start3A_45 = arith.constant 0 : i32
    %dma_start3A_46 = tpu.memref_slice %arg6[%dma_start3A_43, %dma_start3A_44, %dma_start3A_45] : memref<4x2x128xi32, #tpu.memory_space<vmem>> -> memref<1x2x128xi32, #tpu.memory_space<vmem>>
    %dma_start3A_47 = tpu.memref_squeeze %dma_start3A_46 : memref<1x2x128xi32, #tpu.memory_space<vmem>> -> memref<2x128xi32, #tpu.memory_space<vmem>>
    %dma_start3A_48 = arith.constant 0 : i32
    %dma_start3A_49 = arith.constant 0 : i32
    %dma_start3A_50 = tpu.memref_slice %arg4[%add3A_42, %dma_start3A_48, %dma_start3A_49] : memref<2560x2x128xi32, #tpu.memory_space<hbm>> -> memref<1x2x128xi32, #tpu.memory_space<hbm>>
    %dma_start3A_51 = tpu.memref_squeeze %dma_start3A_50 : memref<1x2x128xi32, #tpu.memory_space<hbm>> -> memref<2x128xi32, #tpu.memory_space<hbm>>
    %dma_start3A_52 = arith.constant 0 : i32
    %dma_start3A_53 = arith.constant 0 : i32
    %dma_start3A_54 = tpu.memref_slice %arg6[%dma_start3A_43, %dma_start3A_52, %dma_start3A_53] : memref<4x2x128xi32, #tpu.memory_space<vmem>> -> memref<1x2x128xi32, #tpu.memory_space<vmem>>
    %dma_start3A_55 = tpu.memref_squeeze %dma_start3A_54 : memref<1x2x128xi32, #tpu.memory_space<vmem>> -> memref<2x128xi32, #tpu.memory_space<vmem>>
    %dma_start3A_56 = arith.constant 0 : i32
    %dma_start3A_57 = arith.constant 0 : i32
    %dma_start3A_58 = tpu.memref_slice %arg4[%add3A_42, %dma_start3A_56, %dma_start3A_57] : memref<2560x2x128xi32, #tpu.memory_space<hbm>> -> memref<1x2x128xi32, #tpu.memory_space<hbm>>
    %dma_start3A_59 = tpu.memref_squeeze %dma_start3A_58 : memref<1x2x128xi32, #tpu.memory_space<hbm>> -> memref<2x128xi32, #tpu.memory_space<hbm>>
    tpu.enqueue_dma source(%dma_start3A_59 : memref<2x128xi32, #tpu.memory_space<hbm>>) target(%dma_start3A_55 : memref<2x128xi32, #tpu.memory_space<vmem>>) target_semaphore(%arg9 : memref<!tpu.dma_semaphore, #tpu.memory_space<semaphore_mem>>)
    %dma_start3A_60 = arith.constant 0 : i32
    %dma_start3A_61 = arith.constant 0 : i32
    %dma_start3A_62 = arith.constant 0 : i32
    %dma_start3A_63 = arith.constant 0 : i32
    %dma_start3A_64 = arith.constant 0 : i32
    %dma_start3A_65 = tpu.memref_slice %arg7[%dma_start3A_62, %dma_start3A_63, %dma_start3A_64] : memref<2x128x128xf32, #tpu.memory_space<vmem>> -> memref<1x128x128xf32, #tpu.memory_space<vmem>>
    %dma_start3A_66 = tpu.memref_squeeze %dma_start3A_65 : memref<1x128x128xf32, #tpu.memory_space<vmem>> -> memref<128x128xf32, #tpu.memory_space<vmem>>
    %dma_start3A_67 = arith.constant 0 : i32
    %dma_start3A_68 = tpu.memref_slice %arg6[%dma_start3A_60, %dma_start3A_61, %dma_start3A_67] : memref<4x2x128xi32, #tpu.memory_space<vmem>> -> memref<1x1x128xi32, #tpu.memory_space<vmem>>
    %dma_start3A_69 = tpu.memref_squeeze %dma_start3A_68 : memref<1x1x128xi32, #tpu.memory_space<vmem>> -> memref<128xi32, #tpu.memory_space<vmem>>
    %dma_start3A_70 = arith.constant 0 : i32
    %dma_start3A_71 = arith.constant 0 : i32
    %dma_start3A_72 = tpu.memref_slice %arg2[%dma_start3A_70, %dma_start3A_71] : memref<20480x128xf32, #tpu.memory_space<hbm>> -> memref<20480x128xf32, #tpu.memory_space<hbm>>
    tpu.enqueue_indirect_dma source(%dma_start3A_72 : memref<20480x128xf32, #tpu.memory_space<hbm>>) target(%dma_start3A_66 : memref<128x128xf32, #tpu.memory_space<vmem>>) offsets(%dma_start3A_69 : memref<128xi32, #tpu.memory_space<vmem>>) semaphore(%arg10 : memref<!tpu.dma_semaphore, #tpu.memory_space<semaphore_mem>>)
    %scan3A = arith.constant 0 : i32
    %scan3A_73 = arith.constant 0 : i32
    %scan3A_74 = arith.constant 80 : i32
    %scan3A_75 = arith.addi %scan3A_73, %scan3A_74 : i32
    %scan3A_76 = arith.constant 1 : i32
    scf.for %scan3A_110 = %scan3A_73 to %scan3A_75 step %scan3A_76  : i32 {
      %rem3A = arith.constant 4 : i32
      %rem3A_111 = arith.remsi %scan3A_110, %rem3A : i32
      %rem3A_112 = arith.constant 2 : i32
      %rem3A_113 = arith.remsi %scan3A_110, %rem3A_112 : i32
      %add3A_114 = arith.constant 1 : i32
      %add3A_115 = arith.addi %scan3A_110, %add3A_114 : i32
      %rem3A_116 = arith.constant 4 : i32
      %rem3A_117 = arith.remsi %add3A_115, %rem3A_116 : i32
      %add3A_118 = arith.constant 1 : i32
      %add3A_119 = arith.addi %scan3A_110, %add3A_118 : i32
      %rem3A_120 = arith.constant 2 : i32
      %rem3A_121 = arith.remsi %add3A_119, %rem3A_120 : i32
      %add3A_122 = arith.constant 2 : i32
      %add3A_123 = arith.addi %scan3A_110, %add3A_122 : i32
      %rem3A_124 = arith.constant 4 : i32
      %rem3A_125 = arith.remsi %add3A_123, %rem3A_124 : i32
      %add3A_126 = arith.constant 1 : i32
      %add3A_127 = arith.addi %scan3A_110, %add3A_126 : i32
      %lt3A = arith.constant 80 : i32
      %lt3A_128 = arith.cmpi slt, %add3A_127, %lt3A : i32
      %convert_element_type3A = arith.extui %lt3A_128 : i1 to i32
      %cond3A = arith.constant 0 : i32
      %cond3A_129 = arith.cmpi ne, %convert_element_type3A, %cond3A : i32
      scf.if %cond3A_129 {
        %add3A_152 = arith.constant 1 : i32
        %add3A_153 = arith.addi %scan3A_110, %add3A_152 : i32
        %add3A_154 = arith.addi %mul3A_4, %add3A_153 : i32
        %dma_wait3A_155 = arith.constant 0 : i32
        %dma_wait3A_156 = arith.constant 0 : i32
        %dma_wait3A_157 = tpu.memref_slice %arg6[%rem3A_117, %dma_wait3A_155, %dma_wait3A_156] : memref<4x2x128xi32, #tpu.memory_space<vmem>> -> memref<1x2x128xi32, #tpu.memory_space<vmem>>
        %dma_wait3A_158 = tpu.memref_squeeze %dma_wait3A_157 : memref<1x2x128xi32, #tpu.memory_space<vmem>> -> memref<2x128xi32, #tpu.memory_space<vmem>>
        %dma_wait3A_159 = arith.constant 0 : i32
        %dma_wait3A_160 = arith.constant 0 : i32
        %dma_wait3A_161 = tpu.memref_slice %arg4[%add3A_154, %dma_wait3A_159, %dma_wait3A_160] : memref<2560x2x128xi32, #tpu.memory_space<hbm>> -> memref<1x2x128xi32, #tpu.memory_space<hbm>>
        %dma_wait3A_162 = tpu.memref_squeeze %dma_wait3A_161 : memref<1x2x128xi32, #tpu.memory_space<hbm>> -> memref<2x128xi32, #tpu.memory_space<hbm>>
        %dma_wait3A_163 = arith.constant 0 : i32
        %dma_wait3A_164 = arith.constant 0 : i32
        %dma_wait3A_165 = tpu.memref_slice %arg6[%rem3A_117, %dma_wait3A_163, %dma_wait3A_164] : memref<4x2x128xi32, #tpu.memory_space<vmem>> -> memref<1x2x128xi32, #tpu.memory_space<vmem>>
        %dma_wait3A_166 = tpu.memref_squeeze %dma_wait3A_165 : memref<1x2x128xi32, #tpu.memory_space<vmem>> -> memref<2x128xi32, #tpu.memory_space<vmem>>
        %dma_wait3A_167 = arith.constant 0 : i32
        %dma_wait3A_168 = arith.constant 0 : i32
        %dma_wait3A_169 = tpu.memref_slice %arg4[%add3A_154, %dma_wait3A_167, %dma_wait3A_168] : memref<2560x2x128xi32, #tpu.memory_space<hbm>> -> memref<1x2x128xi32, #tpu.memory_space<hbm>>
        %dma_wait3A_170 = tpu.memref_squeeze %dma_wait3A_169 : memref<1x2x128xi32, #tpu.memory_space<hbm>> -> memref<2x128xi32, #tpu.memory_space<hbm>>
        tpu.wait_dma2 semaphore(%arg9 : memref<!tpu.dma_semaphore, #tpu.memory_space<semaphore_mem>>) src(%dma_wait3A_170 : memref<2x128xi32, #tpu.memory_space<hbm>>) dst(%dma_wait3A_166 : memref<2x128xi32, #tpu.memory_space<vmem>>)
        %ge3A = arith.constant 1 : i32
        %ge3A_171 = arith.cmpi sge, %scan3A_110, %ge3A : i32
        %convert_element_type3A_172 = arith.extui %ge3A_171 : i1 to i32
        %cond3A_173 = arith.constant 0 : i32
        %cond3A_174 = arith.cmpi ne, %convert_element_type3A_172, %cond3A_173 : i32
        scf.if %cond3A_174 {
          %dma_wait3A_193 = arith.constant 1 : i32
          %dma_wait3A_194 = arith.constant 0 : i32
          %dma_wait3A_195 = arith.constant 0 : i32
          %dma_wait3A_196 = tpu.memref_slice %arg7[%rem3A_121, %dma_wait3A_194, %dma_wait3A_195] : memref<2x128x128xf32, #tpu.memory_space<vmem>> -> memref<1x128x128xf32, #tpu.memory_space<vmem>>
          %dma_wait3A_197 = tpu.memref_squeeze %dma_wait3A_196 : memref<1x128x128xf32, #tpu.memory_space<vmem>> -> memref<128x128xf32, #tpu.memory_space<vmem>>
          %dma_wait3A_198 = arith.constant 0 : i32
          %dma_wait3A_199 = tpu.memref_slice %arg6[%rem3A_117, %dma_wait3A_193, %dma_wait3A_198] : memref<4x2x128xi32, #tpu.memory_space<vmem>> -> memref<1x1x128xi32, #tpu.memory_space<vmem>>
          %dma_wait3A_200 = tpu.memref_squeeze %dma_wait3A_199 : memref<1x1x128xi32, #tpu.memory_space<vmem>> -> memref<128xi32, #tpu.memory_space<vmem>>
          %dma_wait3A_201 = arith.constant 0 : i32
          %dma_wait3A_202 = arith.constant 0 : i32
          %dma_wait3A_203 = tpu.memref_slice %arg8[%dma_wait3A_201, %dma_wait3A_202] : memref<10240x128xf32, #tpu.memory_space<vmem_shared>> -> memref<10240x128xf32, #tpu.memory_space<vmem_shared>>
          tpu.wait_indirect_dma semaphore(%arg11 : memref<!tpu.dma_semaphore, #tpu.memory_space<semaphore_mem>>) src(%dma_wait3A_197 : memref<128x128xf32, #tpu.memory_space<vmem>>) dst(%dma_wait3A_203 : memref<10240x128xf32, #tpu.memory_space<vmem_shared>>)
        } else {
        }
        %add3A_175 = arith.constant 2 : i32
        %add3A_176 = arith.addi %scan3A_110, %add3A_175 : i32
        %lt3A_177 = arith.constant 80 : i32
        %lt3A_178 = arith.cmpi slt, %add3A_176, %lt3A_177 : i32
        %convert_element_type3A_179 = arith.extui %lt3A_178 : i1 to i32
        %cond3A_180 = arith.constant 0 : i32
        %cond3A_181 = arith.cmpi ne, %convert_element_type3A_179, %cond3A_180 : i32
        scf.if %cond3A_181 {
          %add3A_193 = arith.constant 2 : i32
          %add3A_194 = arith.addi %scan3A_110, %add3A_193 : i32
          %add3A_195 = arith.addi %mul3A_4, %add3A_194 : i32
          %dma_start3A_196 = arith.constant 0 : i32
          %dma_start3A_197 = arith.constant 0 : i32
          %dma_start3A_198 = tpu.memref_slice %arg6[%rem3A_125, %dma_start3A_196, %dma_start3A_197] : memref<4x2x128xi32, #tpu.memory_space<vmem>> -> memref<1x2x128xi32, #tpu.memory_space<vmem>>
          %dma_start3A_199 = tpu.memref_squeeze %dma_start3A_198 : memref<1x2x128xi32, #tpu.memory_space<vmem>> -> memref<2x128xi32, #tpu.memory_space<vmem>>
          %dma_start3A_200 = arith.constant 0 : i32
          %dma_start3A_201 = arith.constant 0 : i32
          %dma_start3A_202 = tpu.memref_slice %arg4[%add3A_195, %dma_start3A_200, %dma_start3A_201] : memref<2560x2x128xi32, #tpu.memory_space<hbm>> -> memref<1x2x128xi32, #tpu.memory_space<hbm>>
          %dma_start3A_203 = tpu.memref_squeeze %dma_start3A_202 : memref<1x2x128xi32, #tpu.memory_space<hbm>> -> memref<2x128xi32, #tpu.memory_space<hbm>>
          %dma_start3A_204 = arith.constant 0 : i32
          %dma_start3A_205 = arith.constant 0 : i32
          %dma_start3A_206 = tpu.memref_slice %arg6[%rem3A_125, %dma_start3A_204, %dma_start3A_205] : memref<4x2x128xi32, #tpu.memory_space<vmem>> -> memref<1x2x128xi32, #tpu.memory_space<vmem>>
          %dma_start3A_207 = tpu.memref_squeeze %dma_start3A_206 : memref<1x2x128xi32, #tpu.memory_space<vmem>> -> memref<2x128xi32, #tpu.memory_space<vmem>>
          %dma_start3A_208 = arith.constant 0 : i32
          %dma_start3A_209 = arith.constant 0 : i32
          %dma_start3A_210 = tpu.memref_slice %arg4[%add3A_195, %dma_start3A_208, %dma_start3A_209] : memref<2560x2x128xi32, #tpu.memory_space<hbm>> -> memref<1x2x128xi32, #tpu.memory_space<hbm>>
          %dma_start3A_211 = tpu.memref_squeeze %dma_start3A_210 : memref<1x2x128xi32, #tpu.memory_space<hbm>> -> memref<2x128xi32, #tpu.memory_space<hbm>>
          tpu.enqueue_dma source(%dma_start3A_211 : memref<2x128xi32, #tpu.memory_space<hbm>>) target(%dma_start3A_207 : memref<2x128xi32, #tpu.memory_space<vmem>>) target_semaphore(%arg9 : memref<!tpu.dma_semaphore, #tpu.memory_space<semaphore_mem>>)
        } else {
        }
        %dma_start3A_182 = arith.constant 0 : i32
        %dma_start3A_183 = arith.constant 0 : i32
        %dma_start3A_184 = arith.constant 0 : i32
        %dma_start3A_185 = tpu.memref_slice %arg7[%rem3A_121, %dma_start3A_183, %dma_start3A_184] : memref<2x128x128xf32, #tpu.memory_space<vmem>> -> memref<1x128x128xf32, #tpu.memory_space<vmem>>
        %dma_start3A_186 = tpu.memref_squeeze %dma_start3A_185 : memref<1x128x128xf32, #tpu.memory_space<vmem>> -> memref<128x128xf32, #tpu.memory_space<vmem>>
        %dma_start3A_187 = arith.constant 0 : i32
        %dma_start3A_188 = tpu.memref_slice %arg6[%rem3A_117, %dma_start3A_182, %dma_start3A_187] : memref<4x2x128xi32, #tpu.memory_space<vmem>> -> memref<1x1x128xi32, #tpu.memory_space<vmem>>
        %dma_start3A_189 = tpu.memref_squeeze %dma_start3A_188 : memref<1x1x128xi32, #tpu.memory_space<vmem>> -> memref<128xi32, #tpu.memory_space<vmem>>
        %dma_start3A_190 = arith.constant 0 : i32
        %dma_start3A_191 = arith.constant 0 : i32
        %dma_start3A_192 = tpu.memref_slice %arg2[%dma_start3A_190, %dma_start3A_191] : memref<20480x128xf32, #tpu.memory_space<hbm>> -> memref<20480x128xf32, #tpu.memory_space<hbm>>
        tpu.enqueue_indirect_dma source(%dma_start3A_192 : memref<20480x128xf32, #tpu.memory_space<hbm>>) target(%dma_start3A_186 : memref<128x128xf32, #tpu.memory_space<vmem>>) offsets(%dma_start3A_189 : memref<128xi32, #tpu.memory_space<vmem>>) semaphore(%arg10 : memref<!tpu.dma_semaphore, #tpu.memory_space<semaphore_mem>>)
      } else {
      }
      %dma_wait3A_130 = arith.constant 0 : i32
      %dma_wait3A_131 = arith.constant 0 : i32
      %dma_wait3A_132 = arith.constant 0 : i32
      %dma_wait3A_133 = tpu.memref_slice %arg7[%rem3A_113, %dma_wait3A_131, %dma_wait3A_132] : memref<2x128x128xf32, #tpu.memory_space<vmem>> -> memref<1x128x128xf32, #tpu.memory_space<vmem>>
      %dma_wait3A_134 = tpu.memref_squeeze %dma_wait3A_133 : memref<1x128x128xf32, #tpu.memory_space<vmem>> -> memref<128x128xf32, #tpu.memory_space<vmem>>
      %dma_wait3A_135 = arith.constant 0 : i32
      %dma_wait3A_136 = tpu.memref_slice %arg6[%rem3A_111, %dma_wait3A_130, %dma_wait3A_135] : memref<4x2x128xi32, #tpu.memory_space<vmem>> -> memref<1x1x128xi32, #tpu.memory_space<vmem>>
      %dma_wait3A_137 = tpu.memref_squeeze %dma_wait3A_136 : memref<1x1x128xi32, #tpu.memory_space<vmem>> -> memref<128xi32, #tpu.memory_space<vmem>>
      %dma_wait3A_138 = arith.constant 0 : i32
      %dma_wait3A_139 = arith.constant 0 : i32
      %dma_wait3A_140 = tpu.memref_slice %arg2[%dma_wait3A_138, %dma_wait3A_139] : memref<20480x128xf32, #tpu.memory_space<hbm>> -> memref<20480x128xf32, #tpu.memory_space<hbm>>
      tpu.wait_indirect_dma semaphore(%arg10 : memref<!tpu.dma_semaphore, #tpu.memory_space<semaphore_mem>>) src(%dma_wait3A_140 : memref<20480x128xf32, #tpu.memory_space<hbm>>) dst(%dma_wait3A_134 : memref<128x128xf32, #tpu.memory_space<vmem>>)
      %dma_start3A_141 = arith.constant 1 : i32
      %dma_start3A_142 = arith.constant 0 : i32
      %dma_start3A_143 = arith.constant 0 : i32
      %dma_start3A_144 = tpu.memref_slice %arg7[%rem3A_113, %dma_start3A_142, %dma_start3A_143] : memref<2x128x128xf32, #tpu.memory_space<vmem>> -> memref<1x128x128xf32, #tpu.memory_space<vmem>>
      %dma_start3A_145 = tpu.memref_squeeze %dma_start3A_144 : memref<1x128x128xf32, #tpu.memory_space<vmem>> -> memref<128x128xf32, #tpu.memory_space<vmem>>
      %dma_start3A_146 = arith.constant 0 : i32
      %dma_start3A_147 = tpu.memref_slice %arg6[%rem3A_111, %dma_start3A_141, %dma_start3A_146] : memref<4x2x128xi32, #tpu.memory_space<vmem>> -> memref<1x1x128xi32, #tpu.memory_space<vmem>>
      %dma_start3A_148 = tpu.memref_squeeze %dma_start3A_147 : memref<1x1x128xi32, #tpu.memory_space<vmem>> -> memref<128xi32, #tpu.memory_space<vmem>>
      %dma_start3A_149 = arith.constant 0 : i32
      %dma_start3A_150 = arith.constant 0 : i32
      %dma_start3A_151 = tpu.memref_slice %arg8[%dma_start3A_149, %dma_start3A_150] : memref<10240x128xf32, #tpu.memory_space<vmem_shared>> -> memref<10240x128xf32, #tpu.memory_space<vmem_shared>>
      tpu.enqueue_indirect_dma source(%dma_start3A_145 : memref<128x128xf32, #tpu.memory_space<vmem>>) target(%dma_start3A_151 : memref<10240x128xf32, #tpu.memory_space<vmem_shared>>) offsets(%dma_start3A_148 : memref<128xi32, #tpu.memory_space<vmem>>) semaphore(%arg11 : memref<!tpu.dma_semaphore, #tpu.memory_space<semaphore_mem>>) {add = true}
    }
    %scan3A_77 = arith.constant 80 : i32
    %dma_wait3A_78 = arith.constant 0 : i32
    %dma_wait3A_79 = arith.constant 0 : i32
    %dma_wait3A_80 = arith.constant 1 : i32
    %dma_wait3A_81 = arith.constant 0 : i32
    %dma_wait3A_82 = arith.constant 0 : i32
    %dma_wait3A_83 = tpu.memref_slice %arg7[%dma_wait3A_78, %dma_wait3A_81, %dma_wait3A_82] : memref<2x128x128xf32, #tpu.memory_space<vmem>> -> memref<1x128x128xf32, #tpu.memory_space<vmem>>
    %dma_wait3A_84 = tpu.memref_squeeze %dma_wait3A_83 : memref<1x128x128xf32, #tpu.memory_space<vmem>> -> memref<128x128xf32, #tpu.memory_space<vmem>>
    %dma_wait3A_85 = arith.constant 0 : i32
    %dma_wait3A_86 = tpu.memref_slice %arg6[%dma_wait3A_79, %dma_wait3A_80, %dma_wait3A_85] : memref<4x2x128xi32, #tpu.memory_space<vmem>> -> memref<1x1x128xi32, #tpu.memory_space<vmem>>
    %dma_wait3A_87 = tpu.memref_squeeze %dma_wait3A_86 : memref<1x1x128xi32, #tpu.memory_space<vmem>> -> memref<128xi32, #tpu.memory_space<vmem>>
    %dma_wait3A_88 = arith.constant 0 : i32
    %dma_wait3A_89 = arith.constant 0 : i32
    %dma_wait3A_90 = tpu.memref_slice %arg8[%dma_wait3A_88, %dma_wait3A_89] : memref<10240x128xf32, #tpu.memory_space<vmem_shared>> -> memref<10240x128xf32, #tpu.memory_space<vmem_shared>>
    tpu.wait_indirect_dma semaphore(%arg11 : memref<!tpu.dma_semaphore, #tpu.memory_space<semaphore_mem>>) src(%dma_wait3A_84 : memref<128x128xf32, #tpu.memory_space<vmem>>) dst(%dma_wait3A_90 : memref<10240x128xf32, #tpu.memory_space<vmem_shared>>)
    %dma_wait3A_91 = arith.constant 0 : i32
    %dma_wait3A_92 = arith.constant 0 : i32
    %dma_wait3A_93 = arith.constant 1 : i32
    %dma_wait3A_94 = arith.constant 0 : i32
    %dma_wait3A_95 = arith.constant 0 : i32
    %dma_wait3A_96 = tpu.memref_slice %arg7[%dma_wait3A_91, %dma_wait3A_94, %dma_wait3A_95] : memref<2x128x128xf32, #tpu.memory_space<vmem>> -> memref<1x128x128xf32, #tpu.memory_space<vmem>>
    %dma_wait3A_97 = tpu.memref_squeeze %dma_wait3A_96 : memref<1x128x128xf32, #tpu.memory_space<vmem>> -> memref<128x128xf32, #tpu.memory_space<vmem>>
    %dma_wait3A_98 = arith.constant 0 : i32
    %dma_wait3A_99 = tpu.memref_slice %arg6[%dma_wait3A_92, %dma_wait3A_93, %dma_wait3A_98] : memref<4x2x128xi32, #tpu.memory_space<vmem>> -> memref<1x1x128xi32, #tpu.memory_space<vmem>>
    %dma_wait3A_100 = tpu.memref_squeeze %dma_wait3A_99 : memref<1x1x128xi32, #tpu.memory_space<vmem>> -> memref<128xi32, #tpu.memory_space<vmem>>
    %dma_wait3A_101 = arith.constant 0 : i32
    %dma_wait3A_102 = arith.constant 0 : i32
    %dma_wait3A_103 = tpu.memref_slice %arg8[%dma_wait3A_101, %dma_wait3A_102] : memref<10240x128xf32, #tpu.memory_space<vmem_shared>> -> memref<10240x128xf32, #tpu.memory_space<vmem_shared>>
    tpu.wait_indirect_dma semaphore(%arg11 : memref<!tpu.dma_semaphore, #tpu.memory_space<semaphore_mem>>) src(%dma_wait3A_97 : memref<128x128xf32, #tpu.memory_space<vmem>>) dst(%dma_wait3A_103 : memref<10240x128xf32, #tpu.memory_space<vmem_shared>>)
    %barrier3A_104 = arith.constant 0 : index
    tpu.barrier barrier_id(%barrier3A_104)
    %mul3A_105 = arith.constant 10240 : i32
    %mul3A_106 = arith.muli %arg0, %mul3A_105 : i32
    %mul3A_107 = arith.constant 640 : i32
    %mul3A_108 = arith.muli %arg1, %mul3A_107 : i32
    %add3A_109 = arith.addi %mul3A_106, %mul3A_108 : i32
    "tpu.region"() ({
      %run_scoped3A = tpu.sem_alloc : memref<!tpu.dma_semaphore, #tpu.memory_space<semaphore_mem>>
      %dma_start3A_110 = arith.constant 0 : i32
      %dma_start3A_111 = tpu.memref_slice %arg5[%add3A_109, %dma_start3A_110] : memref<20480x128xf32, #tpu.memory_space<hbm>> -> memref<640x128xf32, #tpu.memory_space<hbm>>
      %dma_start3A_112 = arith.constant 0 : i32
      %dma_start3A_113 = tpu.memref_slice %arg8[%mul3A_0, %dma_start3A_112] : memref<10240x128xf32, #tpu.memory_space<vmem_shared>> -> memref<640x128xf32, #tpu.memory_space<vmem_shared>>
      tpu.enqueue_dma source(%dma_start3A_113 : memref<640x128xf32, #tpu.memory_space<vmem_shared>>) target(%dma_start3A_111 : memref<640x128xf32, #tpu.memory_space<hbm>>) target_semaphore(%run_scoped3A : memref<!tpu.dma_semaphore, #tpu.memory_space<semaphore_mem>>)
      %dma_wait3A_114 = arith.constant 0 : i32
      %dma_wait3A_115 = tpu.memref_slice %arg5[%add3A_109, %dma_wait3A_114] : memref<20480x128xf32, #tpu.memory_space<hbm>> -> memref<640x128xf32, #tpu.memory_space<hbm>>
      %dma_wait3A_116 = arith.constant 0 : i32
      %dma_wait3A_117 = tpu.memref_slice %arg8[%mul3A_0, %dma_wait3A_116] : memref<10240x128xf32, #tpu.memory_space<vmem_shared>> -> memref<640x128xf32, #tpu.memory_space<vmem_shared>>
      tpu.wait_dma2 semaphore(%run_scoped3A : memref<!tpu.dma_semaphore, #tpu.memory_space<semaphore_mem>>) src(%dma_wait3A_117 : memref<640x128xf32, #tpu.memory_space<vmem_shared>>) dst(%dma_wait3A_115 : memref<640x128xf32, #tpu.memory_space<hbm>>)
      tpu.yield
    }) : () -> ()
    return
  }
}

module attributes {stable_mosaic.version = 14 : i64} {
  func.func @_tc_a_body(%arg0: i32, %arg1: memref<2x2048x128xf32, #tpu.memory_space<vmem>>, %arg2: memref<2048x256xf32, #tpu.memory_space<vmem>>, %arg3: memref<256x256xf32, #tpu.memory_space<vmem>>, %arg4: memref<2x2048x128xf32, #tpu.memory_space<vmem>>, %arg5: memref<2048x1xf32, #tpu.memory_space<vmem>>) attributes {dimension_semantics = [#tpu.dimension_semantics<arbitrary>], iteration_bounds = array<i64: 5>, scalar_prefetch = 0 : i64, scratch_operands = 0 : i64, tpu.core_type = #tpu.core_type<tc>, window_params = [{transform_indices = @transform_0, window_bounds = array<i64: 2, 2048, 128>}, {transform_indices = @transform_1, window_bounds = array<i64: 2048, 256>}, {pipeline_mode = #tpu.pipeline_mode<synchronous>, transform_indices = @transform_2, window_bounds = array<i64: 256, 256>}, {transform_indices = @transform_3, window_bounds = array<i64: 2, 2048, 128>}, {transform_indices = @transform_4, window_bounds = array<i64: 2048, 1>}]} {
    %get3A = arith.constant 0 : index
    %get3A_0 = arith.constant 0 : index
    %get3A_1 = arith.constant 0 : index
    %get3A_2 = vector.load %arg1[%get3A, %get3A_0, %get3A_1] : memref<2x2048x128xf32, #tpu.memory_space<vmem>>, vector<1x2048x1xf32>
    %get3A_3 = vector.shape_cast %get3A_2 : vector<1x2048x1xf32> to vector<2048x1xf32>
    %get3A_4 = arith.constant 1 : index
    %get3A_5 = arith.constant 0 : index
    %get3A_6 = arith.constant 0 : index
    %get3A_7 = vector.load %arg1[%get3A_4, %get3A_5, %get3A_6] : memref<2x2048x128xf32, #tpu.memory_space<vmem>>, vector<1x2048x1xf32>
    %get3A_8 = vector.shape_cast %get3A_7 : vector<1x2048x1xf32> to vector<2048x1xf32>
    %add3A = arith.addf %get3A_3, %get3A_8 : vector<2048x1xf32>
    %add3A_9 = arith.constant 1.000000e+00 : f32
    %add3A_10 = vector.broadcast %add3A_9 : f32 to vector<2048x1xf32>
    %add3A_11 = arith.addf %add3A, %add3A_10 : vector<2048x1xf32>
    %max3A = arith.constant 1.000000e+00 : f32
    %max3A_12 = vector.broadcast %max3A : f32 to vector<2048x1xf32>
    %max3A_13 = arith.maximumf %add3A_11, %max3A_12 : vector<2048x1xf32>
    %rsqrt3A = math.rsqrt %max3A_13 : vector<2048x1xf32>
    %mul3A = arith.constant 2048 : i32
    %mul3A_14 = arith.muli %arg0, %mul3A : i32
    %iota3A = tpu.iota {dimensions = array<i32: 0>} : vector<2048x1xi32>
    %add3A_15 = vector.broadcast %mul3A_14 : i32 to vector<2048x1xi32>
    %add3A_16 = arith.addi %add3A_15, %iota3A : vector<2048x1xi32>
    %lt3A = arith.constant 10000 : i32
    %lt3A_17 = vector.broadcast %lt3A : i32 to vector<2048x1xi32>
    %lt3A_18 = arith.cmpi slt, %add3A_16, %lt3A_17 : vector<2048x1xi32>
    %jit3A = arith.constant 0.000000e+00 : f32
    %broadcast_in_dim3A = vector.broadcast %jit3A : f32 to vector<2048x1xf32>
    %select_n3A = arith.select %lt3A_18, %rsqrt3A, %broadcast_in_dim3A : vector<2048x1xi1>, vector<2048x1xf32>
    %get3A_19 = arith.constant 0 : index
    %get3A_20 = arith.constant 0 : index
    %get3A_21 = vector.load %arg2[%get3A_19, %get3A_20] : memref<2048x256xf32, #tpu.memory_space<vmem>>, vector<2048x256xf32>
    %get3A_22 = arith.constant 0 : index
    %get3A_23 = arith.constant 0 : index
    %get3A_24 = vector.load %arg3[%get3A_22, %get3A_23] : memref<256x256xf32, #tpu.memory_space<vmem>>, vector<256x256xf32>
    %dot_general3A = arith.constant dense<0.000000e+00> : vector<2048x256xf32>
    %dot_general3A_25 = tpu.matmul %get3A_21, %get3A_24, %dot_general3A {dimension_numbers = #tpu.dot_dimension_numbers<[1], [0], [0], [1], [0, 0, 1, 1], [], []>, transpose_lhs_hint = false} : vector<2048x256xf32>, vector<256x256xf32>, vector<2048x256xf32> -> vector<2048x256xf32>
    %mul3A_26 = vector.broadcast %select_n3A : vector<2048x1xf32> to vector<2048x256xf32>
    %mul3A_27 = arith.mulf %dot_general3A_25, %mul3A_26 : vector<2048x256xf32>
    %slice3A = vector.extract_strided_slice %mul3A_27 {offsets = [0, 0], sizes = [2048, 128], strides = [1, 1]} : vector<2048x256xf32> to vector<2048x128xf32>
    %swap3A = arith.constant 0 : index
    %swap3A_28 = arith.constant 0 : index
    %swap3A_29 = arith.constant 0 : index
    %swap3A_30 = vector.load %arg4[%swap3A, %swap3A_28, %swap3A_29] : memref<2x2048x128xf32, #tpu.memory_space<vmem>>, vector<1x2048x128xf32>
    %swap3A_31 = vector.shape_cast %swap3A_30 : vector<1x2048x128xf32> to vector<2048x128xf32>
    %swap3A_32 = vector.shape_cast %slice3A : vector<2048x128xf32> to vector<1x2048x128xf32>
    tpu.vector_store %arg4[%swap3A, %swap3A_28, %swap3A_29], %swap3A_32 {strides = array<i32>} : memref<2x2048x128xf32, #tpu.memory_space<vmem>>, vector<1x2048x128xf32>,
    %slice3A_33 = vector.extract_strided_slice %mul3A_27 {offsets = [0, 128], sizes = [2048, 128], strides = [1, 1]} : vector<2048x256xf32> to vector<2048x128xf32>
    %swap3A_34 = arith.constant 1 : index
    %swap3A_35 = arith.constant 0 : index
    %swap3A_36 = arith.constant 0 : index
    %swap3A_37 = vector.load %arg4[%swap3A_34, %swap3A_35, %swap3A_36] : memref<2x2048x128xf32, #tpu.memory_space<vmem>>, vector<1x2048x128xf32>
    %swap3A_38 = vector.shape_cast %swap3A_37 : vector<1x2048x128xf32> to vector<2048x128xf32>
    %swap3A_39 = vector.shape_cast %slice3A_33 : vector<2048x128xf32> to vector<1x2048x128xf32>
    tpu.vector_store %arg4[%swap3A_34, %swap3A_35, %swap3A_36], %swap3A_39 {strides = array<i32>} : memref<2x2048x128xf32, #tpu.memory_space<vmem>>, vector<1x2048x128xf32>,
    %swap3A_40 = arith.constant 0 : index
    %swap3A_41 = arith.constant 0 : index
    %swap3A_42 = vector.load %arg5[%swap3A_40, %swap3A_41] : memref<2048x1xf32, #tpu.memory_space<vmem>>, vector<2048x1xf32>
    tpu.vector_store %arg5[%swap3A_40, %swap3A_41], %select_n3A {strides = array<i32>} : memref<2048x1xf32, #tpu.memory_space<vmem>>, vector<2048x1xf32>,
    return
  }
  func.func @transform_0(%arg0: i32) -> (i32, i32, i32) {
    %c0_i32 = arith.constant 0 : i32
    %c0_i32_0 = arith.constant 0 : i32
    %c0_i32_1 = arith.constant 0 : i32
    return %c0_i32, %arg0, %c0_i32_0 : i32, i32, i32
  }
  func.func @transform_1(%arg0: i32) -> (i32, i32) {
    %c0_i32 = arith.constant 0 : i32
    %c0_i32_0 = arith.constant 0 : i32
    return %arg0, %c0_i32 : i32, i32
  }
  func.func @transform_2(%arg0: i32) -> (i32, i32) {
    %c0_i32 = arith.constant 0 : i32
    %c0_i32_0 = arith.constant 0 : i32
    %c0_i32_1 = arith.constant 0 : i32
    return %c0_i32, %c0_i32_0 : i32, i32
  }
  func.func @transform_3(%arg0: i32) -> (i32, i32, i32) {
    %c0_i32 = arith.constant 0 : i32
    %c0_i32_0 = arith.constant 0 : i32
    %c0_i32_1 = arith.constant 0 : i32
    return %c0_i32, %arg0, %c0_i32_0 : i32, i32, i32
  }
  func.func @transform_4(%arg0: i32) -> (i32, i32) {
    %c0_i32 = arith.constant 0 : i32
    %c0_i32_0 = arith.constant 0 : i32
    return %arg0, %c0_i32 : i32, i32
  }
}

module attributes {stable_mosaic.version = 14 : i64} {
  func.func @_tc_b_body(%arg0: i32, %arg1: i32, %arg2: memref<2x2048x128xf32, #tpu.memory_space<vmem>>, %arg3: memref<2x2048x128xf32, #tpu.memory_space<vmem>>, %arg4: memref<2048x1xf32, #tpu.memory_space<vmem>>, %arg5: memref<1x256xf32, #tpu.memory_space<vmem>>, %arg6: memref<1x256xf32, #tpu.memory_space<vmem>>, %arg7: memref<1x256xf32, #tpu.memory_space<vmem>>, %arg8: memref<256x256xf32, #tpu.memory_space<vmem>>, %arg9: memref<2x2048x128xf32, #tpu.memory_space<vmem>>, %arg10: memref<1x256xf32, #tpu.memory_space<vmem>>, %arg11: memref<1x256xf32, #tpu.memory_space<vmem>>) attributes {dimension_semantics = [#tpu.dimension_semantics<arbitrary>, #tpu.dimension_semantics<arbitrary>], iteration_bounds = array<i64: 2, 5>, scalar_prefetch = 0 : i64, scratch_operands = 2 : i64, tpu.core_type = #tpu.core_type<tc>, window_params = [{transform_indices = @transform_0, window_bounds = array<i64: 2, 2048, 128>}, {transform_indices = @transform_1, window_bounds = array<i64: 2, 2048, 128>}, {transform_indices = @transform_2, window_bounds = array<i64: 2048, 1>}, {pipeline_mode = #tpu.pipeline_mode<synchronous>, transform_indices = @transform_3, window_bounds = array<i64: 1, 256>}, {pipeline_mode = #tpu.pipeline_mode<synchronous>, transform_indices = @transform_4, window_bounds = array<i64: 1, 256>}, {pipeline_mode = #tpu.pipeline_mode<synchronous>, transform_indices = @transform_5, window_bounds = array<i64: 1, 256>}, {pipeline_mode = #tpu.pipeline_mode<synchronous>, transform_indices = @transform_6, window_bounds = array<i64: 256, 256>}, {transform_indices = @transform_7, window_bounds = array<i64: 2, 2048, 128>}]} {
    %get3A = arith.constant 0 : index
    %get3A_0 = arith.constant 0 : index
    %get3A_1 = arith.constant 0 : index
    %get3A_2 = vector.load %arg2[%get3A, %get3A_0, %get3A_1] : memref<2x2048x128xf32, #tpu.memory_space<vmem>>, vector<1x2048x128xf32>
    %get3A_3 = vector.shape_cast %get3A_2 : vector<1x2048x128xf32> to vector<2048x128xf32>
    %get3A_4 = arith.constant 1 : index
    %get3A_5 = arith.constant 0 : index
    %get3A_6 = arith.constant 0 : index
    %get3A_7 = vector.load %arg2[%get3A_4, %get3A_5, %get3A_6] : memref<2x2048x128xf32, #tpu.memory_space<vmem>>, vector<1x2048x128xf32>
    %get3A_8 = vector.shape_cast %get3A_7 : vector<1x2048x128xf32> to vector<2048x128xf32>
    %concatenate3A = tpu.concatenate %get3A_3, %get3A_8 in 1 : vector<2048x128xf32>, vector<2048x128xf32> -> vector<2048x256xf32>
    %get3A_9 = arith.constant 0 : index
    %get3A_10 = arith.constant 0 : index
    %get3A_11 = arith.constant 0 : index
    %get3A_12 = vector.load %arg3[%get3A_9, %get3A_10, %get3A_11] : memref<2x2048x128xf32, #tpu.memory_space<vmem>>, vector<1x2048x128xf32>
    %get3A_13 = vector.shape_cast %get3A_12 : vector<1x2048x128xf32> to vector<2048x128xf32>
    %get3A_14 = arith.constant 1 : index
    %get3A_15 = arith.constant 0 : index
    %get3A_16 = arith.constant 0 : index
    %get3A_17 = vector.load %arg3[%get3A_14, %get3A_15, %get3A_16] : memref<2x2048x128xf32, #tpu.memory_space<vmem>>, vector<1x2048x128xf32>
    %get3A_18 = vector.shape_cast %get3A_17 : vector<1x2048x128xf32> to vector<2048x128xf32>
    %concatenate3A_19 = tpu.concatenate %get3A_13, %get3A_18 in 1 : vector<2048x128xf32>, vector<2048x128xf32> -> vector<2048x256xf32>
    %add3A = arith.addf %concatenate3A, %concatenate3A_19 : vector<2048x256xf32>
    %get3A_20 = arith.constant 0 : index
    %get3A_21 = arith.constant 0 : index
    %get3A_22 = vector.load %arg4[%get3A_20, %get3A_21] : memref<2048x1xf32, #tpu.memory_space<vmem>>, vector<2048x1xf32>
    %mul3A = vector.broadcast %get3A_22 : vector<2048x1xf32> to vector<2048x256xf32>
    %mul3A_23 = arith.mulf %add3A, %mul3A : vector<2048x256xf32>
    %get3A_24 = arith.constant 0 : index
    %get3A_25 = arith.constant 0 : index
    %get3A_26 = vector.load %arg5[%get3A_24, %get3A_25] : memref<1x256xf32, #tpu.memory_space<vmem>>, vector<1x256xf32>
    %add3A_27 = vector.broadcast %get3A_26 : vector<1x256xf32> to vector<2048x256xf32>
    %add3A_28 = arith.addf %mul3A_23, %add3A_27 : vector<2048x256xf32>
    %eq3A = arith.constant 0 : i32
    %eq3A_29 = arith.cmpi eq, %arg0, %eq3A : i32
    %eq3A_30 = arith.constant 0 : i32
    %eq3A_31 = arith.cmpi eq, %arg1, %eq3A_30 : i32
    %and3A = arith.andi %eq3A_29, %eq3A_31 : i1
    %convert_element_type3A = arith.extui %and3A : i1 to i32
    %cond3A = arith.constant 0 : i32
    %cond3A_32 = arith.cmpi ne, %convert_element_type3A, %cond3A : i32
    scf.if %cond3A_32 {
      %broadcast_in_dim3A = arith.constant 0.000000e+00 : f32
      %broadcast_in_dim3A_43 = vector.broadcast %broadcast_in_dim3A : f32 to vector<1x256xf32>
      %swap3A = arith.constant 0 : index
      %swap3A_44 = arith.constant 0 : index
      %swap3A_45 = vector.load %arg10[%swap3A, %swap3A_44] : memref<1x256xf32, #tpu.memory_space<vmem>>, vector<1x256xf32>
      tpu.vector_store %arg10[%swap3A, %swap3A_44], %broadcast_in_dim3A_43 {strides = array<i32>} : memref<1x256xf32, #tpu.memory_space<vmem>>, vector<1x256xf32>,
      %broadcast_in_dim3A_46 = arith.constant 0.000000e+00 : f32
      %broadcast_in_dim3A_47 = vector.broadcast %broadcast_in_dim3A_46 : f32 to vector<1x256xf32>
      %swap3A_48 = arith.constant 0 : index
      %swap3A_49 = arith.constant 0 : index
      %swap3A_50 = vector.load %arg11[%swap3A_48, %swap3A_49] : memref<1x256xf32, #tpu.memory_space<vmem>>, vector<1x256xf32>
      tpu.vector_store %arg11[%swap3A_48, %swap3A_49], %broadcast_in_dim3A_47 {strides = array<i32>} : memref<1x256xf32, #tpu.memory_space<vmem>>, vector<1x256xf32>,
    } else {
    }
    %eq3A_33 = arith.constant 0 : i32
    %eq3A_34 = arith.cmpi eq, %arg0, %eq3A_33 : i32
    %convert_element_type3A_35 = arith.extui %eq3A_34 : i1 to i32
    %cond3A_36 = arith.constant 0 : i32
    %cond3A_37 = arith.cmpi ne, %convert_element_type3A_35, %cond3A_36 : i32
    scf.if %cond3A_37 {
      %mul3A_43 = arith.constant 2048 : i32
      %mul3A_44 = arith.muli %arg1, %mul3A_43 : i32
      %iota3A = tpu.iota {dimensions = array<i32: 0>} : vector<2048x1xi32>
      %add3A_45 = vector.broadcast %mul3A_44 : i32 to vector<2048x1xi32>
      %add3A_46 = arith.addi %add3A_45, %iota3A : vector<2048x1xi32>
      %lt3A = arith.constant 10000 : i32
      %lt3A_47 = vector.broadcast %lt3A : i32 to vector<2048x1xi32>
      %lt3A_48 = arith.cmpi slt, %add3A_46, %lt3A_47 : vector<2048x1xi32>
      %jit3A = arith.constant 0.000000e+00 : f32
      %broadcast_in_dim3A = vector.shape_cast %lt3A_48 : vector<2048x1xi1> to vector<2048x1xi1>
      %broadcast_in_dim3A_49 = vector.broadcast %broadcast_in_dim3A : vector<2048x1xi1> to vector<2048x256xi1>
      %broadcast_in_dim3A_50 = vector.broadcast %jit3A : f32 to vector<2048x256xf32>
      %select_n3A = arith.select %broadcast_in_dim3A_49, %add3A_28, %broadcast_in_dim3A_50 : vector<2048x256xi1>, vector<2048x256xf32>
      %get3A_51 = arith.constant 0 : index
      %get3A_52 = arith.constant 0 : index
      %get3A_53 = vector.load %arg10[%get3A_51, %get3A_52] : memref<1x256xf32, #tpu.memory_space<vmem>>, vector<1x256xf32>
      %reduce_sum3A = arith.constant dense<0.000000e+00> : vector<256xf32>
      %reduce_sum3A_54 = vector.multi_reduction <add>, %select_n3A, %reduce_sum3A [0] : vector<2048x256xf32> to vector<256xf32>
      %broadcast_in_dim3A_55 = vector.shape_cast %reduce_sum3A_54 : vector<256xf32> to vector<1x256xf32>
      %add3A_56 = arith.addf %get3A_53, %broadcast_in_dim3A_55 : vector<1x256xf32>
      %swap3A = arith.constant 0 : index
      %swap3A_57 = arith.constant 0 : index
      %swap3A_58 = vector.load %arg10[%swap3A, %swap3A_57] : memref<1x256xf32, #tpu.memory_space<vmem>>, vector<1x256xf32>
      tpu.vector_store %arg10[%swap3A, %swap3A_57], %add3A_56 {strides = array<i32>} : memref<1x256xf32, #tpu.memory_space<vmem>>, vector<1x256xf32>,
      %get3A_59 = arith.constant 0 : index
      %get3A_60 = arith.constant 0 : index
      %get3A_61 = vector.load %arg11[%get3A_59, %get3A_60] : memref<1x256xf32, #tpu.memory_space<vmem>>, vector<1x256xf32>
      %mul3A_62 = arith.mulf %select_n3A, %select_n3A : vector<2048x256xf32>
      %reduce_sum3A_63 = arith.constant dense<0.000000e+00> : vector<256xf32>
      %reduce_sum3A_64 = vector.multi_reduction <add>, %mul3A_62, %reduce_sum3A_63 [0] : vector<2048x256xf32> to vector<256xf32>
      %broadcast_in_dim3A_65 = vector.shape_cast %reduce_sum3A_64 : vector<256xf32> to vector<1x256xf32>
      %add3A_66 = arith.addf %get3A_61, %broadcast_in_dim3A_65 : vector<1x256xf32>
      %swap3A_67 = arith.constant 0 : index
      %swap3A_68 = arith.constant 0 : index
      %swap3A_69 = vector.load %arg11[%swap3A_67, %swap3A_68] : memref<1x256xf32, #tpu.memory_space<vmem>>, vector<1x256xf32>
      tpu.vector_store %arg11[%swap3A_67, %swap3A_68], %add3A_66 {strides = array<i32>} : memref<1x256xf32, #tpu.memory_space<vmem>>, vector<1x256xf32>,
    } else {
    }
    %eq3A_38 = arith.constant 1 : i32
    %eq3A_39 = arith.cmpi eq, %arg0, %eq3A_38 : i32
    %convert_element_type3A_40 = arith.extui %eq3A_39 : i1 to i32
    %cond3A_41 = arith.constant 0 : i32
    %cond3A_42 = arith.cmpi ne, %convert_element_type3A_40, %cond3A_41 : i32
    scf.if %cond3A_42 {
      %get3A_43 = arith.constant 0 : index
      %get3A_44 = arith.constant 0 : index
      %get3A_45 = vector.load %arg10[%get3A_43, %get3A_44] : memref<1x256xf32, #tpu.memory_space<vmem>>, vector<1x256xf32>
      %div3A = arith.constant 1.000000e+04 : f32
      %div3A_46 = vector.broadcast %div3A : f32 to vector<1x256xf32>
      %div3A_47 = arith.divf %get3A_45, %div3A_46 : vector<1x256xf32>
      %get3A_48 = arith.constant 0 : index
      %get3A_49 = arith.constant 0 : index
      %get3A_50 = vector.load %arg11[%get3A_48, %get3A_49] : memref<1x256xf32, #tpu.memory_space<vmem>>, vector<1x256xf32>
      %div3A_51 = arith.constant 1.000000e+04 : f32
      %div3A_52 = vector.broadcast %div3A_51 : f32 to vector<1x256xf32>
      %div3A_53 = arith.divf %get3A_50, %div3A_52 : vector<1x256xf32>
      %mul3A_54 = arith.mulf %div3A_47, %div3A_47 : vector<1x256xf32>
      %sub3A = arith.subf %div3A_53, %mul3A_54 : vector<1x256xf32>
      %sub3A_55 = vector.broadcast %div3A_47 : vector<1x256xf32> to vector<2048x256xf32>
      %sub3A_56 = arith.subf %add3A_28, %sub3A_55 : vector<2048x256xf32>
      %add3A_57 = arith.constant 9.99999974E-6 : f32
      %add3A_58 = vector.broadcast %add3A_57 : f32 to vector<1x256xf32>
      %add3A_59 = arith.addf %sub3A, %add3A_58 : vector<1x256xf32>
      %rsqrt3A = math.rsqrt %add3A_59 : vector<1x256xf32>
      %mul3A_60 = vector.broadcast %rsqrt3A : vector<1x256xf32> to vector<2048x256xf32>
      %mul3A_61 = arith.mulf %sub3A_56, %mul3A_60 : vector<2048x256xf32>
      %get3A_62 = arith.constant 0 : index
      %get3A_63 = arith.constant 0 : index
      %get3A_64 = vector.load %arg6[%get3A_62, %get3A_63] : memref<1x256xf32, #tpu.memory_space<vmem>>, vector<1x256xf32>
      %mul3A_65 = vector.broadcast %get3A_64 : vector<1x256xf32> to vector<2048x256xf32>
      %mul3A_66 = arith.mulf %mul3A_61, %mul3A_65 : vector<2048x256xf32>
      %get3A_67 = arith.constant 0 : index
      %get3A_68 = arith.constant 0 : index
      %get3A_69 = vector.load %arg7[%get3A_67, %get3A_68] : memref<1x256xf32, #tpu.memory_space<vmem>>, vector<1x256xf32>
      %add3A_70 = vector.broadcast %get3A_69 : vector<1x256xf32> to vector<2048x256xf32>
      %add3A_71 = arith.addf %mul3A_66, %add3A_70 : vector<2048x256xf32>
      %max3A = arith.constant 0.000000e+00 : f32
      %max3A_72 = vector.broadcast %max3A : f32 to vector<2048x256xf32>
      %max3A_73 = arith.maximumf %add3A_71, %max3A_72 : vector<2048x256xf32>
      %get3A_74 = arith.constant 0 : index
      %get3A_75 = arith.constant 0 : index
      %get3A_76 = vector.load %arg8[%get3A_74, %get3A_75] : memref<256x256xf32, #tpu.memory_space<vmem>>, vector<256x256xf32>
      %dot_general3A = arith.constant dense<0.000000e+00> : vector<2048x256xf32>
      %dot_general3A_77 = tpu.matmul %max3A_73, %get3A_76, %dot_general3A {dimension_numbers = #tpu.dot_dimension_numbers<[1], [0], [0], [1], [0, 0, 1, 1], [], []>, transpose_lhs_hint = false} : vector<2048x256xf32>, vector<256x256xf32>, vector<2048x256xf32> -> vector<2048x256xf32>
      %get3A_78 = arith.constant 0 : index
      %get3A_79 = arith.constant 0 : index
      %get3A_80 = vector.load %arg4[%get3A_78, %get3A_79] : memref<2048x1xf32, #tpu.memory_space<vmem>>, vector<2048x1xf32>
      %mul3A_81 = vector.broadcast %get3A_80 : vector<2048x1xf32> to vector<2048x256xf32>
      %mul3A_82 = arith.mulf %dot_general3A_77, %mul3A_81 : vector<2048x256xf32>
      %slice3A = vector.extract_strided_slice %mul3A_82 {offsets = [0, 0], sizes = [2048, 128], strides = [1, 1]} : vector<2048x256xf32> to vector<2048x128xf32>
      %swap3A = arith.constant 0 : index
      %swap3A_83 = arith.constant 0 : index
      %swap3A_84 = arith.constant 0 : index
      %swap3A_85 = vector.load %arg9[%swap3A, %swap3A_83, %swap3A_84] : memref<2x2048x128xf32, #tpu.memory_space<vmem>>, vector<1x2048x128xf32>
      %swap3A_86 = vector.shape_cast %swap3A_85 : vector<1x2048x128xf32> to vector<2048x128xf32>
      %swap3A_87 = vector.shape_cast %slice3A : vector<2048x128xf32> to vector<1x2048x128xf32>
      tpu.vector_store %arg9[%swap3A, %swap3A_83, %swap3A_84], %swap3A_87 {strides = array<i32>} : memref<2x2048x128xf32, #tpu.memory_space<vmem>>, vector<1x2048x128xf32>,
      %slice3A_88 = vector.extract_strided_slice %mul3A_82 {offsets = [0, 128], sizes = [2048, 128], strides = [1, 1]} : vector<2048x256xf32> to vector<2048x128xf32>
      %swap3A_89 = arith.constant 1 : index
      %swap3A_90 = arith.constant 0 : index
      %swap3A_91 = arith.constant 0 : index
      %swap3A_92 = vector.load %arg9[%swap3A_89, %swap3A_90, %swap3A_91] : memref<2x2048x128xf32, #tpu.memory_space<vmem>>, vector<1x2048x128xf32>
      %swap3A_93 = vector.shape_cast %swap3A_92 : vector<1x2048x128xf32> to vector<2048x128xf32>
      %swap3A_94 = vector.shape_cast %slice3A_88 : vector<2048x128xf32> to vector<1x2048x128xf32>
      tpu.vector_store %arg9[%swap3A_89, %swap3A_90, %swap3A_91], %swap3A_94 {strides = array<i32>} : memref<2x2048x128xf32, #tpu.memory_space<vmem>>, vector<1x2048x128xf32>,
    } else {
    }
    return
  }
  func.func @transform_0(%arg0: i32, %arg1: i32) -> (i32, i32, i32) {
    %c0_i32 = arith.constant 0 : i32
    %c0_i32_0 = arith.constant 0 : i32
    %c0_i32_1 = arith.constant 0 : i32
    return %c0_i32, %arg1, %c0_i32_0 : i32, i32, i32
  }
  func.func @transform_1(%arg0: i32, %arg1: i32) -> (i32, i32, i32) {
    %c0_i32 = arith.constant 0 : i32
    %c0_i32_0 = arith.constant 0 : i32
    %c0_i32_1 = arith.constant 0 : i32
    return %c0_i32, %arg1, %c0_i32_0 : i32, i32, i32
  }
  func.func @transform_2(%arg0: i32, %arg1: i32) -> (i32, i32) {
    %c0_i32 = arith.constant 0 : i32
    %c0_i32_0 = arith.constant 0 : i32
    return %arg1, %c0_i32 : i32, i32
  }
  func.func @transform_3(%arg0: i32, %arg1: i32) -> (i32, i32) {
    %c0_i32 = arith.constant 0 : i32
    %c0_i32_0 = arith.constant 0 : i32
    %c0_i32_1 = arith.constant 0 : i32
    return %c0_i32, %c0_i32_0 : i32, i32
  }
  func.func @transform_4(%arg0: i32, %arg1: i32) -> (i32, i32) {
    %c0_i32 = arith.constant 0 : i32
    %c0_i32_0 = arith.constant 0 : i32
    %c0_i32_1 = arith.constant 0 : i32
    return %c0_i32, %c0_i32_0 : i32, i32
  }
  func.func @transform_5(%arg0: i32, %arg1: i32) -> (i32, i32) {
    %c0_i32 = arith.constant 0 : i32
    %c0_i32_0 = arith.constant 0 : i32
    %c0_i32_1 = arith.constant 0 : i32
    return %c0_i32, %c0_i32_0 : i32, i32
  }
  func.func @transform_6(%arg0: i32, %arg1: i32) -> (i32, i32) {
    %c0_i32 = arith.constant 0 : i32
    %c0_i32_0 = arith.constant 0 : i32
    %c0_i32_1 = arith.constant 0 : i32
    return %c0_i32, %c0_i32_0 : i32, i32
  }
  func.func @transform_7(%arg0: i32, %arg1: i32) -> (i32, i32, i32) {
    %mul3A = arith.muli %arg1, %arg0 : i32
    %c0_i32 = arith.constant 0 : i32
    %c0_i32_0 = arith.constant 0 : i32
    %c0_i32_1 = arith.constant 0 : i32
    return %c0_i32, %mul3A, %c0_i32_0 : i32, i32, i32
  }
}

module attributes {stable_mosaic.version = 14 : i64} {
  func.func @_tc_b_body(%arg0: i32, %arg1: i32, %arg2: memref<2x2048x128xf32, #tpu.memory_space<vmem>>, %arg3: memref<2x2048x128xf32, #tpu.memory_space<vmem>>, %arg4: memref<2048x1xf32, #tpu.memory_space<vmem>>, %arg5: memref<1x256xf32, #tpu.memory_space<vmem>>, %arg6: memref<1x256xf32, #tpu.memory_space<vmem>>, %arg7: memref<1x256xf32, #tpu.memory_space<vmem>>, %arg8: memref<256x128xf32, #tpu.memory_space<vmem>>, %arg9: memref<2x2048x128xf32, #tpu.memory_space<vmem>>, %arg10: memref<1x256xf32, #tpu.memory_space<vmem>>, %arg11: memref<1x256xf32, #tpu.memory_space<vmem>>) attributes {dimension_semantics = [#tpu.dimension_semantics<arbitrary>, #tpu.dimension_semantics<arbitrary>], iteration_bounds = array<i64: 2, 5>, scalar_prefetch = 0 : i64, scratch_operands = 2 : i64, tpu.core_type = #tpu.core_type<tc>, window_params = [{transform_indices = @transform_0, window_bounds = array<i64: 2, 2048, 128>}, {transform_indices = @transform_1, window_bounds = array<i64: 2, 2048, 128>}, {transform_indices = @transform_2, window_bounds = array<i64: 2048, 1>}, {pipeline_mode = #tpu.pipeline_mode<synchronous>, transform_indices = @transform_3, window_bounds = array<i64: 1, 256>}, {pipeline_mode = #tpu.pipeline_mode<synchronous>, transform_indices = @transform_4, window_bounds = array<i64: 1, 256>}, {pipeline_mode = #tpu.pipeline_mode<synchronous>, transform_indices = @transform_5, window_bounds = array<i64: 1, 256>}, {pipeline_mode = #tpu.pipeline_mode<synchronous>, transform_indices = @transform_6, window_bounds = array<i64: 256, 128>}, {transform_indices = @transform_7, window_bounds = array<i64: 2, 2048, 128>}]} {
    %get3A = arith.constant 0 : index
    %get3A_0 = arith.constant 0 : index
    %get3A_1 = arith.constant 0 : index
    %get3A_2 = vector.load %arg2[%get3A, %get3A_0, %get3A_1] : memref<2x2048x128xf32, #tpu.memory_space<vmem>>, vector<1x2048x128xf32>
    %get3A_3 = vector.shape_cast %get3A_2 : vector<1x2048x128xf32> to vector<2048x128xf32>
    %get3A_4 = arith.constant 1 : index
    %get3A_5 = arith.constant 0 : index
    %get3A_6 = arith.constant 0 : index
    %get3A_7 = vector.load %arg2[%get3A_4, %get3A_5, %get3A_6] : memref<2x2048x128xf32, #tpu.memory_space<vmem>>, vector<1x2048x128xf32>
    %get3A_8 = vector.shape_cast %get3A_7 : vector<1x2048x128xf32> to vector<2048x128xf32>
    %concatenate3A = tpu.concatenate %get3A_3, %get3A_8 in 1 : vector<2048x128xf32>, vector<2048x128xf32> -> vector<2048x256xf32>
    %get3A_9 = arith.constant 0 : index
    %get3A_10 = arith.constant 0 : index
    %get3A_11 = arith.constant 0 : index
    %get3A_12 = vector.load %arg3[%get3A_9, %get3A_10, %get3A_11] : memref<2x2048x128xf32, #tpu.memory_space<vmem>>, vector<1x2048x128xf32>
    %get3A_13 = vector.shape_cast %get3A_12 : vector<1x2048x128xf32> to vector<2048x128xf32>
    %get3A_14 = arith.constant 1 : index
    %get3A_15 = arith.constant 0 : index
    %get3A_16 = arith.constant 0 : index
    %get3A_17 = vector.load %arg3[%get3A_14, %get3A_15, %get3A_16] : memref<2x2048x128xf32, #tpu.memory_space<vmem>>, vector<1x2048x128xf32>
    %get3A_18 = vector.shape_cast %get3A_17 : vector<1x2048x128xf32> to vector<2048x128xf32>
    %concatenate3A_19 = tpu.concatenate %get3A_13, %get3A_18 in 1 : vector<2048x128xf32>, vector<2048x128xf32> -> vector<2048x256xf32>
    %add3A = arith.addf %concatenate3A, %concatenate3A_19 : vector<2048x256xf32>
    %get3A_20 = arith.constant 0 : index
    %get3A_21 = arith.constant 0 : index
    %get3A_22 = vector.load %arg4[%get3A_20, %get3A_21] : memref<2048x1xf32, #tpu.memory_space<vmem>>, vector<2048x1xf32>
    %mul3A = vector.broadcast %get3A_22 : vector<2048x1xf32> to vector<2048x256xf32>
    %mul3A_23 = arith.mulf %add3A, %mul3A : vector<2048x256xf32>
    %get3A_24 = arith.constant 0 : index
    %get3A_25 = arith.constant 0 : index
    %get3A_26 = vector.load %arg5[%get3A_24, %get3A_25] : memref<1x256xf32, #tpu.memory_space<vmem>>, vector<1x256xf32>
    %add3A_27 = vector.broadcast %get3A_26 : vector<1x256xf32> to vector<2048x256xf32>
    %add3A_28 = arith.addf %mul3A_23, %add3A_27 : vector<2048x256xf32>
    %eq3A = arith.constant 0 : i32
    %eq3A_29 = arith.cmpi eq, %arg0, %eq3A : i32
    %eq3A_30 = arith.constant 0 : i32
    %eq3A_31 = arith.cmpi eq, %arg1, %eq3A_30 : i32
    %and3A = arith.andi %eq3A_29, %eq3A_31 : i1
    %convert_element_type3A = arith.extui %and3A : i1 to i32
    %cond3A = arith.constant 0 : i32
    %cond3A_32 = arith.cmpi ne, %convert_element_type3A, %cond3A : i32
    scf.if %cond3A_32 {
      %broadcast_in_dim3A = arith.constant 0.000000e+00 : f32
      %broadcast_in_dim3A_43 = vector.broadcast %broadcast_in_dim3A : f32 to vector<1x256xf32>
      %swap3A = arith.constant 0 : index
      %swap3A_44 = arith.constant 0 : index
      %swap3A_45 = vector.load %arg10[%swap3A, %swap3A_44] : memref<1x256xf32, #tpu.memory_space<vmem>>, vector<1x256xf32>
      tpu.vector_store %arg10[%swap3A, %swap3A_44], %broadcast_in_dim3A_43 {strides = array<i32>} : memref<1x256xf32, #tpu.memory_space<vmem>>, vector<1x256xf32>,
      %broadcast_in_dim3A_46 = arith.constant 0.000000e+00 : f32
      %broadcast_in_dim3A_47 = vector.broadcast %broadcast_in_dim3A_46 : f32 to vector<1x256xf32>
      %swap3A_48 = arith.constant 0 : index
      %swap3A_49 = arith.constant 0 : index
      %swap3A_50 = vector.load %arg11[%swap3A_48, %swap3A_49] : memref<1x256xf32, #tpu.memory_space<vmem>>, vector<1x256xf32>
      tpu.vector_store %arg11[%swap3A_48, %swap3A_49], %broadcast_in_dim3A_47 {strides = array<i32>} : memref<1x256xf32, #tpu.memory_space<vmem>>, vector<1x256xf32>,
    } else {
    }
    %eq3A_33 = arith.constant 0 : i32
    %eq3A_34 = arith.cmpi eq, %arg0, %eq3A_33 : i32
    %convert_element_type3A_35 = arith.extui %eq3A_34 : i1 to i32
    %cond3A_36 = arith.constant 0 : i32
    %cond3A_37 = arith.cmpi ne, %convert_element_type3A_35, %cond3A_36 : i32
    scf.if %cond3A_37 {
      %mul3A_43 = arith.constant 2048 : i32
      %mul3A_44 = arith.muli %arg1, %mul3A_43 : i32
      %iota3A = tpu.iota {dimensions = array<i32: 0>} : vector<2048x1xi32>
      %add3A_45 = vector.broadcast %mul3A_44 : i32 to vector<2048x1xi32>
      %add3A_46 = arith.addi %add3A_45, %iota3A : vector<2048x1xi32>
      %lt3A = arith.constant 10000 : i32
      %lt3A_47 = vector.broadcast %lt3A : i32 to vector<2048x1xi32>
      %lt3A_48 = arith.cmpi slt, %add3A_46, %lt3A_47 : vector<2048x1xi32>
      %jit3A = arith.constant 0.000000e+00 : f32
      %broadcast_in_dim3A = vector.shape_cast %lt3A_48 : vector<2048x1xi1> to vector<2048x1xi1>
      %broadcast_in_dim3A_49 = vector.broadcast %broadcast_in_dim3A : vector<2048x1xi1> to vector<2048x256xi1>
      %broadcast_in_dim3A_50 = vector.broadcast %jit3A : f32 to vector<2048x256xf32>
      %select_n3A = arith.select %broadcast_in_dim3A_49, %add3A_28, %broadcast_in_dim3A_50 : vector<2048x256xi1>, vector<2048x256xf32>
      %get3A_51 = arith.constant 0 : index
      %get3A_52 = arith.constant 0 : index
      %get3A_53 = vector.load %arg10[%get3A_51, %get3A_52] : memref<1x256xf32, #tpu.memory_space<vmem>>, vector<1x256xf32>
      %reduce_sum3A = arith.constant dense<0.000000e+00> : vector<256xf32>
      %reduce_sum3A_54 = vector.multi_reduction <add>, %select_n3A, %reduce_sum3A [0] : vector<2048x256xf32> to vector<256xf32>
      %broadcast_in_dim3A_55 = vector.shape_cast %reduce_sum3A_54 : vector<256xf32> to vector<1x256xf32>
      %add3A_56 = arith.addf %get3A_53, %broadcast_in_dim3A_55 : vector<1x256xf32>
      %swap3A = arith.constant 0 : index
      %swap3A_57 = arith.constant 0 : index
      %swap3A_58 = vector.load %arg10[%swap3A, %swap3A_57] : memref<1x256xf32, #tpu.memory_space<vmem>>, vector<1x256xf32>
      tpu.vector_store %arg10[%swap3A, %swap3A_57], %add3A_56 {strides = array<i32>} : memref<1x256xf32, #tpu.memory_space<vmem>>, vector<1x256xf32>,
      %get3A_59 = arith.constant 0 : index
      %get3A_60 = arith.constant 0 : index
      %get3A_61 = vector.load %arg11[%get3A_59, %get3A_60] : memref<1x256xf32, #tpu.memory_space<vmem>>, vector<1x256xf32>
      %mul3A_62 = arith.mulf %select_n3A, %select_n3A : vector<2048x256xf32>
      %reduce_sum3A_63 = arith.constant dense<0.000000e+00> : vector<256xf32>
      %reduce_sum3A_64 = vector.multi_reduction <add>, %mul3A_62, %reduce_sum3A_63 [0] : vector<2048x256xf32> to vector<256xf32>
      %broadcast_in_dim3A_65 = vector.shape_cast %reduce_sum3A_64 : vector<256xf32> to vector<1x256xf32>
      %add3A_66 = arith.addf %get3A_61, %broadcast_in_dim3A_65 : vector<1x256xf32>
      %swap3A_67 = arith.constant 0 : index
      %swap3A_68 = arith.constant 0 : index
      %swap3A_69 = vector.load %arg11[%swap3A_67, %swap3A_68] : memref<1x256xf32, #tpu.memory_space<vmem>>, vector<1x256xf32>
      tpu.vector_store %arg11[%swap3A_67, %swap3A_68], %add3A_66 {strides = array<i32>} : memref<1x256xf32, #tpu.memory_space<vmem>>, vector<1x256xf32>,
    } else {
    }
    %eq3A_38 = arith.constant 1 : i32
    %eq3A_39 = arith.cmpi eq, %arg0, %eq3A_38 : i32
    %convert_element_type3A_40 = arith.extui %eq3A_39 : i1 to i32
    %cond3A_41 = arith.constant 0 : i32
    %cond3A_42 = arith.cmpi ne, %convert_element_type3A_40, %cond3A_41 : i32
    scf.if %cond3A_42 {
      %get3A_43 = arith.constant 0 : index
      %get3A_44 = arith.constant 0 : index
      %get3A_45 = vector.load %arg10[%get3A_43, %get3A_44] : memref<1x256xf32, #tpu.memory_space<vmem>>, vector<1x256xf32>
      %div3A = arith.constant 1.000000e+04 : f32
      %div3A_46 = vector.broadcast %div3A : f32 to vector<1x256xf32>
      %div3A_47 = arith.divf %get3A_45, %div3A_46 : vector<1x256xf32>
      %get3A_48 = arith.constant 0 : index
      %get3A_49 = arith.constant 0 : index
      %get3A_50 = vector.load %arg11[%get3A_48, %get3A_49] : memref<1x256xf32, #tpu.memory_space<vmem>>, vector<1x256xf32>
      %div3A_51 = arith.constant 1.000000e+04 : f32
      %div3A_52 = vector.broadcast %div3A_51 : f32 to vector<1x256xf32>
      %div3A_53 = arith.divf %get3A_50, %div3A_52 : vector<1x256xf32>
      %mul3A_54 = arith.mulf %div3A_47, %div3A_47 : vector<1x256xf32>
      %sub3A = arith.subf %div3A_53, %mul3A_54 : vector<1x256xf32>
      %sub3A_55 = vector.broadcast %div3A_47 : vector<1x256xf32> to vector<2048x256xf32>
      %sub3A_56 = arith.subf %add3A_28, %sub3A_55 : vector<2048x256xf32>
      %add3A_57 = arith.constant 9.99999974E-6 : f32
      %add3A_58 = vector.broadcast %add3A_57 : f32 to vector<1x256xf32>
      %add3A_59 = arith.addf %sub3A, %add3A_58 : vector<1x256xf32>
      %rsqrt3A = math.rsqrt %add3A_59 : vector<1x256xf32>
      %mul3A_60 = vector.broadcast %rsqrt3A : vector<1x256xf32> to vector<2048x256xf32>
      %mul3A_61 = arith.mulf %sub3A_56, %mul3A_60 : vector<2048x256xf32>
      %get3A_62 = arith.constant 0 : index
      %get3A_63 = arith.constant 0 : index
      %get3A_64 = vector.load %arg6[%get3A_62, %get3A_63] : memref<1x256xf32, #tpu.memory_space<vmem>>, vector<1x256xf32>
      %mul3A_65 = vector.broadcast %get3A_64 : vector<1x256xf32> to vector<2048x256xf32>
      %mul3A_66 = arith.mulf %mul3A_61, %mul3A_65 : vector<2048x256xf32>
      %get3A_67 = arith.constant 0 : index
      %get3A_68 = arith.constant 0 : index
      %get3A_69 = vector.load %arg7[%get3A_67, %get3A_68] : memref<1x256xf32, #tpu.memory_space<vmem>>, vector<1x256xf32>
      %add3A_70 = vector.broadcast %get3A_69 : vector<1x256xf32> to vector<2048x256xf32>
      %add3A_71 = arith.addf %mul3A_66, %add3A_70 : vector<2048x256xf32>
      %max3A = arith.constant 0.000000e+00 : f32
      %max3A_72 = vector.broadcast %max3A : f32 to vector<2048x256xf32>
      %max3A_73 = arith.maximumf %add3A_71, %max3A_72 : vector<2048x256xf32>
      %get3A_74 = arith.constant 0 : index
      %get3A_75 = arith.constant 0 : index
      %get3A_76 = vector.load %arg8[%get3A_74, %get3A_75] : memref<256x128xf32, #tpu.memory_space<vmem>>, vector<256x128xf32>
      %dot_general3A = arith.constant dense<0.000000e+00> : vector<2048x128xf32>
      %dot_general3A_77 = tpu.matmul %max3A_73, %get3A_76, %dot_general3A {dimension_numbers = #tpu.dot_dimension_numbers<[1], [0], [0], [1], [0, 0, 1, 1], [], []>, transpose_lhs_hint = false} : vector<2048x256xf32>, vector<256x128xf32>, vector<2048x128xf32> -> vector<2048x128xf32>
      %get3A_78 = arith.constant 0 : index
      %get3A_79 = arith.constant 0 : index
      %get3A_80 = vector.load %arg4[%get3A_78, %get3A_79] : memref<2048x1xf32, #tpu.memory_space<vmem>>, vector<2048x1xf32>
      %mul3A_81 = vector.broadcast %get3A_80 : vector<2048x1xf32> to vector<2048x128xf32>
      %mul3A_82 = arith.mulf %dot_general3A_77, %mul3A_81 : vector<2048x128xf32>
      %swap3A = arith.constant 0 : index
      %swap3A_83 = arith.constant 0 : index
      %swap3A_84 = arith.constant 0 : index
      %swap3A_85 = vector.load %arg9[%swap3A, %swap3A_83, %swap3A_84] : memref<2x2048x128xf32, #tpu.memory_space<vmem>>, vector<1x2048x128xf32>
      %swap3A_86 = vector.shape_cast %swap3A_85 : vector<1x2048x128xf32> to vector<2048x128xf32>
      %swap3A_87 = vector.shape_cast %mul3A_82 : vector<2048x128xf32> to vector<1x2048x128xf32>
      tpu.vector_store %arg9[%swap3A, %swap3A_83, %swap3A_84], %swap3A_87 {strides = array<i32>} : memref<2x2048x128xf32, #tpu.memory_space<vmem>>, vector<1x2048x128xf32>,
      %broadcast_in_dim3A = arith.constant 0.000000e+00 : f32
      %broadcast_in_dim3A_88 = vector.broadcast %broadcast_in_dim3A : f32 to vector<2048x128xf32>
      %swap3A_89 = arith.constant 1 : index
      %swap3A_90 = arith.constant 0 : index
      %swap3A_91 = arith.constant 0 : index
      %swap3A_92 = vector.load %arg9[%swap3A_89, %swap3A_90, %swap3A_91] : memref<2x2048x128xf32, #tpu.memory_space<vmem>>, vector<1x2048x128xf32>
      %swap3A_93 = vector.shape_cast %swap3A_92 : vector<1x2048x128xf32> to vector<2048x128xf32>
      %swap3A_94 = vector.shape_cast %broadcast_in_dim3A_88 : vector<2048x128xf32> to vector<1x2048x128xf32>
      tpu.vector_store %arg9[%swap3A_89, %swap3A_90, %swap3A_91], %swap3A_94 {strides = array<i32>} : memref<2x2048x128xf32, #tpu.memory_space<vmem>>, vector<1x2048x128xf32>,
    } else {
    }
    return
  }
  func.func @transform_0(%arg0: i32, %arg1: i32) -> (i32, i32, i32) {
    %c0_i32 = arith.constant 0 : i32
    %c0_i32_0 = arith.constant 0 : i32
    %c0_i32_1 = arith.constant 0 : i32
    return %c0_i32, %arg1, %c0_i32_0 : i32, i32, i32
  }
  func.func @transform_1(%arg0: i32, %arg1: i32) -> (i32, i32, i32) {
    %c0_i32 = arith.constant 0 : i32
    %c0_i32_0 = arith.constant 0 : i32
    %c0_i32_1 = arith.constant 0 : i32
    return %c0_i32, %arg1, %c0_i32_0 : i32, i32, i32
  }
  func.func @transform_2(%arg0: i32, %arg1: i32) -> (i32, i32) {
    %c0_i32 = arith.constant 0 : i32
    %c0_i32_0 = arith.constant 0 : i32
    return %arg1, %c0_i32 : i32, i32
  }
  func.func @transform_3(%arg0: i32, %arg1: i32) -> (i32, i32) {
    %c0_i32 = arith.constant 0 : i32
    %c0_i32_0 = arith.constant 0 : i32
    %c0_i32_1 = arith.constant 0 : i32
    return %c0_i32, %c0_i32_0 : i32, i32
  }
  func.func @transform_4(%arg0: i32, %arg1: i32) -> (i32, i32) {
    %c0_i32 = arith.constant 0 : i32
    %c0_i32_0 = arith.constant 0 : i32
    %c0_i32_1 = arith.constant 0 : i32
    return %c0_i32, %c0_i32_0 : i32, i32
  }
  func.func @transform_5(%arg0: i32, %arg1: i32) -> (i32, i32) {
    %c0_i32 = arith.constant 0 : i32
    %c0_i32_0 = arith.constant 0 : i32
    %c0_i32_1 = arith.constant 0 : i32
    return %c0_i32, %c0_i32_0 : i32, i32
  }
  func.func @transform_6(%arg0: i32, %arg1: i32) -> (i32, i32) {
    %c0_i32 = arith.constant 0 : i32
    %c0_i32_0 = arith.constant 0 : i32
    %c0_i32_1 = arith.constant 0 : i32
    return %c0_i32, %c0_i32_0 : i32, i32
  }
  func.func @transform_7(%arg0: i32, %arg1: i32) -> (i32, i32, i32) {
    %mul3A = arith.muli %arg1, %arg0 : i32
    %c0_i32 = arith.constant 0 : i32
    %c0_i32_0 = arith.constant 0 : i32
    %c0_i32_1 = arith.constant 0 : i32
    return %c0_i32, %mul3A, %c0_i32_0 : i32, i32, i32
  }
}

module attributes {stable_mosaic.version = 14 : i64} {
  func.func @_tc_c_body(%arg0: i32, %arg1: memref<2x2048x128xf32, #tpu.memory_space<vmem>>, %arg2: memref<2x2048x128xf32, #tpu.memory_space<vmem>>, %arg3: memref<2048x1xf32, #tpu.memory_space<vmem>>, %arg4: memref<1x128xf32, #tpu.memory_space<vmem>>, %arg5: memref<2048x128xf32, #tpu.memory_space<vmem>>) attributes {dimension_semantics = [#tpu.dimension_semantics<arbitrary>], iteration_bounds = array<i64: 5>, scalar_prefetch = 0 : i64, scratch_operands = 0 : i64, tpu.core_type = #tpu.core_type<tc>, window_params = [{transform_indices = @transform_0, window_bounds = array<i64: 2, 2048, 128>}, {transform_indices = @transform_1, window_bounds = array<i64: 2, 2048, 128>}, {transform_indices = @transform_2, window_bounds = array<i64: 2048, 1>}, {pipeline_mode = #tpu.pipeline_mode<synchronous>, transform_indices = @transform_3, window_bounds = array<i64: 1, 128>}, {transform_indices = @transform_4, window_bounds = array<i64: 2048, 128>}]} {
    %get3A = arith.constant 0 : index
    %get3A_0 = arith.constant 0 : index
    %get3A_1 = arith.constant 0 : index
    %get3A_2 = vector.load %arg1[%get3A, %get3A_0, %get3A_1] : memref<2x2048x128xf32, #tpu.memory_space<vmem>>, vector<1x2048x128xf32>
    %get3A_3 = vector.shape_cast %get3A_2 : vector<1x2048x128xf32> to vector<2048x128xf32>
    %get3A_4 = arith.constant 1 : index
    %get3A_5 = arith.constant 0 : index
    %get3A_6 = arith.constant 0 : index
    %get3A_7 = vector.load %arg1[%get3A_4, %get3A_5, %get3A_6] : memref<2x2048x128xf32, #tpu.memory_space<vmem>>, vector<1x2048x128xf32>
    %get3A_8 = vector.shape_cast %get3A_7 : vector<1x2048x128xf32> to vector<2048x128xf32>
    %add3A = arith.addf %get3A_3, %get3A_8 : vector<2048x128xf32>
    %get3A_9 = arith.constant 0 : index
    %get3A_10 = arith.constant 0 : index
    %get3A_11 = arith.constant 0 : index
    %get3A_12 = vector.load %arg2[%get3A_9, %get3A_10, %get3A_11] : memref<2x2048x128xf32, #tpu.memory_space<vmem>>, vector<1x2048x128xf32>
    %get3A_13 = vector.shape_cast %get3A_12 : vector<1x2048x128xf32> to vector<2048x128xf32>
    %add3A_14 = arith.addf %add3A, %get3A_13 : vector<2048x128xf32>
    %get3A_15 = arith.constant 0 : index
    %get3A_16 = arith.constant 0 : index
    %get3A_17 = vector.load %arg3[%get3A_15, %get3A_16] : memref<2048x1xf32, #tpu.memory_space<vmem>>, vector<2048x1xf32>
    %mul3A = vector.broadcast %get3A_17 : vector<2048x1xf32> to vector<2048x128xf32>
    %mul3A_18 = arith.mulf %add3A_14, %mul3A : vector<2048x128xf32>
    %get3A_19 = arith.constant 0 : index
    %get3A_20 = arith.constant 0 : index
    %get3A_21 = vector.load %arg4[%get3A_19, %get3A_20] : memref<1x128xf32, #tpu.memory_space<vmem>>, vector<1x128xf32>
    %add3A_22 = vector.broadcast %get3A_21 : vector<1x128xf32> to vector<2048x128xf32>
    %add3A_23 = arith.addf %mul3A_18, %add3A_22 : vector<2048x128xf32>
    %iota3A = tpu.iota {dimensions = array<i32: 1>} : vector<2048x128xi32>
    %lt3A = arith.constant 40 : i32
    %lt3A_24 = vector.broadcast %lt3A : i32 to vector<2048x128xi32>
    %lt3A_25 = arith.cmpi slt, %iota3A, %lt3A_24 : vector<2048x128xi32>
    %jit3A = arith.constant 0xFF800000 : f32
    %broadcast_in_dim3A = vector.broadcast %jit3A : f32 to vector<2048x128xf32>
    %select_n3A = arith.select %lt3A_25, %add3A_23, %broadcast_in_dim3A : vector<2048x128xi1>, vector<2048x128xf32>
    %reduce_max3A = arith.constant dense<0xFF800000> : vector<2048xf32>
    %reduce_max3A_26 = vector.multi_reduction <maximumf>, %select_n3A, %reduce_max3A [1] : vector<2048x128xf32> to vector<2048xf32>
    %broadcast_in_dim3A_27 = vector.shape_cast %reduce_max3A_26 : vector<2048xf32> to vector<2048x1xf32>
    %sub3A = vector.broadcast %broadcast_in_dim3A_27 : vector<2048x1xf32> to vector<2048x128xf32>
    %sub3A_28 = arith.subf %select_n3A, %sub3A : vector<2048x128xf32>
    %exp3A = math.exp %sub3A_28 : vector<2048x128xf32>
    %reduce_sum3A = arith.constant dense<0.000000e+00> : vector<2048xf32>
    %reduce_sum3A_29 = vector.multi_reduction <add>, %exp3A, %reduce_sum3A [1] : vector<2048x128xf32> to vector<2048xf32>
    %broadcast_in_dim3A_30 = vector.shape_cast %reduce_sum3A_29 : vector<2048xf32> to vector<2048x1xf32>
    %log3A = math.log %broadcast_in_dim3A_30 : vector<2048x1xf32>
    %add3A_31 = arith.addf %log3A, %broadcast_in_dim3A_27 : vector<2048x1xf32>
    %sub3A_32 = vector.broadcast %add3A_31 : vector<2048x1xf32> to vector<2048x128xf32>
    %sub3A_33 = arith.subf %add3A_23, %sub3A_32 : vector<2048x128xf32>
    %swap3A = arith.constant 0 : index
    %swap3A_34 = arith.constant 0 : index
    %swap3A_35 = vector.load %arg5[%swap3A, %swap3A_34] : memref<2048x128xf32, #tpu.memory_space<vmem>>, vector<2048x128xf32>
    tpu.vector_store %arg5[%swap3A, %swap3A_34], %sub3A_33 {strides = array<i32>} : memref<2048x128xf32, #tpu.memory_space<vmem>>, vector<2048x128xf32>,
    return
  }
  func.func @transform_0(%arg0: i32) -> (i32, i32, i32) {
    %c0_i32 = arith.constant 0 : i32
    %c0_i32_0 = arith.constant 0 : i32
    %c0_i32_1 = arith.constant 0 : i32
    return %c0_i32, %arg0, %c0_i32_0 : i32, i32, i32
  }
  func.func @transform_1(%arg0: i32) -> (i32, i32, i32) {
    %c0_i32 = arith.constant 0 : i32
    %c0_i32_0 = arith.constant 0 : i32
    %c0_i32_1 = arith.constant 0 : i32
    return %c0_i32, %arg0, %c0_i32_0 : i32, i32, i32
  }
  func.func @transform_2(%arg0: i32) -> (i32, i32) {
    %c0_i32 = arith.constant 0 : i32
    %c0_i32_0 = arith.constant 0 : i32
    return %arg0, %c0_i32 : i32, i32
  }
  func.func @transform_3(%arg0: i32) -> (i32, i32) {
    %c0_i32 = arith.constant 0 : i32
    %c0_i32_0 = arith.constant 0 : i32
    %c0_i32_1 = arith.constant 0 : i32
    return %c0_i32, %c0_i32_0 : i32, i32
  }
  func.func @transform_4(%arg0: i32) -> (i32, i32) {
    %c0_i32 = arith.constant 0 : i32
    %c0_i32_0 = arith.constant 0 : i32
    return %arg0, %c0_i32 : i32, i32
  }
}

</mosaic_0001>

<sc_bundles>
// kernel: kernel.10.cloned.1.call-start
scs
__scs_entry_jumppad:
0x0: {  	(pc) =	sbr.rel $0x88, $3  }
0x1: {  	(tag) =	ssettag $0x0;
	lr =	simm.s32 $0x1  }
0x2: {  	[smem:$0x3F95] =	sst lr;
	_ =	strace $0xD0000000  }
0x3: {  	_ = 	snop  }
0x4: {  	_ = 	snop  }
0x5: {  	_ = 	snop  }
0x6: {  	_ = 	snop  }
0x7: {  	_ = 	snop  }
__scs_overlays_trampoline_lowered:
0x8: {  	[smem:$0x3FA4] =	sst s0  }
0x9: {  	[smem:$0x3FA5] =	sst s1  }
0xa: {  	[smem:$0x3FA6] =	sst s2  }
0xb: {  	[smem:$0x3FA7] =	sst s3  }
0xc: {  	[smem:$0x3FA8] =	sst s4  }
0xd: {  	[smem:$0x3FA9] =	sst s5  }
0xe: {  	[smem:$0x3FAA] =	sst s6  }
0xf: {  	[smem:$0x3FAB] =	sst s7  }
0x10: {  	[smem:$0x3FAC] =	sst s8  }
0x11: {  	[smem:$0x3FAD] =	sst s9;
	s0 =	simm.s32 @!p0 $0x0  }
0x12: {  	s1 =	sld [smem:$0x3F93];
	s0 =	simm.s32 @p0 $0x1  }
0x13: {  	[smem:$0x3FAE] =	sst s0;
	s0 =	simm.s32 @!p1 $0x0  }
0x14: {  	s2 =	sld [smem:$0x3F92];
	s0 =	simm.s32 @p1 $0x1  }
0x15: {  	[smem:$0x3FAF] =	sst s0;
	s0 =	simm.s32 @!p2 $0x0  }
0x16: {  	s3 =	sld [smem:$0x3FDB];
	s0 =	simm.s32 @p2 $0x1  }
0x17: {  	s4 =	simm.s32 $0x1BF5;
	[smem:$0x3FB1] =	sst s0  }
0x18: {  	s0 =	sld [smem:$0x3F94];
	_ =	swait.ge [sflag:s4], $0x0  }
0x19: {  	s7 =	sld [smem:$0x3F95]  }
0x1a: {  	s8 =	sadd.s32 $0xFFFFE003, lr  }
0x1b: {  	s9 =	sadd.s32 $0xFFFFFEF7, lr;
	s5 =	simm.s32 $0xFFFFFFFF;
	p2 =	slt.u32 s8, $0xFFFFF086  }
0x1c: {  	p1 =	slt.u32 s9, $0xF7A;
	s5 =	simm.s32 @!p2 $0x0  }
0x1d: {  	s5 =	simm.s32 @p1 $0x1;
	p0 =	seq.s32 s7, s2  }
0x1e: {  	s7 =	smul.u32 @!p0 $0xF7A, s2;
	p2 =	seq.s32 @!p0 s5, $0x0  }
0x1f: {  	s9 =	smul.u32 $0xF7A, s1;
	s8 =	simm.s32 @!p0 $0x1BF5;
	p2 =	por !p2, p0  }
0x20: {  	[sflag:s8] =	ssyncset.s32 @!p0 $0xFFFFF086;
	s6 =	sadd.s32 @!p0 s3, s7;
	s7 =	simm.s32 @!p0 $0x108  }
0x21: {  	s3 =	sadd.s32 s3, s9;
	s6 =	sadd.s32 @!p0 $0x88, s6;
	s7 =	simm.s32 @p2 $0x1082  }
0x22: {  	[simem:s7], [sflag:s8] =	dma.local @!p0 [hbm:s6], $0xF7A  }
0x23: {  	s9 =	sor.u32 $0xD0000000, s2;
	s6 =	simm.s32 $0x108;
	_ =	swait.ge @!p0 [sflag:s8], $0x0  }
0x24: {  	s3 =	sadd.s32 $0x88, s3;
	s6 =	simm.s32 @!p1 $0x1082;
	[sflag:s4] =	ssyncset.s32 $0xFFFFF086  }
0x25: {  	[simem:s6], [sflag:s4] =	dma.local [hbm:s3], $0xF7A  }
0x26: {  	[smem:$0x3F95] =	sst s1;
	(tag) =	ssettag s2;
	_ =	strace s9  }
0x27: {  	s1 =	sld [smem:$0x3FA5]  }
0x28: {  	s2 =	sld [smem:$0x3FA6]  }
0x29: {  	s4 =	sld [smem:$0x3FA8]  }
0x2a: {  	p0 =	seq.s32 s5, $0x0;
	s5 =	sld [smem:$0x3FA9]  }
0x2b: {  	s6 =	sld [smem:$0x3FAA]  }
0x2c: {  	s7 =	sld [smem:$0x3FAB]  }
0x2d: {  	s3 =	simm.s32 $0x108;
	s8 =	sld [smem:$0x3FAC]  }
0x2e: {  	s3 =	simm.s32 @!p0 $0x1082;
	s9 =	sld [smem:$0x3FAD]  }
0x2f: {  	lr =	sadd.s32 s0, s3;
	s0 =	sld [smem:$0x3FA4]  }
0x30: {  	s3 =	sld [smem:$0x3FA7]  }
0x31: {  	[smem:$0x3FB0] =	sst s10  }
0x32: {  	s10 =	sld [smem:$0x3FAE];
	_ =	sdelay $0x3  }
0x33: {  	p0 =	seq.s32 s10, $0x1;
	s10 =	sld [smem:$0x3FB0];
	_ =	sdelay $0x3  }
0x34: {  	[smem:$0x3FB0] =	sst s10  }
0x35: {  	s10 =	sld [smem:$0x3FAF];
	_ =	sdelay $0x3  }
0x36: {  	p1 =	seq.s32 s10, $0x1;
	s10 =	sld [smem:$0x3FB0];
	_ =	sdelay $0x3  }
0x37: {  	[smem:$0x3FB0] =	sst s10  }
0x38: {  	s10 =	sld [smem:$0x3FB1]  }
0x39: {  	_ = 	snop;
	(pc) =	sbr.ind lr, $3  }
0x3a: {  	_ = 	snop  }
0x3b: {  	_ = 	snop  }
0x3c: {  	p2 =	seq.s32 s10, $0x1;
	s10 =	sld [smem:$0x3FB0]  }
0x3d: {  	_ =	shalt  }
0x3e: {  	_ =	shalt  }
0x3f: {  	_ =	shalt  }
0x40: {  	_ =	shalt  }
0x41: {  	_ =	shalt  }
0x42: {  	_ =	shalt  }
0x43: {  	_ =	shalt  }
0x44: {  	_ =	shalt  }
0x45: {  	_ =	shalt  }
0x46: {  	_ =	shalt  }
0x47: {  	_ =	shalt  }
0x48: {  	_ =	shalt  }
0x49: {  	_ =	shalt  }
0x4a: {  	_ =	shalt  }
0x4b: {  	_ =	shalt  }
0x4c: {  	_ =	shalt  }
0x4d: {  	_ =	shalt  }
0x4e: {  	_ =	shalt  }
0x4f: {  	_ =	shalt  }
0x50: {  	_ =	shalt  }
0x51: {  	_ =	shalt  }
0x52: {  	_ =	shalt  }
0x53: {  	_ =	shalt  }
0x54: {  	_ =	shalt  }
0x55: {  	_ =	shalt  }
0x56: {  	_ =	shalt  }
0x57: {  	_ =	shalt  }
0x58: {  	_ =	shalt  }
0x59: {  	_ =	shalt  }
0x5a: {  	_ =	shalt  }
0x5b: {  	_ =	shalt  }
0x5c: {  	_ =	shalt  }
0x5d: {  	_ =	shalt  }
0x5e: {  	_ =	shalt  }
0x5f: {  	_ =	shalt  }
0x60: {  	_ =	shalt  }
0x61: {  	_ =	shalt  }
0x62: {  	_ =	shalt  }
0x63: {  	_ =	shalt  }
0x64: {  	_ =	shalt  }
0x65: {  	_ =	shalt  }
0x66: {  	_ =	shalt  }
0x67: {  	_ =	shalt  }
0x68: {  	_ =	shalt  }
0x69: {  	_ =	shalt  }
0x6a: {  	_ =	shalt  }
0x6b: {  	_ =	shalt  }
0x6c: {  	_ =	shalt  }
0x6d: {  	_ =	shalt  }
0x6e: {  	_ =	shalt  }
0x6f: {  	_ =	shalt  }
0x70: {  	_ =	shalt  }
0x71: {  	_ =	shalt  }
0x72: {  	_ =	shalt  }
0x73: {  	_ =	shalt  }
0x74: {  	_ =	shalt  }
0x75: {  	_ =	shalt  }
0x76: {  	_ =	shalt  }
0x77: {  	_ =	shalt  }
0x78: {  	_ =	shalt  }
0x79: {  	_ =	shalt  }
0x7a: {  	_ =	shalt  }
0x7b: {  	_ =	shalt  }
0x7c: {  	_ =	shalt  }
0x7d: {  	_ =	shalt  }
0x7e: {  	_ =	shalt  }
0x7f: {  	_ =	shalt  }
0x80: {  	_ =	shalt  }
0x81: {  	_ =	shalt  }
0x82: {  	_ =	shalt  }
0x83: {  	_ =	shalt  }
0x84: {  	_ =	shalt  }
0x85: {  	_ =	shalt  }
0x86: {  	_ =	shalt  }
0x87: {  	_ =	shalt  }
.Lfunc_end0:
.L_simem_size_0:
called_computation_lowered:
.L_overlay_start_0:
0x88: {  	s2 =	sld [smem:$0x3FD9]  }
0x89: {  	s3 =	sld [smem:$0x3FFE];
	_ =	sdelay $0x1  }
0x8a: {  	s1 =	srdreg.scid  }
0x8b: {  	s0 =	sand.u32 $0x1, s1  }
0x8c: {  	s17 =	sshll.u32 s0, $0xA;
	s2 =	sadd.s32 s3, s2  }
0x8d: {  	s2 =	sadd.s32 s2, s17  }
0x8e: {  	[smem:$0x3FBC] =	sst s2  }
0x8f: {  	_ = 	snop  }
0x90: {  	s2 =	sld [smem:$0x3FD0];
	(tm) =	ssettm $0x1  }
0x91: {  	s18 =	sld [smem:$0x3FFB];
	_ =	sdelay $0x3  }
0x92: {  	_ =	strace s18  }
0x93: {  	s3 =	sld [smem:$0x3FFC];
	_ =	sdelay $0x3  }
0x94: {  	_ =	strace s3  }
0x95: {  	s3 =	sld [smem:$0x3FFD];
	_ =	sdelay $0x3  }
0x96: {  	_ =	strace s3  }
0x97: {  	_ =	strace $0x8FFFFFFF  }
0x98: {  	s19 =	sld [smem:$0x3FDB];
	_ =	sdelay $0x1  }
0x99: {  	s4 =	simm.s32 $_scs_section_size  }
0x9a: {  	s5 =	simm.s32 $_size__tile_overlayer_lowered;
	s6 =	simm.s32 $_tile_overlayer_lowered  }
0x9b: {  	s22 =	simm.s32 $0x1BFF;
	s21 =	sshll.u32 s6, $0x1;
	s3 =	sadd.s32 s4, s19  }
0x9c: {  	s7 =	simm.s32 $0x0;
	s20 =	sshll.u32 s5, $0x1;
	s5 =	sadd.s32 s21, s3  }
0x9d: {  	[timem:s7], [sflag:s22] =	dma.local [hbm:s5], s20  }
0x9e: {  	_ =	swait.ge [sflag:s22], s20  }
0x9f: {  	s4 =	ssub.s32 $0x0, s20;
	[sflag:s22] =	ssyncset.done $0x0  }
0xa0: {  	[sflag:s22] =	ssyncadd.s32 s4;
	_ =	sdelay $0x1  }
0xa1: {  	s23 =	simm.s32 $0x1B8B  }
0xa2: {  	_ =	swait.ge [sflag:s23], $0x1  }
0xa3: {  	[sflag:s23] =	ssyncset.done $0x0  }
0xa4: {  	s25 =	simm.s32 $0x1B8E;
	s24 =	sld [smem:$0x3FFE];
	[sflag:s23] =	ssyncadd.s32 $0xFFFFFFFF  }
0xa5: {  	s26 =	simm.s32 $execute0_lowered;
	[smem:$0x3FD2] =	sst s25  }
0xa6: {  	s5 =	sshll.u32 s26, $0x1;
	_ =	strace $0x80000046;
	[dreg:$0x1] =	wrdreg $0xFFFFFFFF  }
0xa7: {  	s28 =	simm.s32 $_size_execute0_lowered;
	s3 =	sadd.s32 s3, s5;
	[dreg:$0x0] =	wrdreg $0x0  }
0xa8: {  	s5 =	sshll.u32 s28, $0x1;
	[dreg:$0x2] =	wrdreg s3  }
0xa9: {  	[dreg:$0x3] =	wrdreg s5  }
0xaa: {  	[dreg:$0x4] =	wrdreg $0xC0  }
0xab: {  	_ =	task [dreg:s7], $0x5FFFF  }
0xac: {  	[dreg:$0x1] =	wrdreg $0xFFFFFFFF  }
0xad: {  	[dreg:$0x0] =	wrdreg $0x60  }
0xae: {  	[dreg:$0x2] =	wrdreg s2  }
0xaf: {  	[dreg:$0x3] =	wrdreg s24  }
0xb0: {  	[dreg:$0x4] =	wrdreg $0x44000  }
0xb1: {  	[dreg:$0x5] =	wrdreg $0x9  }
0xb2: {  	_ =	task.clear_ibuf [dreg:s7], $0x6FFFF;
	_ =	strace $0x90000046  }
0xb3: {  	s29 =	simm.s32 $0x9;
	_ =	strace $0x80000048  }
0xb4: {  	_ =	swait.ge [sflag:s29], $0x1  }
0xb5: {  	[sflag:s29] =	ssyncadd.s32 $0xFFFFFFFF  }
0xb6: {  	_ =	strace $0x90000048  }
0xb7: {  	_ =	sfence  }
0xb8: {  	s30 =	sld [smem:$0x0];
	_ =	sdelay $0x2  }
0xb9: {  	s31 =	sshll.u32 s1, $0xD;
	s1 =	sshrl.u32 s1, $0x2  }
0xba: {  	s3 =	sand.u32 $0x4000, s31;
	s1 =	sadd.s32 s1, s30  }
0xbb: {  	s0 =	sor.u32 s3, s0;
	s1 =	sshll.u32 s1, $0x11  }
0xbc: {  	s0 =	sor.u32 s1, s0  }
0xbd: {  	s0 =	sadd.s32 $0x8F2B, s0  }
0xbe: {  	[sflag:s0] =	ssyncadd.remote.s32 $0x1  }
0xbf: {  	_ =	sfence.sel $0xFFFF  }
0xc0: {  	[dreg:$0x0] =	wrdreg $0xFFFFFFFF;
	(pc) =	sbr.abs _section_cstart, $3  }
0xc1: {  	[dreg:$0x1] =	wrdreg $0xFFFFFFFF  }
0xc2: {  	_ =	task.clear_ibuf [dreg:s7], $0x2FFFF;
	_ =	strace $0x9FFFFFFF  }
0xc3: {  	(tm) =	ssettm $0x7FFFFFFF  }
tec
execute0_lowered:
.L_overlay_start_1:
0x0: {  	(tag) =	ssettag $0x1  }
0x1: {  	s13 =	rddreg [dreg:$0x0]  }
0x2: {  	s5 =	rddreg [dreg:$0x1]  }
0x3: {  	s2 =	rddreg [dreg:$0x2]  }
0x4: {  	s0 =	rddreg [dreg:$0x3];
	s3 =	simm.s32 $0x0;
	s1 =	stileid.u32  }
0x5: {  	s4 =	srdreg.scid;
	s16 =	simm.s32 $0x400;
	s17 =	simm.s32 $0x100  }
0x6: {  	s18 =	simm.s32 $0x1;
	s19 =	simm.s32 $0x200;
	s20 =	simm.s32 $0x80  }
0x7: {  	s21 =	simm.s32 $0x300;
	s22 =	simm.s32 $0x180;
	s23 =	simm.s32 $0x2  }
0x8: {  	s24 =	simm.s32 $0x0;
	[smem:$0x7FF] =	sst s3;
	s6 =	smul.u32 $0x2800, s1  }
0x9: {  	s7 =	sand.u32 $0x1, s4;
	s4 =	sadd.s32 $0x2B600, s5;
	s26 =	smul.u32 $0x50000, s1  }
0xa: {  	s15 =	smul.u32 $0x28, s1;
	s31 =	sshll.u32 s1, $0x6;
	_ =	strace $0x80000047  }
0xb: {  	s8 =	smul.u32 $0x28000, s7;
	s10 =	sshll.u32 s7, $0x4;
	s28 =	ssub.s32 $0x2, s7  }
0xc: {  	s12 =	smul.u32 $0x280, s7;
	s7 =	sor.u32 $0x1C03, s31;
	s9 =	sadd.s32 s6, s5  }
0xd: {  	s10 =	sor.u32 s1, s10;
	s30 =	sshrl.u32 s28, $0x1;
	s6 =	sadd.s32 s6, s8  }
0xe: {  	s29 =	smul.u32 $0x500, s10;
	s8 =	sshrl.u32 s26, $0x2;
	s10 =	ssub.s32 s28, s30  }
0xf: {  	s12 =	sadd.s32 s15, s12;
	s11 =	sadd.s32 s6, s5;
	s14 =	sadd.s32 s8, s2  }
0x10: {  	s5 =	sadd.s32 $0x3600, s9;
	s10 =	smax.u32 s10, $0x1;
	s15 =	sshll.u32 s12, $0x5  }
0x11: {  	s6 =	sadd.s32 s13, s29;
	s9 =	sadd.s32 $0x2BE00, s11;
	s13 =	sadd.s32 s15, s13  }
0x12: {  	s14 =	sshrl.u32 s14, $0x3;
	s15 =	simm.s32 $0x3;
	s8 =	sadd.s32 $0x20, s6  }
0x13: {  	s11 =	sadd.s32 $0x40, s6;
	s12 =	sadd.s32 $0x60, s6;
	s13 =	sadd.s32 $0x80, s13  }
.LBB2_1:
0x14: {  	[spmem:s14], [sflag:s7] =	dma.local [hbm:s5], $0x2800  }
0x15: {  	_ =	swait.ge [sflag:s15], $0x2800  }
0x16: {  	[sflag:s15] =	ssyncset.done $0x0  }
0x17: {  	[sflag:s15] =	ssyncadd.s32 $0xFFFFD800  }
0x18: {  	[tilespmem:s16], [sflag:$0x3] =	stream.linear.gather [hbm4b:s4+s3], $0x4000, $0x38;
	[tilespmem:$0x18400] =	vst v63  }
0x19: {  	_ =	swait.ge [sflag:s15], $0x4000  }
0x1a: {  	[sflag:s15] =	ssyncset.done $0x0  }
0x1b: {  	[sflag:s15] =	ssyncadd.s32 $0xFFFFC000  }
0x1c: {  	[bflag:$0x0] =	sbarrier.arrive $0xFFFF  }
0x1d: {  	[tilespmem:s3], [sflag:$0x1] =	stream.linear.gather [hbm4b:s6+s3], $0x100, $0x38;
	[tilespmem:$0x18400] =	vst v63  }
0x1e: {  	_ = 	snop  }
0x1f: {  	[tilespmem:s17], [sflag:$0x1] =	stream.linear.gather [hbm4b:s8+s3], $0x100, $0x38;
	[tilespmem:$0x18400] =	vst v63  }
0x20: {  	_ =	swait.ge [sflag:s18], $0x100  }
0x21: {  	[sflag:s18] =	ssyncset.done $0x0  }
0x22: {  	[sflag:s18] =	ssyncadd.s32 $0xFFFFFF00  }
0x23: {  	[tilespmem:s19], [sflag:$0x1] =	stream.linear.gather [hbm4b:s11+s3], $0x100, $0x38;
	[tilespmem:$0x18400] =	vst v63  }
0x24: {  	_ = 	snop  }
0x25: {  	[spmem:s2] =	stream.indirect.scatter.add.f32 [tilespmem:s16], [sflag:$0x2], $0x80, s20, s20, $0xb8;
	[tilespmem:$0x18400] =	vst v63  }
0x26: {  	_ =	swait.ge [sflag:s18], $0x100  }
0x27: {  	[sflag:s18] =	ssyncset.done $0x0  }
0x28: {  	[sflag:s18] =	ssyncadd.s32 $0xFFFFFF00  }
0x29: {  	[tilespmem:s21], [sflag:$0x1] =	stream.linear.gather [hbm4b:s12+s3], $0x100, $0x38;
	[tilespmem:$0x18400] =	vst v63  }
0x2a: {  	_ = 	snop  }
0x2b: {  	[spmem:s2] =	stream.indirect.scatter.add.f32 [tilespmem:s16], [sflag:$0x2], $0x80, s22, s20, $0xb8;
	[tilespmem:$0x18400] =	vst v63  }
0x2c: {  	_ =	swait.ge [sflag:s18], $0x100  }
0x2d: {  	[sflag:s18] =	ssyncset.done $0x0  }
0x2e: {  	s25 =	simm.s32 $0x1000;
	p0 =	por $0x0, $0x0;
	[sflag:s18] =	ssyncadd.s32 $0xFFFFFF00  }
0x2f: {  	s26 =	simm.s32 $0x800;
	s28 =	sand.u32 @!p0 $0xC00, s25;
	_ =	swait.ge [sflag:s23], $0x4000  }
0x30: {  	s29 =	simm.s32 @!p0 $0x0;
	s26 =	sand.u32 $0xC00, s26;
	[sflag:s23] =	ssyncset.done $0x0  }
0x31: {  	s28 =	sshrl.u32 @!p0 s28, $0x2;
	s26 =	sshrl.u32 s26, $0x2;
	[sflag:s23] =	ssyncadd.s32 $0xFFFFC000  }
0x32: {  	[tilespmem:s28], [sflag:$0x1] =	stream.linear.gather @!p0 [hbm4b:s13+s29], $0x100, $0x38;
	[tilespmem:$0x18400] =	vst v63  }
0x33: {  	s26 =	sor.u32 $0x80, s26  }
0x34: {  	[spmem:s2] =	stream.indirect.scatter.add.f32 [tilespmem:s16], [sflag:$0x2], $0x80, s26, s20, $0xb8;
	[tilespmem:$0x18400] =	vst v63  }
0x35: {  	s28 =	sadd.s32 $0x20, s13;
	s26 =	simm.s32 $0x3  }
.LBB2_2:
0x36: {  	_ =	swait.ge [sflag:s18], $0x100  }
0x37: {  	s25 =	sadd.s32 $0x400, s25;
	s29 =	smov.u32 s26;
	s26 =	sadd.s32 $0x1, s26  }
0x38: {  	[sflag:s18] =	ssyncset.done $0x0;
	p0 =	sne.s32 s26, $0x28  }
0x39: {  	p1 =	sgt.u32 s29, $0x25;
	[sflag:s18] =	ssyncadd.s32 $0xFFFFFF00  }
0x3a: {  	s29 =	sadd.s32 $0xFFFFF800, s25;
	s30 =	sand.u32 @!p1 $0xC00, s25;
	_ =	swait.ge [sflag:s23], $0x4000  }
0x3b: {  	s31 =	simm.s32 @!p1 $0x0;
	s29 =	sand.u32 $0xC00, s29;
	[sflag:s23] =	ssyncset.done $0x0  }
.Ltmp0:
0x3c: {  	s30 =	sshrl.u32 @!p1 s30, $0x2;
	[sflag:s23] =	ssyncadd.s32 $0xFFFFC000;
	(pc) =	sbr.rel @p0 .LBB2_2-.Ltmp0, $4  }
0x3d: {  	[tilespmem:s30], [sflag:$0x1] =	stream.linear.gather @!p1 [hbm4b:s28+s31], $0x100, $0x38;
	[tilespmem:$0x18400] =	vst v63  }
0x3e: {  	s29 =	sshrl.u32 s29, $0x2  }
0x3f: {  	s29 =	sor.u32 $0x80, s29;
	s28 =	sadd.s32 $0x20, s28  }
0x40: {  	[spmem:s2] =	stream.indirect.scatter.add.f32 [tilespmem:s16], [sflag:$0x2], $0x80, s29, s20, $0xb8;
	[tilespmem:$0x18400] =	vst v63  }
0x41: {  	_ =	swait.ge [sflag:s23], $0x4000  }
0x42: {  	[sflag:s23] =	ssyncset.done $0x0  }
0x43: {  	[sflag:s23] =	ssyncadd.s32 $0xFFFFC000  }
0x44: {  	_ =	swait.ge [sflag:s23], $0x4000  }
0x45: {  	s24 =	sadd.s32 $0x1, s24;
	[sflag:s23] =	ssyncset.done $0x0  }
0x46: {  	p0 =	sne.s32 s24, s10;
	[sflag:s23] =	ssyncadd.s32 $0xFFFFC000  }
.Ltmp1:
0x47: {  	[bflag:$0x0] =	sbarrier.arrive $0xFFFF;
	(pc) =	sbr.rel @p0 .LBB2_1-.Ltmp1, $4  }
0x48: {  	[hbm:s9], [sflag:s7] =	dma.local [spmem:s14], $0x2800  }
0x49: {  	_ =	swait.ge [sflag:s15], $0x2800  }
0x4a: {  	[sflag:s15] =	ssyncset.done $0x0  }
0x4b: {  	[sflag:s15] =	ssyncadd.s32 $0xFFFFD800  }
0x4c: {  	_ =	sfence.sel $0x180000  }
0x4d: {  	[bflag:$0x0] =	sbarrier.arrive $0xFFFF  }
0x4e: {  	p0 =	sne.s32 s1, $0x0;
	_ =	strace $0x90000047  }
0x4f: {  	s0 =	sadd.s32 @!p0 $0x100000, s0;
	[bflag:$0x2] =	sbarrier.arrive $0xFFFF  }
0x50: {  	[sflag:s0] =	ssyncadd.tile.s32 @!p0 $0x1;
	_ =	shalt  }
.Lfunc_end2:
_tile_overlayer_lowered:
.L_overlay_start_2:
0x51: {  	(tag) =	ssettag $0x2  }
0x52: {  	s0 =	rddreg [dreg:$0x0];
	s2 =	stileid.u32  }
0x53: {  	s1 =	rddreg [dreg:$0x1];
	p0 =	sne.s32 s2, $0x0  }
0x54: {  	s3 =	rddreg [dreg:$0x2];
	[bflag:$0x3] =	sbarrier.arrive $0xFFFF;
	s2 =	simm.s32 @!p0 $0x1C03  }
0x55: {  	[timem:s3], [sflag:s2] =	dma.local @!p0 [hbm:s0], s1  }
0x56: {  	s0 =	simm.s32 @!p0 $0x3  }
0x57: {  	_ =	swait.ge @!p0 [sflag:s0], s1  }
0x58: {  	s1 =	ssub.s32 @!p0 $0x0, s1;
	[sflag:s0] =	ssyncset.done @!p0 $0x0  }
0x59: {  	[sflag:s0] =	ssyncadd.s32 @!p0 s1  }
0x5a: {  	[bflag:$0x3] =	sbarrier.arrive $0xFFFF  }
0x5b: {  	_ =	shalt  }

// kernel: kernel.13.cloned.1.call-start
scs
__scs_entry_jumppad:
0x0: {  	(pc) =	sbr.rel $0x88, $3  }
0x1: {  	(tag) =	ssettag $0x0;
	lr =	simm.s32 $0x1  }
0x2: {  	[smem:$0x3F95] =	sst lr;
	_ =	strace $0xD0000000  }
0x3: {  	_ = 	snop  }
0x4: {  	_ = 	snop  }
0x5: {  	_ = 	snop  }
0x6: {  	_ = 	snop  }
0x7: {  	_ = 	snop  }
__scs_overlays_trampoline_lowered:
0x8: {  	[smem:$0x3FA4] =	sst s0  }
0x9: {  	[smem:$0x3FA5] =	sst s1  }
0xa: {  	[smem:$0x3FA6] =	sst s2  }
0xb: {  	[smem:$0x3FA7] =	sst s3  }
0xc: {  	[smem:$0x3FA8] =	sst s4  }
0xd: {  	[smem:$0x3FA9] =	sst s5  }
0xe: {  	[smem:$0x3FAA] =	sst s6  }
0xf: {  	[smem:$0x3FAB] =	sst s7  }
0x10: {  	[smem:$0x3FAC] =	sst s8  }
0x11: {  	[smem:$0x3FAD] =	sst s9;
	s0 =	simm.s32 @!p0 $0x0  }
0x12: {  	s1 =	sld [smem:$0x3F93];
	s0 =	simm.s32 @p0 $0x1  }
0x13: {  	[smem:$0x3FAE] =	sst s0;
	s0 =	simm.s32 @!p1 $0x0  }
0x14: {  	s2 =	sld [smem:$0x3F92];
	s0 =	simm.s32 @p1 $0x1  }
0x15: {  	[smem:$0x3FAF] =	sst s0;
	s0 =	simm.s32 @!p2 $0x0  }
0x16: {  	s3 =	sld [smem:$0x3FDB];
	s0 =	simm.s32 @p2 $0x1  }
0x17: {  	s4 =	simm.s32 $0x1BF5;
	[smem:$0x3FB1] =	sst s0  }
0x18: {  	s0 =	sld [smem:$0x3F94];
	_ =	swait.ge [sflag:s4], $0x0  }
0x19: {  	s7 =	sld [smem:$0x3F95]  }
0x1a: {  	s8 =	sadd.s32 $0xFFFFE003, lr  }
0x1b: {  	s9 =	sadd.s32 $0xFFFFFEF7, lr;
	s5 =	simm.s32 $0xFFFFFFFF;
	p2 =	slt.u32 s8, $0xFFFFF086  }
0x1c: {  	p1 =	slt.u32 s9, $0xF7A;
	s5 =	simm.s32 @!p2 $0x0  }
0x1d: {  	s5 =	simm.s32 @p1 $0x1;
	p0 =	seq.s32 s7, s2  }
0x1e: {  	s7 =	smul.u32 @!p0 $0xF7A, s2;
	p2 =	seq.s32 @!p0 s5, $0x0  }
0x1f: {  	s9 =	smul.u32 $0xF7A, s1;
	s8 =	simm.s32 @!p0 $0x1BF5;
	p2 =	por !p2, p0  }
0x20: {  	[sflag:s8] =	ssyncset.s32 @!p0 $0xFFFFF086;
	s6 =	sadd.s32 @!p0 s3, s7;
	s7 =	simm.s32 @!p0 $0x108  }
0x21: {  	s3 =	sadd.s32 s3, s9;
	s6 =	sadd.s32 @!p0 $0x88, s6;
	s7 =	simm.s32 @p2 $0x1082  }
0x22: {  	[simem:s7], [sflag:s8] =	dma.local @!p0 [hbm:s6], $0xF7A  }
0x23: {  	s9 =	sor.u32 $0xD0000000, s2;
	s6 =	simm.s32 $0x108;
	_ =	swait.ge @!p0 [sflag:s8], $0x0  }
0x24: {  	s3 =	sadd.s32 $0x88, s3;
	s6 =	simm.s32 @!p1 $0x1082;
	[sflag:s4] =	ssyncset.s32 $0xFFFFF086  }
0x25: {  	[simem:s6], [sflag:s4] =	dma.local [hbm:s3], $0xF7A  }
0x26: {  	[smem:$0x3F95] =	sst s1;
	(tag) =	ssettag s2;
	_ =	strace s9  }
0x27: {  	s1 =	sld [smem:$0x3FA5]  }
0x28: {  	s2 =	sld [smem:$0x3FA6]  }
0x29: {  	s4 =	sld [smem:$0x3FA8]  }
0x2a: {  	p0 =	seq.s32 s5, $0x0;
	s5 =	sld [smem:$0x3FA9]  }
0x2b: {  	s6 =	sld [smem:$0x3FAA]  }
0x2c: {  	s7 =	sld [smem:$0x3FAB]  }
0x2d: {  	s3 =	simm.s32 $0x108;
	s8 =	sld [smem:$0x3FAC]  }
0x2e: {  	s3 =	simm.s32 @!p0 $0x1082;
	s9 =	sld [smem:$0x3FAD]  }
0x2f: {  	lr =	sadd.s32 s0, s3;
	s0 =	sld [smem:$0x3FA4]  }
0x30: {  	s3 =	sld [smem:$0x3FA7]  }
0x31: {  	[smem:$0x3FB0] =	sst s10  }
0x32: {  	s10 =	sld [smem:$0x3FAE];
	_ =	sdelay $0x3  }
0x33: {  	p0 =	seq.s32 s10, $0x1;
	s10 =	sld [smem:$0x3FB0];
	_ =	sdelay $0x3  }
0x34: {  	[smem:$0x3FB0] =	sst s10  }
0x35: {  	s10 =	sld [smem:$0x3FAF];
	_ =	sdelay $0x3  }
0x36: {  	p1 =	seq.s32 s10, $0x1;
	s10 =	sld [smem:$0x3FB0];
	_ =	sdelay $0x3  }
0x37: {  	[smem:$0x3FB0] =	sst s10  }
0x38: {  	s10 =	sld [smem:$0x3FB1]  }
0x39: {  	_ = 	snop;
	(pc) =	sbr.ind lr, $3  }
0x3a: {  	_ = 	snop  }
0x3b: {  	_ = 	snop  }
0x3c: {  	p2 =	seq.s32 s10, $0x1;
	s10 =	sld [smem:$0x3FB0]  }
0x3d: {  	_ =	shalt  }
0x3e: {  	_ =	shalt  }
0x3f: {  	_ =	shalt  }
0x40: {  	_ =	shalt  }
0x41: {  	_ =	shalt  }
0x42: {  	_ =	shalt  }
0x43: {  	_ =	shalt  }
0x44: {  	_ =	shalt  }
0x45: {  	_ =	shalt  }
0x46: {  	_ =	shalt  }
0x47: {  	_ =	shalt  }
0x48: {  	_ =	shalt  }
0x49: {  	_ =	shalt  }
0x4a: {  	_ =	shalt  }
0x4b: {  	_ =	shalt  }
0x4c: {  	_ =	shalt  }
0x4d: {  	_ =	shalt  }
0x4e: {  	_ =	shalt  }
0x4f: {  	_ =	shalt  }
0x50: {  	_ =	shalt  }
0x51: {  	_ =	shalt  }
0x52: {  	_ =	shalt  }
0x53: {  	_ =	shalt  }
0x54: {  	_ =	shalt  }
0x55: {  	_ =	shalt  }
0x56: {  	_ =	shalt  }
0x57: {  	_ =	shalt  }
0x58: {  	_ =	shalt  }
0x59: {  	_ =	shalt  }
0x5a: {  	_ =	shalt  }
0x5b: {  	_ =	shalt  }
0x5c: {  	_ =	shalt  }
0x5d: {  	_ =	shalt  }
0x5e: {  	_ =	shalt  }
0x5f: {  	_ =	shalt  }
0x60: {  	_ =	shalt  }
0x61: {  	_ =	shalt  }
0x62: {  	_ =	shalt  }
0x63: {  	_ =	shalt  }
0x64: {  	_ =	shalt  }
0x65: {  	_ =	shalt  }
0x66: {  	_ =	shalt  }
0x67: {  	_ =	shalt  }
0x68: {  	_ =	shalt  }
0x69: {  	_ =	shalt  }
0x6a: {  	_ =	shalt  }
0x6b: {  	_ =	shalt  }
0x6c: {  	_ =	shalt  }
0x6d: {  	_ =	shalt  }
0x6e: {  	_ =	shalt  }
0x6f: {  	_ =	shalt  }
0x70: {  	_ =	shalt  }
0x71: {  	_ =	shalt  }
0x72: {  	_ =	shalt  }
0x73: {  	_ =	shalt  }
0x74: {  	_ =	shalt  }
0x75: {  	_ =	shalt  }
0x76: {  	_ =	shalt  }
0x77: {  	_ =	shalt  }
0x78: {  	_ =	shalt  }
0x79: {  	_ =	shalt  }
0x7a: {  	_ =	shalt  }
0x7b: {  	_ =	shalt  }
0x7c: {  	_ =	shalt  }
0x7d: {  	_ =	shalt  }
0x7e: {  	_ =	shalt  }
0x7f: {  	_ =	shalt  }
0x80: {  	_ =	shalt  }
0x81: {  	_ =	shalt  }
0x82: {  	_ =	shalt  }
0x83: {  	_ =	shalt  }
0x84: {  	_ =	shalt  }
0x85: {  	_ =	shalt  }
0x86: {  	_ =	shalt  }
0x87: {  	_ =	shalt  }
.Lfunc_end0:
.L_simem_size_0:
called_computation.1_lowered:
.L_overlay_start_0:
0x88: {  	s2 =	sld [smem:$0x3FD9]  }
0x89: {  	s3 =	sld [smem:$0x3FFE];
	_ =	sdelay $0x1  }
0x8a: {  	s1 =	srdreg.scid  }
0x8b: {  	s0 =	sand.u32 $0x1, s1  }
0x8c: {  	s16 =	sshll.u32 s0, $0xA;
	s2 =	sadd.s32 s3, s2  }
0x8d: {  	s2 =	sadd.s32 s2, s16  }
0x8e: {  	[smem:$0x3FBC] =	sst s2  }
0x8f: {  	_ = 	snop  }
0x90: {  	(tm) =	ssettm $0x1  }
0x91: {  	s17 =	sld [smem:$0x3FFB];
	_ =	sdelay $0x3  }
0x92: {  	_ =	strace s17  }
0x93: {  	s2 =	sld [smem:$0x3FFC];
	_ =	sdelay $0x3  }
0x94: {  	_ =	strace s2  }
0x95: {  	s2 =	sld [smem:$0x3FFD];
	_ =	sdelay $0x3  }
0x96: {  	_ =	strace s2  }
0x97: {  	_ =	strace $0x8FFFFFFF  }
0x98: {  	s18 =	sld [smem:$0x3FDB];
	_ =	sdelay $0x1  }
0x99: {  	s19 =	simm.s32 $_scs_section_size  }
0x9a: {  	s4 =	simm.s32 $_size__tile_overlayer_lowered;
	s5 =	simm.s32 $_tile_overlayer_lowered  }
0x9b: {  	s22 =	simm.s32 $0x1BFF;
	s21 =	sshll.u32 s5, $0x1;
	s2 =	sadd.s32 s19, s18  }
0x9c: {  	s6 =	simm.s32 $0x0;
	s20 =	sshll.u32 s4, $0x1;
	s4 =	sadd.s32 s21, s2  }
0x9d: {  	[timem:s6], [sflag:s22] =	dma.local [hbm:s4], s20  }
0x9e: {  	_ =	swait.ge [sflag:s22], s20  }
0x9f: {  	s3 =	ssub.s32 $0x0, s20;
	[sflag:s22] =	ssyncset.done $0x0  }
0xa0: {  	[sflag:s22] =	ssyncadd.s32 s3;
	_ =	sdelay $0x1  }
0xa1: {  	s23 =	simm.s32 $0x1B8B  }
0xa2: {  	_ =	swait.ge [sflag:s23], $0x1  }
0xa3: {  	[sflag:s23] =	ssyncset.done $0x0  }
0xa4: {  	s25 =	simm.s32 $0x1B8E;
	s24 =	sld [smem:$0x3FFE];
	[sflag:s23] =	ssyncadd.s32 $0xFFFFFFFF  }
0xa5: {  	s26 =	simm.s32 $execute0_lowered;
	[smem:$0x3FD2] =	sst s25  }
0xa6: {  	s4 =	sshll.u32 s26, $0x1;
	_ =	strace $0x80000049;
	[dreg:$0x1] =	wrdreg $0xFFFFFFFF  }
0xa7: {  	s28 =	simm.s32 $_size_execute0_lowered;
	s2 =	sadd.s32 s2, s4;
	[dreg:$0x0] =	wrdreg $0x0  }
0xa8: {  	s4 =	sshll.u32 s28, $0x1;
	[dreg:$0x2] =	wrdreg s2  }
0xa9: {  	[dreg:$0x3] =	wrdreg s4  }
0xaa: {  	[dreg:$0x4] =	wrdreg $0xC0  }
0xab: {  	_ =	task [dreg:s6], $0x5FFFF  }
0xac: {  	[dreg:$0x1] =	wrdreg $0xFFFFFFFF  }
0xad: {  	[dreg:$0x0] =	wrdreg $0x60  }
0xae: {  	[dreg:$0x2] =	wrdreg s24  }
0xaf: {  	[dreg:$0x3] =	wrdreg $0x84000  }
0xb0: {  	[dreg:$0x4] =	wrdreg $0x9  }
0xb1: {  	_ =	task.clear_ibuf [dreg:s6], $0x5FFFF;
	_ =	strace $0x90000049  }
0xb2: {  	s29 =	simm.s32 $0x9;
	_ =	strace $0x8000004B  }
0xb3: {  	_ =	swait.ge [sflag:s29], $0x1  }
0xb4: {  	[sflag:s29] =	ssyncadd.s32 $0xFFFFFFFF  }
0xb5: {  	_ =	strace $0x9000004B  }
0xb6: {  	_ =	sfence  }
0xb7: {  	s30 =	sld [smem:$0x0];
	_ =	sdelay $0x2  }
0xb8: {  	s31 =	sshll.u32 s1, $0xD;
	s1 =	sshrl.u32 s1, $0x2  }
0xb9: {  	s3 =	sand.u32 $0x4000, s31;
	s1 =	sadd.s32 s1, s30  }
0xba: {  	s0 =	sor.u32 s3, s0;
	s1 =	sshll.u32 s1, $0x11  }
0xbb: {  	s0 =	sor.u32 s1, s0  }
0xbc: {  	s0 =	sadd.s32 $0x8F2B, s0  }
0xbd: {  	[sflag:s0] =	ssyncadd.remote.s32 $0x1  }
0xbe: {  	_ =	sfence.sel $0xFFFF  }
0xbf: {  	[dreg:$0x0] =	wrdreg $0xFFFFFFFF;
	(pc) =	sbr.abs _section_cstart, $3  }
0xc0: {  	[dreg:$0x1] =	wrdreg $0xFFFFFFFF  }
0xc1: {  	_ =	task.clear_ibuf [dreg:s6], $0x2FFFF;
	_ =	strace $0x9FFFFFFF  }
0xc2: {  	(tm) =	ssettm $0x7FFFFFFF  }
0xc3: {  	_ =	shalt  }
tec
execute0_lowered:
.L_overlay_start_1:
0x0: {  	(tag) =	ssettag $0x1  }
0x1: {  	s5 =	rddreg [dreg:$0x0]  }
0x2: {  	s2 =	rddreg [dreg:$0x1]  }
0x3: {  	s0 =	stileid.u32;
	s4 =	srdreg.scid  }
0x4: {  	s3 =	simm.s32 $0x0;
	s16 =	simm.s32 $0x80;
	s17 =	simm.s32 $0x400  }
0x5: {  	s19 =	simm.s32 $0x4400;
	s20 =	simm.s32 $0x2;
	s21 =	simm.s32 $0x1  }
0x6: {  	s22 =	simm.s32 $0x3;
	s6 =	smul.u32 $0x2800, s0;
	s7 =	sand.u32 $0x1, s4  }
0x7: {  	[smem:$0x7FF] =	sst s3;
	s4 =	sadd.s32 $0x2B600, s5;
	s25 =	smul.u32 $0x50000, s0  }
0x8: {  	s10 =	sadd.s32 $0xCBE00, s5;
	s13 =	smul.u32 $0x50, s0;
	s29 =	sshll.u32 s0, $0x6  }
0x9: {  	s8 =	smul.u32 $0x28000, s7;
	_ =	strace $0x8000004A;
	s24 =	ssub.s32 $0x2, s7  }
0xa: {  	s12 =	sshll.u32 s7, $0x4;
	s7 =	smul.u32 $0x500, s7;
	s9 =	sadd.s32 s6, s5  }
0xb: {  	s26 =	sshrl.u32 s24, $0x1;
	s12 =	sor.u32 s0, s12;
	s6 =	sadd.s32 s6, s8  }
0xc: {  	s14 =	ssub.s32 s24, s26;
	s28 =	smul.u32 $0xA00, s12;
	s1 =	sadd.s32 $0x3600, s9  }
0xd: {  	s30 =	sadd.s32 s13, s7;
	s24 =	simm.s32 $0x0;
	s11 =	sadd.s32 s6, s5  }
0xe: {  	s6 =	sshrl.u32 s25, $0x2;
	[dreg:$0x3] =	wrdreg s1;
	s31 =	sshll.u32 s30, $0x5  }
0xf: {  	s15 =	sadd.s32 s6, s2;
	s6 =	sor.u32 $0x1C04, s29;
	s7 =	sadd.s32 s10, s28  }
0x10: {  	s9 =	sadd.s32 $0x7B600, s11;
	s12 =	sadd.s32 s31, s10;
	s10 =	smax.u32 s14, $0x1  }
0x11: {  	s14 =	simm.s32 $0x4;
	s8 =	sadd.s32 $0x20, s7;
	s11 =	sadd.s32 $0x40, s7  }
0x12: {  	s12 =	sadd.s32 $0x60, s12;
	s13 =	sshrl.u32 s15, $0x3;
	s15 =	simm.s32 $0x100  }
.LBB2_1:
0x13: {  	s0 =	rddreg [dreg:$0x3]  }
0x14: {  	[spmem:s13], [sflag:s6] =	dma.local [hbm:s0], $0x2800  }
0x15: {  	_ =	swait.ge [sflag:s14], $0x2800  }
0x16: {  	[sflag:s14] =	ssyncset.done $0x0  }
0x17: {  	[sflag:s14] =	ssyncadd.s32 $0xFFFFD800  }
0x18: {  	[bflag:$0x0] =	sbarrier.arrive $0xFFFF  }
0x19: {  	[tilespmem:s3], [sflag:$0x1] =	stream.linear.gather [hbm4b:s7+s3], $0x100, $0x38;
	[tilespmem:$0x1C400] =	vst v63  }
0x1a: {  	_ =	swait.ge [sflag:s21], $0x100  }
0x1b: {  	[sflag:s21] =	ssyncset.done $0x0  }
0x1c: {  	[sflag:s21] =	ssyncadd.s32 $0xFFFFFF00  }
0x1d: {  	[tilespmem:s15], [sflag:$0x1] =	stream.linear.gather [hbm4b:s8+s3], $0x100, $0x38;
	[tilespmem:$0x1C400] =	vst v63  }
0x1e: {  	_ = 	snop  }
0x1f: {  	[tilespmem:s17], [sflag:$0x2] =	stream.indirect.gather [hbm4b:s4+s16], $0x80, s3, s16, $0xb8;
	[tilespmem:$0x1C400] =	vst v63  }
0x20: {  	_ =	swait.ge [sflag:s21], $0x100  }
0x21: {  	[sflag:s21] =	ssyncset.done $0x0  }
0x22: {  	s26 =	simm.s32 $0x200;
	[sflag:s21] =	ssyncadd.s32 $0xFFFFFF00  }
0x23: {  	[tilespmem:s26], [sflag:$0x1] =	stream.linear.gather [hbm4b:s11+s3], $0x100, $0x38;
	[tilespmem:$0x1C400] =	vst v63  }
0x24: {  	_ = 	snop  }
0x25: {  	[tilespmem:s19], [sflag:$0x2] =	stream.indirect.gather [hbm4b:s4+s16], $0x80, s15, s16, $0xb8;
	[tilespmem:$0x1C400] =	vst v63  }
0x26: {  	_ =	swait.ge [sflag:s20], $0x4000  }
0x27: {  	[sflag:s20] =	ssyncset.done $0x0  }
0x28: {  	[sflag:s20] =	ssyncadd.s32 $0xFFFFC000  }
0x29: {  	[spmem:s2] =	stream.indirect.scatter.add.f32 [tilespmem:s17], [sflag:$0x3], $0x80, s16, s16, $0xb8;
	[tilespmem:$0x1C400] =	vst v63  }
0x2a: {  	s28 =	simm.s32 $0xC00;
	s29 =	simm.s32 $0x20000;
	_ =	swait.ge [sflag:s21], $0x100  }
0x2b: {  	s25 =	simm.s32 $0x1000;
	s30 =	simm.s32 $0x800;
	[sflag:s21] =	ssyncset.done $0x0  }
0x2c: {  	p0 =	por $0x0, $0x0;
	s29 =	sand.u32 $0x10000, s29;
	[sflag:s21] =	ssyncadd.s32 $0xFFFFFF00  }
0x2d: {  	s30 =	sand.u32 $0xC00, s30;
	s28 =	sand.u32 @!p0 $0xC00, s28;
	_ =	swait.ge [sflag:s22], $0x4000  }
0x2e: {  	s31 =	simm.s32 @!p0 $0x0;
	s28 =	sshrl.u32 @!p0 s28, $0x2;
	[sflag:s22] =	ssyncset.done $0x0  }
0x2f: {  	s29 =	sshrl.u32 s29, $0x2;
	s30 =	sshrl.u32 s30, $0x2;
	[sflag:s22] =	ssyncadd.s32 $0xFFFFC000  }
0x30: {  	[tilespmem:s28], [sflag:$0x1] =	stream.linear.gather @!p0 [hbm4b:s12+s31], $0x100, $0x38;
	[tilespmem:$0x1C400] =	vst v63  }
0x31: {  	s29 =	sor.u32 $0x400, s29;
	s26 =	simm.s32 $0x2;
	s31 =	simm.s32 $0x400  }
0x32: {  	[tilespmem:s29], [sflag:$0x2] =	stream.indirect.gather [hbm4b:s4+s16], $0x80, s30, s16, $0xb8;
	[tilespmem:$0x1C400] =	vst v63  }
0x33: {  	s28 =	sadd.s32 $0x20, s12;
	s31 =	sand.u32 $0xC00, s31;
	s30 =	simm.s32 $0x10000  }
0x34: {  	s29 =	simm.s32 $0x30000;
	s30 =	sand.u32 $0x10000, s30;
	_ =	swait.ge [sflag:s20], $0x4000  }
0x35: {  	s31 =	sshrl.u32 s31, $0x2;
	s30 =	sshrl.u32 s30, $0x2;
	[sflag:s20] =	ssyncset.done $0x0  }
0x36: {  	s31 =	sor.u32 $0x80, s31;
	s30 =	sor.u32 $0x400, s30;
	[sflag:s20] =	ssyncadd.s32 $0xFFFFC000  }
.LBB2_2:
0x37: {  	[spmem:s2] =	stream.indirect.scatter.add.f32 [tilespmem:s30], [sflag:$0x3], $0x80, s31, s16, $0xb8;
	[tilespmem:$0x1C400] =	vst v63  }
0x38: {  	s30 =	smov.u32 s25;
	s31 =	smov.u32 s26;
	s0 =	smov.u32 s28  }
0x39: {  	s25 =	sadd.s32 $0x400, s25;
	s1 =	smov.u32 s29  }
0x3a: {  	s26 =	sadd.s32 $0x1, s26;
	p0 =	sne.s32 s25, $0x14400  }
0x3b: {  	s28 =	sadd.s32 $0x20, s28;
	s29 =	sadd.s32 $0x10000, s29;
	_ =	swait.ge [sflag:s21], $0x100  }
0x3c: {  	s18 =	sadd.s32 $0xFFFF0000, s1;
	s23 =	sadd.s32 $0xFFFFF800, s30;
	[sflag:s21] =	ssyncset.done $0x0  }
0x3d: {  	s1 =	sand.u32 $0x10000, s1;
	s5 =	sadd.s32 $0xFFFFFC00, s30;
	[sflag:s21] =	ssyncadd.s32 $0xFFFFFF00  }
0x3e: {  	p1 =	sgt.u32 s31, $0x4D;
	s5 =	sand.u32 $0xC00, s5;
	_ =	swait.ge [sflag:s22], $0x4000  }
0x3f: {  	s30 =	sand.u32 @!p1 $0xC00, s30;
	s31 =	simm.s32 @!p1 $0x0;
	[sflag:s22] =	ssyncset.done $0x0  }
0x40: {  	s1 =	sshrl.u32 s1, $0x2;
	s30 =	sshrl.u32 @!p1 s30, $0x2;
	[sflag:s22] =	ssyncadd.s32 $0xFFFFC000  }
0x41: {  	[tilespmem:s30], [sflag:$0x1] =	stream.linear.gather @!p1 [hbm4b:s0+s31], $0x100, $0x38;
	[tilespmem:$0x1C400] =	vst v63  }
.Ltmp0:
0x42: {  	s0 =	sor.u32 $0x400, s1;
	s1 =	sshrl.u32 s5, $0x2;
	(pc) =	sbr.rel @p0 .LBB2_2-.Ltmp0, $4  }
0x43: {  	[tilespmem:s0], [sflag:$0x2] =	stream.indirect.gather [hbm4b:s4+s16], $0x80, s1, s16, $0xb8;
	[tilespmem:$0x1C400] =	vst v63  }
0x44: {  	s0 =	sand.u32 $0x10000, s18;
	s1 =	sand.u32 $0xC00, s23;
	_ =	swait.ge [sflag:s20], $0x4000  }
0x45: {  	s0 =	sshrl.u32 s0, $0x2;
	s1 =	sshrl.u32 s1, $0x2;
	[sflag:s20] =	ssyncset.done $0x0  }
0x46: {  	s30 =	sor.u32 $0x400, s0;
	s31 =	sor.u32 $0x80, s1;
	[sflag:s20] =	ssyncadd.s32 $0xFFFFC000  }
0x47: {  	[spmem:s2] =	stream.indirect.scatter.add.f32 [tilespmem:s30], [sflag:$0x3], $0x80, s31, s16, $0xb8;
	[tilespmem:$0x1C400] =	vst v63  }
0x48: {  	_ =	swait.ge [sflag:s20], $0x4000  }
0x49: {  	[sflag:s20] =	ssyncset.done $0x0  }
0x4a: {  	s0 =	simm.s32 $0x380;
	[sflag:s20] =	ssyncadd.s32 $0xFFFFC000  }
0x4b: {  	[spmem:s2] =	stream.indirect.scatter.add.f32 [tilespmem:s19], [sflag:$0x3], $0x80, s0, s16, $0xb8;
	[tilespmem:$0x1C400] =	vst v63  }
0x4c: {  	_ =	swait.ge [sflag:s22], $0x4000  }
0x4d: {  	[sflag:s22] =	ssyncset.done $0x0  }
0x4e: {  	[sflag:s22] =	ssyncadd.s32 $0xFFFFC000  }
0x4f: {  	_ =	swait.ge [sflag:s22], $0x4000  }
0x50: {  	s24 =	sadd.s32 $0x1, s24;
	[sflag:s22] =	ssyncset.done $0x0  }
0x51: {  	p0 =	sne.s32 s24, s10;
	[sflag:s22] =	ssyncadd.s32 $0xFFFFC000  }
.Ltmp1:
0x52: {  	[bflag:$0x0] =	sbarrier.arrive $0xFFFF;
	(pc) =	sbr.rel @p0 .LBB2_1-.Ltmp1, $4  }
0x53: {  	[hbm:s9], [sflag:s6] =	dma.local [spmem:s13], $0x2800  }
0x54: {  	_ =	swait.ge [sflag:s14], $0x2800  }
0x55: {  	[sflag:s14] =	ssyncset.done $0x0  }
0x56: {  	[sflag:s14] =	ssyncadd.s32 $0xFFFFD800  }
0x57: {  	_ =	sfence.sel $0x180000  }
0x58: {  	[bflag:$0x0] =	sbarrier.arrive $0xFFFF  }
0x59: {  	_ =	strace $0x9000004A  }
0x5a: {  	s0 =	stileid.u32;
	[bflag:$0x2] =	sbarrier.arrive $0xFFFF  }
0x5b: {  	p0 =	sne.s32 s0, $0x0;
	s0 =	rddreg [dreg:$0x2]  }
0x5c: {  	s0 =	sadd.s32 @!p0 $0x100000, s0  }
0x5d: {  	[sflag:s0] =	ssyncadd.tile.s32 @!p0 $0x1;
	_ =	shalt  }
.Lfunc_end2:
_tile_overlayer_lowered:
.L_overlay_start_2:
0x5e: {  	(tag) =	ssettag $0x2  }
0x5f: {  	s0 =	rddreg [dreg:$0x0];
	s2 =	stileid.u32  }
0x60: {  	s1 =	rddreg [dreg:$0x1];
	p0 =	sne.s32 s2, $0x0  }
0x61: {  	s3 =	rddreg [dreg:$0x2];
	[bflag:$0x3] =	sbarrier.arrive $0xFFFF;
	s2 =	simm.s32 @!p0 $0x1C04  }
0x62: {  	[timem:s3], [sflag:s2] =	dma.local @!p0 [hbm:s0], s1  }
0x63: {  	s0 =	simm.s32 @!p0 $0x4  }
0x64: {  	_ =	swait.ge @!p0 [sflag:s0], s1  }
0x65: {  	s1 =	ssub.s32 @!p0 $0x0, s1;
	[sflag:s0] =	ssyncset.done @!p0 $0x0  }
0x66: {  	[sflag:s0] =	ssyncadd.s32 @!p0 s1  }
0x67: {  	[bflag:$0x3] =	sbarrier.arrive $0xFFFF  }
0x68: {  	_ =	shalt  }

// kernel: kernel.16.cloned.1.call-start
scs
__scs_entry_jumppad:
0x0: {  	(pc) =	sbr.rel $0x88, $3  }
0x1: {  	(tag) =	ssettag $0x0;
	lr =	simm.s32 $0x1  }
0x2: {  	[smem:$0x3F95] =	sst lr;
	_ =	strace $0xD0000000  }
0x3: {  	_ = 	snop  }
0x4: {  	_ = 	snop  }
0x5: {  	_ = 	snop  }
0x6: {  	_ = 	snop  }
0x7: {  	_ = 	snop  }
__scs_overlays_trampoline_lowered:
0x8: {  	[smem:$0x3FA4] =	sst s0  }
0x9: {  	[smem:$0x3FA5] =	sst s1  }
0xa: {  	[smem:$0x3FA6] =	sst s2  }
0xb: {  	[smem:$0x3FA7] =	sst s3  }
0xc: {  	[smem:$0x3FA8] =	sst s4  }
0xd: {  	[smem:$0x3FA9] =	sst s5  }
0xe: {  	[smem:$0x3FAA] =	sst s6  }
0xf: {  	[smem:$0x3FAB] =	sst s7  }
0x10: {  	[smem:$0x3FAC] =	sst s8  }
0x11: {  	[smem:$0x3FAD] =	sst s9;
	s0 =	simm.s32 @!p0 $0x0  }
0x12: {  	s1 =	sld [smem:$0x3F93];
	s0 =	simm.s32 @p0 $0x1  }
0x13: {  	[smem:$0x3FAE] =	sst s0;
	s0 =	simm.s32 @!p1 $0x0  }
0x14: {  	s2 =	sld [smem:$0x3F92];
	s0 =	simm.s32 @p1 $0x1  }
0x15: {  	[smem:$0x3FAF] =	sst s0;
	s0 =	simm.s32 @!p2 $0x0  }
0x16: {  	s3 =	sld [smem:$0x3FDB];
	s0 =	simm.s32 @p2 $0x1  }
0x17: {  	s4 =	simm.s32 $0x1BF5;
	[smem:$0x3FB1] =	sst s0  }
0x18: {  	s0 =	sld [smem:$0x3F94];
	_ =	swait.ge [sflag:s4], $0x0  }
0x19: {  	s7 =	sld [smem:$0x3F95]  }
0x1a: {  	s8 =	sadd.s32 $0xFFFFE003, lr  }
0x1b: {  	s9 =	sadd.s32 $0xFFFFFEF7, lr;
	s5 =	simm.s32 $0xFFFFFFFF;
	p2 =	slt.u32 s8, $0xFFFFF086  }
0x1c: {  	p1 =	slt.u32 s9, $0xF7A;
	s5 =	simm.s32 @!p2 $0x0  }
0x1d: {  	s5 =	simm.s32 @p1 $0x1;
	p0 =	seq.s32 s7, s2  }
0x1e: {  	s7 =	smul.u32 @!p0 $0xF7A, s2;
	p2 =	seq.s32 @!p0 s5, $0x0  }
0x1f: {  	s9 =	smul.u32 $0xF7A, s1;
	s8 =	simm.s32 @!p0 $0x1BF5;
	p2 =	por !p2, p0  }
0x20: {  	[sflag:s8] =	ssyncset.s32 @!p0 $0xFFFFF086;
	s6 =	sadd.s32 @!p0 s3, s7;
	s7 =	simm.s32 @!p0 $0x108  }
0x21: {  	s3 =	sadd.s32 s3, s9;
	s6 =	sadd.s32 @!p0 $0x88, s6;
	s7 =	simm.s32 @p2 $0x1082  }
0x22: {  	[simem:s7], [sflag:s8] =	dma.local @!p0 [hbm:s6], $0xF7A  }
0x23: {  	s9 =	sor.u32 $0xD0000000, s2;
	s6 =	simm.s32 $0x108;
	_ =	swait.ge @!p0 [sflag:s8], $0x0  }
0x24: {  	s3 =	sadd.s32 $0x88, s3;
	s6 =	simm.s32 @!p1 $0x1082;
	[sflag:s4] =	ssyncset.s32 $0xFFFFF086  }
0x25: {  	[simem:s6], [sflag:s4] =	dma.local [hbm:s3], $0xF7A  }
0x26: {  	[smem:$0x3F95] =	sst s1;
	(tag) =	ssettag s2;
	_ =	strace s9  }
0x27: {  	s1 =	sld [smem:$0x3FA5]  }
0x28: {  	s2 =	sld [smem:$0x3FA6]  }
0x29: {  	s4 =	sld [smem:$0x3FA8]  }
0x2a: {  	p0 =	seq.s32 s5, $0x0;
	s5 =	sld [smem:$0x3FA9]  }
0x2b: {  	s6 =	sld [smem:$0x3FAA]  }
0x2c: {  	s7 =	sld [smem:$0x3FAB]  }
0x2d: {  	s3 =	simm.s32 $0x108;
	s8 =	sld [smem:$0x3FAC]  }
0x2e: {  	s3 =	simm.s32 @!p0 $0x1082;
	s9 =	sld [smem:$0x3FAD]  }
0x2f: {  	lr =	sadd.s32 s0, s3;
	s0 =	sld [smem:$0x3FA4]  }
0x30: {  	s3 =	sld [smem:$0x3FA7]  }
0x31: {  	[smem:$0x3FB0] =	sst s10  }
0x32: {  	s10 =	sld [smem:$0x3FAE];
	_ =	sdelay $0x3  }
0x33: {  	p0 =	seq.s32 s10, $0x1;
	s10 =	sld [smem:$0x3FB0];
	_ =	sdelay $0x3  }
0x34: {  	[smem:$0x3FB0] =	sst s10  }
0x35: {  	s10 =	sld [smem:$0x3FAF];
	_ =	sdelay $0x3  }
0x36: {  	p1 =	seq.s32 s10, $0x1;
	s10 =	sld [smem:$0x3FB0];
	_ =	sdelay $0x3  }
0x37: {  	[smem:$0x3FB0] =	sst s10  }
0x38: {  	s10 =	sld [smem:$0x3FB1]  }
0x39: {  	_ = 	snop;
	(pc) =	sbr.ind lr, $3  }
0x3a: {  	_ = 	snop  }
0x3b: {  	_ = 	snop  }
0x3c: {  	p2 =	seq.s32 s10, $0x1;
	s10 =	sld [smem:$0x3FB0]  }
0x3d: {  	_ =	shalt  }
0x3e: {  	_ =	shalt  }
0x3f: {  	_ =	shalt  }
0x40: {  	_ =	shalt  }
0x41: {  	_ =	shalt  }
0x42: {  	_ =	shalt  }
0x43: {  	_ =	shalt  }
0x44: {  	_ =	shalt  }
0x45: {  	_ =	shalt  }
0x46: {  	_ =	shalt  }
0x47: {  	_ =	shalt  }
0x48: {  	_ =	shalt  }
0x49: {  	_ =	shalt  }
0x4a: {  	_ =	shalt  }
0x4b: {  	_ =	shalt  }
0x4c: {  	_ =	shalt  }
0x4d: {  	_ =	shalt  }
0x4e: {  	_ =	shalt  }
0x4f: {  	_ =	shalt  }
0x50: {  	_ =	shalt  }
0x51: {  	_ =	shalt  }
0x52: {  	_ =	shalt  }
0x53: {  	_ =	shalt  }
0x54: {  	_ =	shalt  }
0x55: {  	_ =	shalt  }
0x56: {  	_ =	shalt  }
0x57: {  	_ =	shalt  }
0x58: {  	_ =	shalt  }
0x59: {  	_ =	shalt  }
0x5a: {  	_ =	shalt  }
0x5b: {  	_ =	shalt  }
0x5c: {  	_ =	shalt  }
0x5d: {  	_ =	shalt  }
0x5e: {  	_ =	shalt  }
0x5f: {  	_ =	shalt  }
0x60: {  	_ =	shalt  }
0x61: {  	_ =	shalt  }
0x62: {  	_ =	shalt  }
0x63: {  	_ =	shalt  }
0x64: {  	_ =	shalt  }
0x65: {  	_ =	shalt  }
0x66: {  	_ =	shalt  }
0x67: {  	_ =	shalt  }
0x68: {  	_ =	shalt  }
0x69: {  	_ =	shalt  }
0x6a: {  	_ =	shalt  }
0x6b: {  	_ =	shalt  }
0x6c: {  	_ =	shalt  }
0x6d: {  	_ =	shalt  }
0x6e: {  	_ =	shalt  }
0x6f: {  	_ =	shalt  }
0x70: {  	_ =	shalt  }
0x71: {  	_ =	shalt  }
0x72: {  	_ =	shalt  }
0x73: {  	_ =	shalt  }
0x74: {  	_ =	shalt  }
0x75: {  	_ =	shalt  }
0x76: {  	_ =	shalt  }
0x77: {  	_ =	shalt  }
0x78: {  	_ =	shalt  }
0x79: {  	_ =	shalt  }
0x7a: {  	_ =	shalt  }
0x7b: {  	_ =	shalt  }
0x7c: {  	_ =	shalt  }
0x7d: {  	_ =	shalt  }
0x7e: {  	_ =	shalt  }
0x7f: {  	_ =	shalt  }
0x80: {  	_ =	shalt  }
0x81: {  	_ =	shalt  }
0x82: {  	_ =	shalt  }
0x83: {  	_ =	shalt  }
0x84: {  	_ =	shalt  }
0x85: {  	_ =	shalt  }
0x86: {  	_ =	shalt  }
0x87: {  	_ =	shalt  }
.Lfunc_end0:
.L_simem_size_0:
called_computation.2_lowered:
.L_overlay_start_0:
0x88: {  	s2 =	sld [smem:$0x3FD9]  }
0x89: {  	s3 =	sld [smem:$0x3FFE];
	_ =	sdelay $0x1  }
0x8a: {  	s1 =	srdreg.scid  }
0x8b: {  	s0 =	sand.u32 $0x1, s1  }
0x8c: {  	s16 =	sshll.u32 s0, $0xA;
	s2 =	sadd.s32 s3, s2  }
0x8d: {  	s2 =	sadd.s32 s2, s16  }
0x8e: {  	[smem:$0x3FBC] =	sst s2  }
0x8f: {  	_ = 	snop  }
0x90: {  	(tm) =	ssettm $0x1  }
0x91: {  	s17 =	sld [smem:$0x3FFB];
	_ =	sdelay $0x3  }
0x92: {  	_ =	strace s17  }
0x93: {  	s2 =	sld [smem:$0x3FFC];
	_ =	sdelay $0x3  }
0x94: {  	_ =	strace s2  }
0x95: {  	s2 =	sld [smem:$0x3FFD];
	_ =	sdelay $0x3  }
0x96: {  	_ =	strace s2  }
0x97: {  	_ =	strace $0x8FFFFFFF  }
0x98: {  	s18 =	sld [smem:$0x3FDB];
	_ =	sdelay $0x1  }
0x99: {  	s19 =	simm.s32 $_scs_section_size  }
0x9a: {  	s4 =	simm.s32 $_size__tile_overlayer_lowered;
	s5 =	simm.s32 $_tile_overlayer_lowered  }
0x9b: {  	s22 =	simm.s32 $0x1BFF;
	s21 =	sshll.u32 s5, $0x1;
	s2 =	sadd.s32 s19, s18  }
0x9c: {  	s6 =	simm.s32 $0x0;
	s20 =	sshll.u32 s4, $0x1;
	s4 =	sadd.s32 s21, s2  }
0x9d: {  	[timem:s6], [sflag:s22] =	dma.local [hbm:s4], s20  }
0x9e: {  	_ =	swait.ge [sflag:s22], s20  }
0x9f: {  	s3 =	ssub.s32 $0x0, s20;
	[sflag:s22] =	ssyncset.done $0x0  }
0xa0: {  	[sflag:s22] =	ssyncadd.s32 s3;
	_ =	sdelay $0x1  }
0xa1: {  	s23 =	simm.s32 $0x1B8B  }
0xa2: {  	_ =	swait.ge [sflag:s23], $0x1  }
0xa3: {  	[sflag:s23] =	ssyncset.done $0x0  }
0xa4: {  	s25 =	simm.s32 $0x1B8E;
	s24 =	sld [smem:$0x3FFE];
	[sflag:s23] =	ssyncadd.s32 $0xFFFFFFFF  }
0xa5: {  	s26 =	simm.s32 $execute0_lowered;
	[smem:$0x3FD2] =	sst s25  }
0xa6: {  	s4 =	sshll.u32 s26, $0x1;
	_ =	strace $0x8000004C;
	[dreg:$0x1] =	wrdreg $0xFFFFFFFF  }
0xa7: {  	s28 =	simm.s32 $_size_execute0_lowered;
	s2 =	sadd.s32 s2, s4;
	[dreg:$0x0] =	wrdreg $0x0  }
0xa8: {  	s4 =	sshll.u32 s28, $0x1;
	[dreg:$0x2] =	wrdreg s2  }
0xa9: {  	[dreg:$0x3] =	wrdreg s4  }
0xaa: {  	[dreg:$0x4] =	wrdreg $0xC0  }
0xab: {  	_ =	task [dreg:s6], $0x5FFFF  }
0xac: {  	[dreg:$0x1] =	wrdreg $0xFFFFFFFF  }
0xad: {  	[dreg:$0x0] =	wrdreg $0x60  }
0xae: {  	[dreg:$0x2] =	wrdreg s24  }
0xaf: {  	[dreg:$0x3] =	wrdreg $0x84000  }
0xb0: {  	[dreg:$0x4] =	wrdreg $0x9  }
0xb1: {  	_ =	task.clear_ibuf [dreg:s6], $0x5FFFF;
	_ =	strace $0x9000004C  }
0xb2: {  	s29 =	simm.s32 $0x9;
	_ =	strace $0x8000004E  }
0xb3: {  	_ =	swait.ge [sflag:s29], $0x1  }
0xb4: {  	[sflag:s29] =	ssyncadd.s32 $0xFFFFFFFF  }
0xb5: {  	_ =	strace $0x9000004E  }
0xb6: {  	_ =	sfence  }
0xb7: {  	s30 =	sld [smem:$0x0];
	_ =	sdelay $0x2  }
0xb8: {  	s31 =	sshll.u32 s1, $0xD;
	s1 =	sshrl.u32 s1, $0x2  }
0xb9: {  	s3 =	sand.u32 $0x4000, s31;
	s1 =	sadd.s32 s1, s30  }
0xba: {  	s0 =	sor.u32 s3, s0;
	s1 =	sshll.u32 s1, $0x11  }
0xbb: {  	s0 =	sor.u32 s1, s0  }
0xbc: {  	s0 =	sadd.s32 $0x8F2B, s0  }
0xbd: {  	[sflag:s0] =	ssyncadd.remote.s32 $0x1  }
0xbe: {  	_ =	sfence.sel $0xFFFF  }
0xbf: {  	[dreg:$0x0] =	wrdreg $0xFFFFFFFF;
	(pc) =	sbr.abs _section_cstart, $3  }
0xc0: {  	[dreg:$0x1] =	wrdreg $0xFFFFFFFF  }
0xc1: {  	_ =	task.clear_ibuf [dreg:s6], $0x2FFFF;
	_ =	strace $0x9FFFFFFF  }
0xc2: {  	(tm) =	ssettm $0x7FFFFFFF  }
0xc3: {  	_ =	shalt  }
tec
execute0_lowered:
.L_overlay_start_1:
0x0: {  	(tag) =	ssettag $0x1  }
0x1: {  	s5 =	rddreg [dreg:$0x0]  }
0x2: {  	s2 =	rddreg [dreg:$0x1]  }
0x3: {  	s0 =	stileid.u32;
	s4 =	srdreg.scid  }
0x4: {  	s3 =	simm.s32 $0x0;
	s16 =	simm.s32 $0x80;
	s17 =	simm.s32 $0x400  }
0x5: {  	s19 =	simm.s32 $0x4400;
	s20 =	simm.s32 $0x2;
	s21 =	simm.s32 $0x1  }
0x6: {  	s22 =	simm.s32 $0x3;
	s6 =	smul.u32 $0x2800, s0;
	s7 =	sand.u32 $0x1, s4  }
0x7: {  	[smem:$0x7FF] =	sst s3;
	s4 =	sadd.s32 $0x2B600, s5;
	s25 =	smul.u32 $0x50000, s0  }
0x8: {  	s10 =	sadd.s32 $0xCBE00, s5;
	s13 =	smul.u32 $0x50, s0;
	s29 =	sshll.u32 s0, $0x6  }
0x9: {  	s8 =	smul.u32 $0x28000, s7;
	_ =	strace $0x8000004D;
	s24 =	ssub.s32 $0x2, s7  }
0xa: {  	s12 =	sshll.u32 s7, $0x4;
	s7 =	smul.u32 $0x500, s7;
	s9 =	sadd.s32 s6, s5  }
0xb: {  	s26 =	sshrl.u32 s24, $0x1;
	s12 =	sor.u32 s0, s12;
	s6 =	sadd.s32 s6, s8  }
0xc: {  	s14 =	ssub.s32 s24, s26;
	s28 =	smul.u32 $0xA00, s12;
	s1 =	sadd.s32 $0x3600, s9  }
0xd: {  	s30 =	sadd.s32 s13, s7;
	s24 =	simm.s32 $0x0;
	s11 =	sadd.s32 s6, s5  }
0xe: {  	s6 =	sshrl.u32 s25, $0x2;
	[dreg:$0x3] =	wrdreg s1;
	s31 =	sshll.u32 s30, $0x5  }
0xf: {  	s15 =	sadd.s32 s6, s2;
	s6 =	sor.u32 $0x1C04, s29;
	s7 =	sadd.s32 s10, s28  }
0x10: {  	s9 =	sadd.s32 $0x7B600, s11;
	s12 =	sadd.s32 s31, s10;
	s10 =	smax.u32 s14, $0x1  }
0x11: {  	s14 =	simm.s32 $0x4;
	s8 =	sadd.s32 $0x20, s7;
	s11 =	sadd.s32 $0x40, s7  }
0x12: {  	s12 =	sadd.s32 $0x60, s12;
	s13 =	sshrl.u32 s15, $0x3;
	s15 =	simm.s32 $0x100  }
.LBB2_1:
0x13: {  	s0 =	rddreg [dreg:$0x3]  }
0x14: {  	[spmem:s13], [sflag:s6] =	dma.local [hbm:s0], $0x2800  }
0x15: {  	_ =	swait.ge [sflag:s14], $0x2800  }
0x16: {  	[sflag:s14] =	ssyncset.done $0x0  }
0x17: {  	[sflag:s14] =	ssyncadd.s32 $0xFFFFD800  }
0x18: {  	[bflag:$0x0] =	sbarrier.arrive $0xFFFF  }
0x19: {  	[tilespmem:s3], [sflag:$0x1] =	stream.linear.gather [hbm4b:s7+s3], $0x100, $0x38;
	[tilespmem:$0x1C400] =	vst v63  }
0x1a: {  	_ =	swait.ge [sflag:s21], $0x100  }
0x1b: {  	[sflag:s21] =	ssyncset.done $0x0  }
0x1c: {  	[sflag:s21] =	ssyncadd.s32 $0xFFFFFF00  }
0x1d: {  	[tilespmem:s15], [sflag:$0x1] =	stream.linear.gather [hbm4b:s8+s3], $0x100, $0x38;
	[tilespmem:$0x1C400] =	vst v63  }
0x1e: {  	_ = 	snop  }
0x1f: {  	[tilespmem:s17], [sflag:$0x2] =	stream.indirect.gather [hbm4b:s4+s16], $0x80, s3, s16, $0xb8;
	[tilespmem:$0x1C400] =	vst v63  }
0x20: {  	_ =	swait.ge [sflag:s21], $0x100  }
0x21: {  	[sflag:s21] =	ssyncset.done $0x0  }
0x22: {  	s26 =	simm.s32 $0x200;
	[sflag:s21] =	ssyncadd.s32 $0xFFFFFF00  }
0x23: {  	[tilespmem:s26], [sflag:$0x1] =	stream.linear.gather [hbm4b:s11+s3], $0x100, $0x38;
	[tilespmem:$0x1C400] =	vst v63  }
0x24: {  	_ = 	snop  }
0x25: {  	[tilespmem:s19], [sflag:$0x2] =	stream.indirect.gather [hbm4b:s4+s16], $0x80, s15, s16, $0xb8;
	[tilespmem:$0x1C400] =	vst v63  }
0x26: {  	_ =	swait.ge [sflag:s20], $0x4000  }
0x27: {  	[sflag:s20] =	ssyncset.done $0x0  }
0x28: {  	[sflag:s20] =	ssyncadd.s32 $0xFFFFC000  }
0x29: {  	[spmem:s2] =	stream.indirect.scatter.add.f32 [tilespmem:s17], [sflag:$0x3], $0x80, s16, s16, $0xb8;
	[tilespmem:$0x1C400] =	vst v63  }
0x2a: {  	s28 =	simm.s32 $0xC00;
	s29 =	simm.s32 $0x20000;
	_ =	swait.ge [sflag:s21], $0x100  }
0x2b: {  	s25 =	simm.s32 $0x1000;
	s30 =	simm.s32 $0x800;
	[sflag:s21] =	ssyncset.done $0x0  }
0x2c: {  	p0 =	por $0x0, $0x0;
	s29 =	sand.u32 $0x10000, s29;
	[sflag:s21] =	ssyncadd.s32 $0xFFFFFF00  }
0x2d: {  	s30 =	sand.u32 $0xC00, s30;
	s28 =	sand.u32 @!p0 $0xC00, s28;
	_ =	swait.ge [sflag:s22], $0x4000  }
0x2e: {  	s31 =	simm.s32 @!p0 $0x0;
	s28 =	sshrl.u32 @!p0 s28, $0x2;
	[sflag:s22] =	ssyncset.done $0x0  }
0x2f: {  	s29 =	sshrl.u32 s29, $0x2;
	s30 =	sshrl.u32 s30, $0x2;
	[sflag:s22] =	ssyncadd.s32 $0xFFFFC000  }
0x30: {  	[tilespmem:s28], [sflag:$0x1] =	stream.linear.gather @!p0 [hbm4b:s12+s31], $0x100, $0x38;
	[tilespmem:$0x1C400] =	vst v63  }
0x31: {  	s29 =	sor.u32 $0x400, s29;
	s26 =	simm.s32 $0x2;
	s31 =	simm.s32 $0x400  }
0x32: {  	[tilespmem:s29], [sflag:$0x2] =	stream.indirect.gather [hbm4b:s4+s16], $0x80, s30, s16, $0xb8;
	[tilespmem:$0x1C400] =	vst v63  }
0x33: {  	s28 =	sadd.s32 $0x20, s12;
	s31 =	sand.u32 $0xC00, s31;
	s30 =	simm.s32 $0x10000  }
0x34: {  	s29 =	simm.s32 $0x30000;
	s30 =	sand.u32 $0x10000, s30;
	_ =	swait.ge [sflag:s20], $0x4000  }
0x35: {  	s31 =	sshrl.u32 s31, $0x2;
	s30 =	sshrl.u32 s30, $0x2;
	[sflag:s20] =	ssyncset.done $0x0  }
0x36: {  	s31 =	sor.u32 $0x80, s31;
	s30 =	sor.u32 $0x400, s30;
	[sflag:s20] =	ssyncadd.s32 $0xFFFFC000  }
.LBB2_2:
0x37: {  	[spmem:s2] =	stream.indirect.scatter.add.f32 [tilespmem:s30], [sflag:$0x3], $0x80, s31, s16, $0xb8;
	[tilespmem:$0x1C400] =	vst v63  }
0x38: {  	s30 =	smov.u32 s25;
	s31 =	smov.u32 s26;
	s0 =	smov.u32 s28  }
0x39: {  	s25 =	sadd.s32 $0x400, s25;
	s1 =	smov.u32 s29  }
0x3a: {  	s26 =	sadd.s32 $0x1, s26;
	p0 =	sne.s32 s25, $0x14400  }
0x3b: {  	s28 =	sadd.s32 $0x20, s28;
	s29 =	sadd.s32 $0x10000, s29;
	_ =	swait.ge [sflag:s21], $0x100  }
0x3c: {  	s18 =	sadd.s32 $0xFFFF0000, s1;
	s23 =	sadd.s32 $0xFFFFF800, s30;
	[sflag:s21] =	ssyncset.done $0x0  }
0x3d: {  	s1 =	sand.u32 $0x10000, s1;
	s5 =	sadd.s32 $0xFFFFFC00, s30;
	[sflag:s21] =	ssyncadd.s32 $0xFFFFFF00  }
0x3e: {  	p1 =	sgt.u32 s31, $0x4D;
	s5 =	sand.u32 $0xC00, s5;
	_ =	swait.ge [sflag:s22], $0x4000  }
0x3f: {  	s30 =	sand.u32 @!p1 $0xC00, s30;
	s31 =	simm.s32 @!p1 $0x0;
	[sflag:s22] =	ssyncset.done $0x0  }
0x40: {  	s1 =	sshrl.u32 s1, $0x2;
	s30 =	sshrl.u32 @!p1 s30, $0x2;
	[sflag:s22] =	ssyncadd.s32 $0xFFFFC000  }
0x41: {  	[tilespmem:s30], [sflag:$0x1] =	stream.linear.gather @!p1 [hbm4b:s0+s31], $0x100, $0x38;
	[tilespmem:$0x1C400] =	vst v63  }
.Ltmp0:
0x42: {  	s0 =	sor.u32 $0x400, s1;
	s1 =	sshrl.u32 s5, $0x2;
	(pc) =	sbr.rel @p0 .LBB2_2-.Ltmp0, $4  }
0x43: {  	[tilespmem:s0], [sflag:$0x2] =	stream.indirect.gather [hbm4b:s4+s16], $0x80, s1, s16, $0xb8;
	[tilespmem:$0x1C400] =	vst v63  }
0x44: {  	s0 =	sand.u32 $0x10000, s18;
	s1 =	sand.u32 $0xC00, s23;
	_ =	swait.ge [sflag:s20], $0x4000  }
0x45: {  	s0 =	sshrl.u32 s0, $0x2;
	s1 =	sshrl.u32 s1, $0x2;
	[sflag:s20] =	ssyncset.done $0x0  }
0x46: {  	s30 =	sor.u32 $0x400, s0;
	s31 =	sor.u32 $0x80, s1;
	[sflag:s20] =	ssyncadd.s32 $0xFFFFC000  }
0x47: {  	[spmem:s2] =	stream.indirect.scatter.add.f32 [tilespmem:s30], [sflag:$0x3], $0x80, s31, s16, $0xb8;
	[tilespmem:$0x1C400] =	vst v63  }
0x48: {  	_ =	swait.ge [sflag:s20], $0x4000  }
0x49: {  	[sflag:s20] =	ssyncset.done $0x0  }
0x4a: {  	s0 =	simm.s32 $0x380;
	[sflag:s20] =	ssyncadd.s32 $0xFFFFC000  }
0x4b: {  	[spmem:s2] =	stream.indirect.scatter.add.f32 [tilespmem:s19], [sflag:$0x3], $0x80, s0, s16, $0xb8;
	[tilespmem:$0x1C400] =	vst v63  }
0x4c: {  	_ =	swait.ge [sflag:s22], $0x4000  }
0x4d: {  	[sflag:s22] =	ssyncset.done $0x0  }
0x4e: {  	[sflag:s22] =	ssyncadd.s32 $0xFFFFC000  }
0x4f: {  	_ =	swait.ge [sflag:s22], $0x4000  }
0x50: {  	s24 =	sadd.s32 $0x1, s24;
	[sflag:s22] =	ssyncset.done $0x0  }
0x51: {  	p0 =	sne.s32 s24, s10;
	[sflag:s22] =	ssyncadd.s32 $0xFFFFC000  }
.Ltmp1:
0x52: {  	[bflag:$0x0] =	sbarrier.arrive $0xFFFF;
	(pc) =	sbr.rel @p0 .LBB2_1-.Ltmp1, $4  }
0x53: {  	[hbm:s9], [sflag:s6] =	dma.local [spmem:s13], $0x2800  }
0x54: {  	_ =	swait.ge [sflag:s14], $0x2800  }
0x55: {  	[sflag:s14] =	ssyncset.done $0x0  }
0x56: {  	[sflag:s14] =	ssyncadd.s32 $0xFFFFD800  }
0x57: {  	_ =	sfence.sel $0x180000  }
0x58: {  	[bflag:$0x0] =	sbarrier.arrive $0xFFFF  }
0x59: {  	_ =	strace $0x9000004D  }
0x5a: {  	s0 =	stileid.u32;
	[bflag:$0x2] =	sbarrier.arrive $0xFFFF  }
0x5b: {  	p0 =	sne.s32 s0, $0x0;
	s0 =	rddreg [dreg:$0x2]  }
0x5c: {  	s0 =	sadd.s32 @!p0 $0x100000, s0  }
0x5d: {  	[sflag:s0] =	ssyncadd.tile.s32 @!p0 $0x1;
	_ =	shalt  }
.Lfunc_end2:
_tile_overlayer_lowered:
.L_overlay_start_2:
0x5e: {  	(tag) =	ssettag $0x2  }
0x5f: {  	s0 =	rddreg [dreg:$0x0];
	s2 =	stileid.u32  }
0x60: {  	s1 =	rddreg [dreg:$0x1];
	p0 =	sne.s32 s2, $0x0  }
0x61: {  	s3 =	rddreg [dreg:$0x2];
	[bflag:$0x3] =	sbarrier.arrive $0xFFFF;
	s2 =	simm.s32 @!p0 $0x1C04  }
0x62: {  	[timem:s3], [sflag:s2] =	dma.local @!p0 [hbm:s0], s1  }
0x63: {  	s0 =	simm.s32 @!p0 $0x4  }
0x64: {  	_ =	swait.ge @!p0 [sflag:s0], s1  }
0x65: {  	s1 =	ssub.s32 @!p0 $0x0, s1;
	[sflag:s0] =	ssyncset.done @!p0 $0x0  }
0x66: {  	[sflag:s0] =	ssyncadd.s32 @!p0 s1  }
0x67: {  	[bflag:$0x3] =	sbarrier.arrive $0xFFFF  }
0x68: {  	_ =	shalt  }

// kernel: kernel.19.cloned.1.call-start
scs
__scs_entry_jumppad:
0x0: {  	(pc) =	sbr.rel $0x88, $3  }
0x1: {  	(tag) =	ssettag $0x0;
	lr =	simm.s32 $0x1  }
0x2: {  	[smem:$0x3F95] =	sst lr;
	_ =	strace $0xD0000000  }
0x3: {  	_ = 	snop  }
0x4: {  	_ = 	snop  }
0x5: {  	_ = 	snop  }
0x6: {  	_ = 	snop  }
0x7: {  	_ = 	snop  }
__scs_overlays_trampoline_lowered:
0x8: {  	[smem:$0x3FA4] =	sst s0  }
0x9: {  	[smem:$0x3FA5] =	sst s1  }
0xa: {  	[smem:$0x3FA6] =	sst s2  }
0xb: {  	[smem:$0x3FA7] =	sst s3  }
0xc: {  	[smem:$0x3FA8] =	sst s4  }
0xd: {  	[smem:$0x3FA9] =	sst s5  }
0xe: {  	[smem:$0x3FAA] =	sst s6  }
0xf: {  	[smem:$0x3FAB] =	sst s7  }
0x10: {  	[smem:$0x3FAC] =	sst s8  }
0x11: {  	[smem:$0x3FAD] =	sst s9;
	s0 =	simm.s32 @!p0 $0x0  }
0x12: {  	s1 =	sld [smem:$0x3F93];
	s0 =	simm.s32 @p0 $0x1  }
0x13: {  	[smem:$0x3FAE] =	sst s0;
	s0 =	simm.s32 @!p1 $0x0  }
0x14: {  	s2 =	sld [smem:$0x3F92];
	s0 =	simm.s32 @p1 $0x1  }
0x15: {  	[smem:$0x3FAF] =	sst s0;
	s0 =	simm.s32 @!p2 $0x0  }
0x16: {  	s3 =	sld [smem:$0x3FDB];
	s0 =	simm.s32 @p2 $0x1  }
0x17: {  	s4 =	simm.s32 $0x1BF5;
	[smem:$0x3FB1] =	sst s0  }
0x18: {  	s0 =	sld [smem:$0x3F94];
	_ =	swait.ge [sflag:s4], $0x0  }
0x19: {  	s7 =	sld [smem:$0x3F95]  }
0x1a: {  	s8 =	sadd.s32 $0xFFFFE003, lr  }
0x1b: {  	s9 =	sadd.s32 $0xFFFFFEF7, lr;
	s5 =	simm.s32 $0xFFFFFFFF;
	p2 =	slt.u32 s8, $0xFFFFF086  }
0x1c: {  	p1 =	slt.u32 s9, $0xF7A;
	s5 =	simm.s32 @!p2 $0x0  }
0x1d: {  	s5 =	simm.s32 @p1 $0x1;
	p0 =	seq.s32 s7, s2  }
0x1e: {  	s7 =	smul.u32 @!p0 $0xF7A, s2;
	p2 =	seq.s32 @!p0 s5, $0x0  }
0x1f: {  	s9 =	smul.u32 $0xF7A, s1;
	s8 =	simm.s32 @!p0 $0x1BF5;
	p2 =	por !p2, p0  }
0x20: {  	[sflag:s8] =	ssyncset.s32 @!p0 $0xFFFFF086;
	s6 =	sadd.s32 @!p0 s3, s7;
	s7 =	simm.s32 @!p0 $0x108  }
0x21: {  	s3 =	sadd.s32 s3, s9;
	s6 =	sadd.s32 @!p0 $0x88, s6;
	s7 =	simm.s32 @p2 $0x1082  }
0x22: {  	[simem:s7], [sflag:s8] =	dma.local @!p0 [hbm:s6], $0xF7A  }
0x23: {  	s9 =	sor.u32 $0xD0000000, s2;
	s6 =	simm.s32 $0x108;
	_ =	swait.ge @!p0 [sflag:s8], $0x0  }
0x24: {  	s3 =	sadd.s32 $0x88, s3;
	s6 =	simm.s32 @!p1 $0x1082;
	[sflag:s4] =	ssyncset.s32 $0xFFFFF086  }
0x25: {  	[simem:s6], [sflag:s4] =	dma.local [hbm:s3], $0xF7A  }
0x26: {  	[smem:$0x3F95] =	sst s1;
	(tag) =	ssettag s2;
	_ =	strace s9  }
0x27: {  	s1 =	sld [smem:$0x3FA5]  }
0x28: {  	s2 =	sld [smem:$0x3FA6]  }
0x29: {  	s4 =	sld [smem:$0x3FA8]  }
0x2a: {  	p0 =	seq.s32 s5, $0x0;
	s5 =	sld [smem:$0x3FA9]  }
0x2b: {  	s6 =	sld [smem:$0x3FAA]  }
0x2c: {  	s7 =	sld [smem:$0x3FAB]  }
0x2d: {  	s3 =	simm.s32 $0x108;
	s8 =	sld [smem:$0x3FAC]  }
0x2e: {  	s3 =	simm.s32 @!p0 $0x1082;
	s9 =	sld [smem:$0x3FAD]  }
0x2f: {  	lr =	sadd.s32 s0, s3;
	s0 =	sld [smem:$0x3FA4]  }
0x30: {  	s3 =	sld [smem:$0x3FA7]  }
0x31: {  	[smem:$0x3FB0] =	sst s10  }
0x32: {  	s10 =	sld [smem:$0x3FAE];
	_ =	sdelay $0x3  }
0x33: {  	p0 =	seq.s32 s10, $0x1;
	s10 =	sld [smem:$0x3FB0];
	_ =	sdelay $0x3  }
0x34: {  	[smem:$0x3FB0] =	sst s10  }
0x35: {  	s10 =	sld [smem:$0x3FAF];
	_ =	sdelay $0x3  }
0x36: {  	p1 =	seq.s32 s10, $0x1;
	s10 =	sld [smem:$0x3FB0];
	_ =	sdelay $0x3  }
0x37: {  	[smem:$0x3FB0] =	sst s10  }
0x38: {  	s10 =	sld [smem:$0x3FB1]  }
0x39: {  	_ = 	snop;
	(pc) =	sbr.ind lr, $3  }
0x3a: {  	_ = 	snop  }
0x3b: {  	_ = 	snop  }
0x3c: {  	p2 =	seq.s32 s10, $0x1;
	s10 =	sld [smem:$0x3FB0]  }
0x3d: {  	_ =	shalt  }
0x3e: {  	_ =	shalt  }
0x3f: {  	_ =	shalt  }
0x40: {  	_ =	shalt  }
0x41: {  	_ =	shalt  }
0x42: {  	_ =	shalt  }
0x43: {  	_ =	shalt  }
0x44: {  	_ =	shalt  }
0x45: {  	_ =	shalt  }
0x46: {  	_ =	shalt  }
0x47: {  	_ =	shalt  }
0x48: {  	_ =	shalt  }
0x49: {  	_ =	shalt  }
0x4a: {  	_ =	shalt  }
0x4b: {  	_ =	shalt  }
0x4c: {  	_ =	shalt  }
0x4d: {  	_ =	shalt  }
0x4e: {  	_ =	shalt  }
0x4f: {  	_ =	shalt  }
0x50: {  	_ =	shalt  }
0x51: {  	_ =	shalt  }
0x52: {  	_ =	shalt  }
0x53: {  	_ =	shalt  }
0x54: {  	_ =	shalt  }
0x55: {  	_ =	shalt  }
0x56: {  	_ =	shalt  }
0x57: {  	_ =	shalt  }
0x58: {  	_ =	shalt  }
0x59: {  	_ =	shalt  }
0x5a: {  	_ =	shalt  }
0x5b: {  	_ =	shalt  }
0x5c: {  	_ =	shalt  }
0x5d: {  	_ =	shalt  }
0x5e: {  	_ =	shalt  }
0x5f: {  	_ =	shalt  }
0x60: {  	_ =	shalt  }
0x61: {  	_ =	shalt  }
0x62: {  	_ =	shalt  }
0x63: {  	_ =	shalt  }
0x64: {  	_ =	shalt  }
0x65: {  	_ =	shalt  }
0x66: {  	_ =	shalt  }
0x67: {  	_ =	shalt  }
0x68: {  	_ =	shalt  }
0x69: {  	_ =	shalt  }
0x6a: {  	_ =	shalt  }
0x6b: {  	_ =	shalt  }
0x6c: {  	_ =	shalt  }
0x6d: {  	_ =	shalt  }
0x6e: {  	_ =	shalt  }
0x6f: {  	_ =	shalt  }
0x70: {  	_ =	shalt  }
0x71: {  	_ =	shalt  }
0x72: {  	_ =	shalt  }
0x73: {  	_ =	shalt  }
0x74: {  	_ =	shalt  }
0x75: {  	_ =	shalt  }
0x76: {  	_ =	shalt  }
0x77: {  	_ =	shalt  }
0x78: {  	_ =	shalt  }
0x79: {  	_ =	shalt  }
0x7a: {  	_ =	shalt  }
0x7b: {  	_ =	shalt  }
0x7c: {  	_ =	shalt  }
0x7d: {  	_ =	shalt  }
0x7e: {  	_ =	shalt  }
0x7f: {  	_ =	shalt  }
0x80: {  	_ =	shalt  }
0x81: {  	_ =	shalt  }
0x82: {  	_ =	shalt  }
0x83: {  	_ =	shalt  }
0x84: {  	_ =	shalt  }
0x85: {  	_ =	shalt  }
0x86: {  	_ =	shalt  }
0x87: {  	_ =	shalt  }
.Lfunc_end0:
.L_simem_size_0:
called_computation.3_lowered:
.L_overlay_start_0:
0x88: {  	s2 =	sld [smem:$0x3FD9]  }
0x89: {  	s3 =	sld [smem:$0x3FFE];
	_ =	sdelay $0x1  }
0x8a: {  	s1 =	srdreg.scid  }
0x8b: {  	s0 =	sand.u32 $0x1, s1  }
0x8c: {  	s17 =	sshll.u32 s0, $0xA;
	s2 =	sadd.s32 s3, s2  }
0x8d: {  	s2 =	sadd.s32 s2, s17  }
0x8e: {  	[smem:$0x3FBC] =	sst s2  }
0x8f: {  	_ = 	snop  }
0x90: {  	s2 =	sld [smem:$0x3FD0];
	(tm) =	ssettm $0x1  }
0x91: {  	s18 =	sld [smem:$0x3FFB];
	_ =	sdelay $0x3  }
0x92: {  	_ =	strace s18  }
0x93: {  	s3 =	sld [smem:$0x3FFC];
	_ =	sdelay $0x3  }
0x94: {  	_ =	strace s3  }
0x95: {  	s3 =	sld [smem:$0x3FFD];
	_ =	sdelay $0x3  }
0x96: {  	_ =	strace s3  }
0x97: {  	_ =	strace $0x8FFFFFFF  }
0x98: {  	s19 =	sld [smem:$0x3FDB];
	_ =	sdelay $0x1  }
0x99: {  	s4 =	simm.s32 $_scs_section_size  }
0x9a: {  	s5 =	simm.s32 $_size__tile_overlayer_lowered;
	s6 =	simm.s32 $_tile_overlayer_lowered  }
0x9b: {  	s22 =	simm.s32 $0x1BFF;
	s21 =	sshll.u32 s6, $0x1;
	s3 =	sadd.s32 s4, s19  }
0x9c: {  	s7 =	simm.s32 $0x0;
	s20 =	sshll.u32 s5, $0x1;
	s5 =	sadd.s32 s21, s3  }
0x9d: {  	[timem:s7], [sflag:s22] =	dma.local [hbm:s5], s20  }
0x9e: {  	_ =	swait.ge [sflag:s22], s20  }
0x9f: {  	s4 =	ssub.s32 $0x0, s20;
	[sflag:s22] =	ssyncset.done $0x0  }
0xa0: {  	[sflag:s22] =	ssyncadd.s32 s4;
	_ =	sdelay $0x1  }
0xa1: {  	s23 =	simm.s32 $0x1B8B  }
0xa2: {  	_ =	swait.ge [sflag:s23], $0x1  }
0xa3: {  	[sflag:s23] =	ssyncset.done $0x0  }
0xa4: {  	s25 =	simm.s32 $0x1B8E;
	s24 =	sld [smem:$0x3FFE];
	[sflag:s23] =	ssyncadd.s32 $0xFFFFFFFF  }
0xa5: {  	s26 =	simm.s32 $execute0_lowered;
	[smem:$0x3FD2] =	sst s25  }
0xa6: {  	s5 =	sshll.u32 s26, $0x1;
	_ =	strace $0x8000004F;
	[dreg:$0x1] =	wrdreg $0xFFFFFFFF  }
0xa7: {  	s28 =	simm.s32 $_size_execute0_lowered;
	s3 =	sadd.s32 s3, s5;
	[dreg:$0x0] =	wrdreg $0x0  }
0xa8: {  	s5 =	sshll.u32 s28, $0x1;
	[dreg:$0x2] =	wrdreg s3  }
0xa9: {  	[dreg:$0x3] =	wrdreg s5  }
0xaa: {  	[dreg:$0x4] =	wrdreg $0xC0  }
0xab: {  	_ =	task [dreg:s7], $0x5FFFF  }
0xac: {  	[dreg:$0x1] =	wrdreg $0xFFFFFFFF  }
0xad: {  	[dreg:$0x0] =	wrdreg $0x60  }
0xae: {  	[dreg:$0x2] =	wrdreg s24  }
0xaf: {  	[dreg:$0x3] =	wrdreg s2  }
0xb0: {  	[dreg:$0x4] =	wrdreg $0x84000  }
0xb1: {  	[dreg:$0x5] =	wrdreg $0x9  }
0xb2: {  	_ =	task.clear_ibuf [dreg:s7], $0x6FFFF;
	_ =	strace $0x9000004F  }
0xb3: {  	s29 =	simm.s32 $0x9;
	_ =	strace $0x80000051  }
0xb4: {  	_ =	swait.ge [sflag:s29], $0x1  }
0xb5: {  	[sflag:s29] =	ssyncadd.s32 $0xFFFFFFFF  }
0xb6: {  	_ =	strace $0x90000051  }
0xb7: {  	_ =	sfence  }
0xb8: {  	s30 =	sld [smem:$0x0];
	_ =	sdelay $0x2  }
0xb9: {  	s31 =	sshll.u32 s1, $0xD;
	s1 =	sshrl.u32 s1, $0x2  }
0xba: {  	s3 =	sand.u32 $0x4000, s31;
	s1 =	sadd.s32 s1, s30  }
0xbb: {  	s0 =	sor.u32 s3, s0;
	s1 =	sshll.u32 s1, $0x11  }
0xbc: {  	s0 =	sor.u32 s1, s0  }
0xbd: {  	s0 =	sadd.s32 $0x8F2B, s0  }
0xbe: {  	[sflag:s0] =	ssyncadd.remote.s32 $0x1  }
0xbf: {  	_ =	sfence.sel $0xFFFF  }
0xc0: {  	[dreg:$0x0] =	wrdreg $0xFFFFFFFF;
	(pc) =	sbr.abs _section_cstart, $3  }
0xc1: {  	[dreg:$0x1] =	wrdreg $0xFFFFFFFF  }
0xc2: {  	_ =	task.clear_ibuf [dreg:s7], $0x2FFFF;
	_ =	strace $0x9FFFFFFF  }
0xc3: {  	(tm) =	ssettm $0x7FFFFFFF  }
tec
execute0_lowered:
.L_overlay_start_1:
0x0: {  	(tag) =	ssettag $0x1  }
0x1: {  	s5 =	rddreg [dreg:$0x0]  }
0x2: {  	s10 =	rddreg [dreg:$0x1]  }
0x3: {  	s2 =	rddreg [dreg:$0x2];
	s0 =	stileid.u32  }
0x4: {  	s4 =	srdreg.scid;
	s3 =	simm.s32 $0x0;
	s16 =	simm.s32 $0x80  }
0x5: {  	s17 =	simm.s32 $0x400;
	s19 =	simm.s32 $0x4400;
	s20 =	simm.s32 $0x2  }
0x6: {  	s21 =	simm.s32 $0x1;
	s22 =	simm.s32 $0x3;
	s6 =	smul.u32 $0x2800, s0  }
0x7: {  	s7 =	sand.u32 $0x1, s4;
	[smem:$0x7FF] =	sst s3;
	s25 =	smul.u32 $0x50000, s0  }
0x8: {  	s4 =	sadd.s32 $0x2B600, s5;
	s13 =	smul.u32 $0x28, s0;
	s29 =	sshll.u32 s0, $0x6  }
0x9: {  	s8 =	smul.u32 $0x28000, s7;
	_ =	strace $0x80000050;
	s24 =	ssub.s32 $0x2, s7  }
0xa: {  	s12 =	sshll.u32 s7, $0x4;
	s7 =	smul.u32 $0x280, s7;
	s9 =	sadd.s32 s6, s5  }
0xb: {  	s26 =	sshrl.u32 s24, $0x1;
	s12 =	sor.u32 s0, s12;
	s6 =	sadd.s32 s6, s8  }
0xc: {  	s14 =	ssub.s32 s24, s26;
	s28 =	smul.u32 $0x500, s12;
	s1 =	sadd.s32 $0x3600, s9  }
0xd: {  	s30 =	sadd.s32 s13, s7;
	s24 =	simm.s32 $0x0;
	s11 =	sadd.s32 s6, s5  }
0xe: {  	s6 =	sshrl.u32 s25, $0x2;
	[dreg:$0x4] =	wrdreg s1;
	s31 =	sshll.u32 s30, $0x5  }
0xf: {  	s15 =	sadd.s32 s6, s2;
	s6 =	sor.u32 $0x1C04, s29;
	s7 =	sadd.s32 s10, s28  }
0x10: {  	s9 =	sadd.s32 $0x7B600, s11;
	s12 =	sadd.s32 s31, s10;
	s10 =	smax.u32 s14, $0x1  }
0x11: {  	s14 =	simm.s32 $0x4;
	s8 =	sadd.s32 $0x20, s7;
	s11 =	sadd.s32 $0x40, s7  }
0x12: {  	s12 =	sadd.s32 $0x60, s12;
	s13 =	sshrl.u32 s15, $0x3;
	s15 =	simm.s32 $0x100  }
.LBB2_1:
0x13: {  	s0 =	rddreg [dreg:$0x4]  }
0x14: {  	[spmem:s13], [sflag:s6] =	dma.local [hbm:s0], $0x2800  }
0x15: {  	_ =	swait.ge [sflag:s14], $0x2800  }
0x16: {  	[sflag:s14] =	ssyncset.done $0x0  }
0x17: {  	[sflag:s14] =	ssyncadd.s32 $0xFFFFD800  }
0x18: {  	[bflag:$0x0] =	sbarrier.arrive $0xFFFF  }
0x19: {  	[tilespmem:s3], [sflag:$0x1] =	stream.linear.gather [hbm4b:s7+s3], $0x100, $0x38;
	[tilespmem:$0x1C400] =	vst v63  }
0x1a: {  	_ =	swait.ge [sflag:s21], $0x100  }
0x1b: {  	[sflag:s21] =	ssyncset.done $0x0  }
0x1c: {  	[sflag:s21] =	ssyncadd.s32 $0xFFFFFF00  }
0x1d: {  	[tilespmem:s15], [sflag:$0x1] =	stream.linear.gather [hbm4b:s8+s3], $0x100, $0x38;
	[tilespmem:$0x1C400] =	vst v63  }
0x1e: {  	_ = 	snop  }
0x1f: {  	[tilespmem:s17], [sflag:$0x2] =	stream.indirect.gather [hbm4b:s4+s16], $0x80, s3, s16, $0xb8;
	[tilespmem:$0x1C400] =	vst v63  }
0x20: {  	_ =	swait.ge [sflag:s21], $0x100  }
0x21: {  	[sflag:s21] =	ssyncset.done $0x0  }
0x22: {  	s26 =	simm.s32 $0x200;
	[sflag:s21] =	ssyncadd.s32 $0xFFFFFF00  }
0x23: {  	[tilespmem:s26], [sflag:$0x1] =	stream.linear.gather [hbm4b:s11+s3], $0x100, $0x38;
	[tilespmem:$0x1C400] =	vst v63  }
0x24: {  	_ = 	snop  }
0x25: {  	[tilespmem:s19], [sflag:$0x2] =	stream.indirect.gather [hbm4b:s4+s16], $0x80, s15, s16, $0xb8;
	[tilespmem:$0x1C400] =	vst v63  }
0x26: {  	_ =	swait.ge [sflag:s20], $0x4000  }
0x27: {  	[sflag:s20] =	ssyncset.done $0x0  }
0x28: {  	[sflag:s20] =	ssyncadd.s32 $0xFFFFC000  }
0x29: {  	[spmem:s2] =	stream.indirect.scatter.add.f32 [tilespmem:s17], [sflag:$0x3], $0x80, s16, s16, $0xb8;
	[tilespmem:$0x1C400] =	vst v63  }
0x2a: {  	s28 =	simm.s32 $0xC00;
	s29 =	simm.s32 $0x20000;
	_ =	swait.ge [sflag:s21], $0x100  }
0x2b: {  	s25 =	simm.s32 $0x1000;
	s30 =	simm.s32 $0x800;
	[sflag:s21] =	ssyncset.done $0x0  }
0x2c: {  	p0 =	por $0x0, $0x0;
	s29 =	sand.u32 $0x10000, s29;
	[sflag:s21] =	ssyncadd.s32 $0xFFFFFF00  }
0x2d: {  	s30 =	sand.u32 $0xC00, s30;
	s28 =	sand.u32 @!p0 $0xC00, s28;
	_ =	swait.ge [sflag:s22], $0x4000  }
0x2e: {  	s31 =	simm.s32 @!p0 $0x0;
	s28 =	sshrl.u32 @!p0 s28, $0x2;
	[sflag:s22] =	ssyncset.done $0x0  }
0x2f: {  	s29 =	sshrl.u32 s29, $0x2;
	s30 =	sshrl.u32 s30, $0x2;
	[sflag:s22] =	ssyncadd.s32 $0xFFFFC000  }
0x30: {  	[tilespmem:s28], [sflag:$0x1] =	stream.linear.gather @!p0 [hbm4b:s12+s31], $0x100, $0x38;
	[tilespmem:$0x1C400] =	vst v63  }
0x31: {  	s29 =	sor.u32 $0x400, s29;
	s26 =	simm.s32 $0x2;
	s31 =	simm.s32 $0x400  }
0x32: {  	[tilespmem:s29], [sflag:$0x2] =	stream.indirect.gather [hbm4b:s4+s16], $0x80, s30, s16, $0xb8;
	[tilespmem:$0x1C400] =	vst v63  }
0x33: {  	s28 =	sadd.s32 $0x20, s12;
	s31 =	sand.u32 $0xC00, s31;
	s30 =	simm.s32 $0x10000  }
0x34: {  	s29 =	simm.s32 $0x30000;
	s30 =	sand.u32 $0x10000, s30;
	_ =	swait.ge [sflag:s20], $0x4000  }
0x35: {  	s31 =	sshrl.u32 s31, $0x2;
	s30 =	sshrl.u32 s30, $0x2;
	[sflag:s20] =	ssyncset.done $0x0  }
0x36: {  	s31 =	sor.u32 $0x80, s31;
	s30 =	sor.u32 $0x400, s30;
	[sflag:s20] =	ssyncadd.s32 $0xFFFFC000  }
.LBB2_2:
0x37: {  	[spmem:s2] =	stream.indirect.scatter.add.f32 [tilespmem:s30], [sflag:$0x3], $0x80, s31, s16, $0xb8;
	[tilespmem:$0x1C400] =	vst v63  }
0x38: {  	s30 =	smov.u32 s25;
	s31 =	smov.u32 s26;
	s0 =	smov.u32 s28  }
0x39: {  	s25 =	sadd.s32 $0x400, s25;
	s1 =	smov.u32 s29  }
0x3a: {  	s26 =	sadd.s32 $0x1, s26;
	p0 =	sne.s32 s25, $0xA400  }
0x3b: {  	s28 =	sadd.s32 $0x20, s28;
	s29 =	sadd.s32 $0x10000, s29;
	_ =	swait.ge [sflag:s21], $0x100  }
0x3c: {  	s18 =	sadd.s32 $0xFFFF0000, s1;
	s23 =	sadd.s32 $0xFFFFF800, s30;
	[sflag:s21] =	ssyncset.done $0x0  }
0x3d: {  	s1 =	sand.u32 $0x10000, s1;
	s5 =	sadd.s32 $0xFFFFFC00, s30;
	[sflag:s21] =	ssyncadd.s32 $0xFFFFFF00  }
0x3e: {  	p1 =	sgt.u32 s31, $0x25;
	s5 =	sand.u32 $0xC00, s5;
	_ =	swait.ge [sflag:s22], $0x4000  }
0x3f: {  	s30 =	sand.u32 @!p1 $0xC00, s30;
	s31 =	simm.s32 @!p1 $0x0;
	[sflag:s22] =	ssyncset.done $0x0  }
0x40: {  	s1 =	sshrl.u32 s1, $0x2;
	s30 =	sshrl.u32 @!p1 s30, $0x2;
	[sflag:s22] =	ssyncadd.s32 $0xFFFFC000  }
0x41: {  	[tilespmem:s30], [sflag:$0x1] =	stream.linear.gather @!p1 [hbm4b:s0+s31], $0x100, $0x38;
	[tilespmem:$0x1C400] =	vst v63  }
.Ltmp0:
0x42: {  	s0 =	sor.u32 $0x400, s1;
	s1 =	sshrl.u32 s5, $0x2;
	(pc) =	sbr.rel @p0 .LBB2_2-.Ltmp0, $4  }
0x43: {  	[tilespmem:s0], [sflag:$0x2] =	stream.indirect.gather [hbm4b:s4+s16], $0x80, s1, s16, $0xb8;
	[tilespmem:$0x1C400] =	vst v63  }
0x44: {  	s0 =	sand.u32 $0x10000, s18;
	s1 =	sand.u32 $0xC00, s23;
	_ =	swait.ge [sflag:s20], $0x4000  }
0x45: {  	s0 =	sshrl.u32 s0, $0x2;
	s1 =	sshrl.u32 s1, $0x2;
	[sflag:s20] =	ssyncset.done $0x0  }
0x46: {  	s30 =	sor.u32 $0x400, s0;
	s31 =	sor.u32 $0x80, s1;
	[sflag:s20] =	ssyncadd.s32 $0xFFFFC000  }
0x47: {  	[spmem:s2] =	stream.indirect.scatter.add.f32 [tilespmem:s30], [sflag:$0x3], $0x80, s31, s16, $0xb8;
	[tilespmem:$0x1C400] =	vst v63  }
0x48: {  	_ =	swait.ge [sflag:s20], $0x4000  }
0x49: {  	[sflag:s20] =	ssyncset.done $0x0  }
0x4a: {  	s0 =	simm.s32 $0x380;
	[sflag:s20] =	ssyncadd.s32 $0xFFFFC000  }
0x4b: {  	[spmem:s2] =	stream.indirect.scatter.add.f32 [tilespmem:s19], [sflag:$0x3], $0x80, s0, s16, $0xb8;
	[tilespmem:$0x1C400] =	vst v63  }
0x4c: {  	_ =	swait.ge [sflag:s22], $0x4000  }
0x4d: {  	[sflag:s22] =	ssyncset.done $0x0  }
0x4e: {  	[sflag:s22] =	ssyncadd.s32 $0xFFFFC000  }
0x4f: {  	_ =	swait.ge [sflag:s22], $0x4000  }
0x50: {  	s24 =	sadd.s32 $0x1, s24;
	[sflag:s22] =	ssyncset.done $0x0  }
0x51: {  	p0 =	sne.s32 s24, s10;
	[sflag:s22] =	ssyncadd.s32 $0xFFFFC000  }
.Ltmp1:
0x52: {  	[bflag:$0x0] =	sbarrier.arrive $0xFFFF;
	(pc) =	sbr.rel @p0 .LBB2_1-.Ltmp1, $4  }
0x53: {  	[hbm:s9], [sflag:s6] =	dma.local [spmem:s13], $0x2800  }
0x54: {  	_ =	swait.ge [sflag:s14], $0x2800  }
0x55: {  	[sflag:s14] =	ssyncset.done $0x0  }
0x56: {  	[sflag:s14] =	ssyncadd.s32 $0xFFFFD800  }
0x57: {  	_ =	sfence.sel $0x180000  }
0x58: {  	[bflag:$0x0] =	sbarrier.arrive $0xFFFF  }
0x59: {  	_ =	strace $0x90000050  }
0x5a: {  	s0 =	stileid.u32;
	[bflag:$0x2] =	sbarrier.arrive $0xFFFF  }
0x5b: {  	p0 =	sne.s32 s0, $0x0;
	s0 =	rddreg [dreg:$0x3]  }
0x5c: {  	s0 =	sadd.s32 @!p0 $0x100000, s0  }
0x5d: {  	[sflag:s0] =	ssyncadd.tile.s32 @!p0 $0x1;
	_ =	shalt  }
.Lfunc_end2:
_tile_overlayer_lowered:
.L_overlay_start_2:
0x5e: {  	(tag) =	ssettag $0x2  }
0x5f: {  	s0 =	rddreg [dreg:$0x0];
	s2 =	stileid.u32  }
0x60: {  	s1 =	rddreg [dreg:$0x1];
	p0 =	sne.s32 s2, $0x0  }
0x61: {  	s3 =	rddreg [dreg:$0x2];
	[bflag:$0x3] =	sbarrier.arrive $0xFFFF;
	s2 =	simm.s32 @!p0 $0x1C04  }
0x62: {  	[timem:s3], [sflag:s2] =	dma.local @!p0 [hbm:s0], s1  }
0x63: {  	s0 =	simm.s32 @!p0 $0x4  }
0x64: {  	_ =	swait.ge @!p0 [sflag:s0], s1  }
0x65: {  	s1 =	ssub.s32 @!p0 $0x0, s1;
	[sflag:s0] =	ssyncset.done @!p0 $0x0  }
0x66: {  	[sflag:s0] =	ssyncadd.s32 @!p0 s1  }
0x67: {  	[bflag:$0x3] =	sbarrier.arrive $0xFFFF  }
0x68: {  	_ =	shalt  }

</sc_bundles>
